<compile_context>
chip_gen: v7x
topology: tpu7x:2x2x1
jax: 0.10.2.dev20260603
libtpu: 0.0.44.dev20260713+nightly
codegen_flags: <defaults>
</compile_context>

<pallas_src>
import functools

import jax
import jax.numpy as jnp
from jax import lax
from jax.experimental import pallas as pl
from jax.experimental.pallas import tpu as pltpu
from jax.experimental.pallas import tpu_sc as plsc

NC = 2
NS = 16
LANES = 16
RPC = 2
NBUF = 4


def _sc_body(n_ch, l, d, b_per_w,
             ids_hbm, w_hbm, out_hbm, ids_v, rows_v, obuf, sem_g, sem_o):
    c = lax.axis_index("c")
    s = lax.axis_index("s")
    wid = c * NS + s
    ch = RPC * l
    nsub = d // LANES

    pltpu.sync_copy(ids_hbm.at[wid], ids_v)

    for p in range(NBUF - 1):
        pltpu.async_copy(w_hbm.at[ids_v.at[p]], rows_v.at[p], sem_g)

    def _step(j, carry):
        buf = lax.rem(j, NBUF)
        pltpu.make_async_copy(w_hbm.at[ids_v.at[j]], rows_v.at[buf],
                              sem_g).wait()

        @pl.when(j + NBUF - 1 < n_ch)
        def _():
            nxt = lax.rem(j + NBUF - 1, NBUF)
            pltpu.async_copy(w_hbm.at[ids_v.at[j + NBUF - 1]], rows_v.at[nxt],
                             sem_g)

        for r in range(RPC):
            accs = [rows_v[buf, r * l, pl.ds(ci * LANES, LANES)]
                    for ci in range(nsub)]
            for k in range(1, l):
                for ci in range(nsub):
                    accs[ci] = accs[ci] + rows_v[buf, r * l + k,
                                                 pl.ds(ci * LANES, LANES)]
            for ci in range(nsub):
                obuf[RPC * j + r, pl.ds(ci * LANES, LANES)] = accs[ci]
        return carry

    lax.fori_loop(0, n_ch, _step, 0)
    pltpu.sync_copy(obuf, out_hbm.at[pl.ds(wid * b_per_w, b_per_w)])


def kernel(ids, W):
    b, l = ids.shape
    v, d = W.shape
    nw = NC * NS
    per_w = (b * l) // nw
    ch = RPC * l
    n_ch = per_w // ch
    b_per_w = b // nw

    ids_r = ids.reshape(nw, n_ch, ch)

    mesh = plsc.VectorSubcoreMesh(core_axis_name="c", subcore_axis_name="s",
                                  num_cores=NC, num_subcores=NS)
    run = pl.kernel(
        functools.partial(_sc_body, n_ch, l, d, b_per_w),
        out_type=jax.ShapeDtypeStruct((b, d), jnp.float32),
        mesh=mesh,
        compiler_params=pltpu.CompilerParams(use_tc_tiling_on_sc=False),
        scratch_types=[
            pltpu.VMEM((n_ch, ch), jnp.int32),
            pltpu.VMEM((NBUF, ch, d), jnp.float32),
            pltpu.VMEM((b_per_w, d), jnp.float32),
            pltpu.SemaphoreType.DMA,
            pltpu.SemaphoreType.DMA,
        ],
    )
    return run(ids_r, W)

# --- scband reference (transcript-rebuilt; emitter-appended) ---
"""Pipeline reference for scband-dense-2748779070167 (READ-ONLY COPY).

The authoritative reference and input builder live on the scoring server;
editing this copy changes nothing except your own understanding.
"""

import jax, jax.numpy as jnp
import numpy as np

VOCAB = 1000000
EMBED_DIM = 64
BATCH = 16384
HIST_LEN = 50


def setup_inputs(seed: int = 0) -> dict:
    key = jax.random.key(seed)
    k_ids, k_w = jax.random.split(key)
    ids = jax.random.randint(k_ids, (BATCH, HIST_LEN), 0, VOCAB, dtype=jnp.int32)
    # learned embedding table (the layer's weights, init=random_uniform)
    W = jax.random.uniform(k_w, (VOCAB, EMBED_DIM), dtype=jnp.float32, minval=-1.0, maxval=1.0)
    return {"ids": ids, "W": W}


def reference(ids, W):
    # Dense layer, sparse-id path: tf.nn.embedding_lookup(params=W, ids) followed by
    # reduce_sum over the sequence axis (axis=1). bias=False, act_fn=None.
    lookup = jnp.take(W, ids, axis=0)          # [B, L, n_units]
    y = jnp.sum(lookup, axis=1)                # [B, n_units]
    return y

if __name__ == "__main__":
    import jax
    _d = setup_inputs()
    print(jax.jit(kernel)(*tuple(_d.values())))

</pallas_src>

<mosaic_0001>
#map = affine_map<(d0, d1) -> (0, 0, 0)>
#map1 = affine_map<(d0, d1) -> (0, 0)>
module attributes {stable_mosaic.version = 14 : i64} {
  func.func @_sc_body(%arg0: i32, %arg1: i32, %arg2: memref<32x256x100xi32, #tpu.memory_space<hbm>>, %arg3: memref<1000000x64xf32, #tpu.memory_space<hbm>>, %arg4: memref<16384x64xf32, #tpu.memory_space<hbm>>, %arg5: memref<256x100xi32, #tpu.memory_space<vmem>>, %arg6: memref<4x100x64xf32, #tpu.memory_space<vmem>>, %arg7: memref<512x64xf32, #tpu.memory_space<vmem>>, %arg8: memref<!tpu.dma_semaphore, #tpu.memory_space<semaphore_mem>>, %arg9: memref<!tpu.dma_semaphore, #tpu.memory_space<semaphore_mem>>) attributes {dimension_semantics = [#tpu.dimension_semantics<core_parallel>, #tpu.dimension_semantics<subcore_parallel>], iteration_bounds = array<i64: 2, 16>, scalar_prefetch = 0 : i64, scratch_operands = 5 : i64, tpu.core_type = #tpu.core_type<sc_vector_subcore>, window_params = [{transform_indices = #map}, {transform_indices = #map1}, {transform_indices = #map1}]} {
    %mul3A = arith.constant 16 : i32
    %mul3A_0 = arith.muli %arg0, %mul3A : i32
    %add3A = arith.addi %mul3A_0, %arg1 : i32
    "tpu.region"() ({
      %run_scoped3A = tpu.sem_alloc : memref<!tpu.dma_semaphore, #tpu.memory_space<semaphore_mem>>
      %dma_start3A_43 = arith.constant 0 : i32
      %dma_start3A_44 = arith.constant 0 : i32
      %dma_start3A_45 = tpu.memref_slice %arg2[%add3A, %dma_start3A_43, %dma_start3A_44] : memref<32x256x100xi32, #tpu.memory_space<hbm>> -> memref<1x256x100xi32, #tpu.memory_space<hbm>>
      %dma_start3A_46 = tpu.memref_squeeze %dma_start3A_45 : memref<1x256x100xi32, #tpu.memory_space<hbm>> -> memref<256x100xi32, #tpu.memory_space<hbm>>
      %dma_start3A_47 = arith.constant 0 : i32
      %dma_start3A_48 = arith.constant 0 : i32
      %dma_start3A_49 = tpu.memref_slice %arg2[%add3A, %dma_start3A_47, %dma_start3A_48] : memref<32x256x100xi32, #tpu.memory_space<hbm>> -> memref<1x256x100xi32, #tpu.memory_space<hbm>>
      %dma_start3A_50 = tpu.memref_squeeze %dma_start3A_49 : memref<1x256x100xi32, #tpu.memory_space<hbm>> -> memref<256x100xi32, #tpu.memory_space<hbm>>
      tpu.enqueue_dma source(%dma_start3A_50 : memref<256x100xi32, #tpu.memory_space<hbm>>) target(%arg5 : memref<256x100xi32, #tpu.memory_space<vmem>>) target_semaphore(%run_scoped3A : memref<!tpu.dma_semaphore, #tpu.memory_space<semaphore_mem>>)
      %dma_wait3A = arith.constant 0 : i32
      %dma_wait3A_51 = arith.constant 0 : i32
      %dma_wait3A_52 = tpu.memref_slice %arg2[%add3A, %dma_wait3A, %dma_wait3A_51] : memref<32x256x100xi32, #tpu.memory_space<hbm>> -> memref<1x256x100xi32, #tpu.memory_space<hbm>>
      %dma_wait3A_53 = tpu.memref_squeeze %dma_wait3A_52 : memref<1x256x100xi32, #tpu.memory_space<hbm>> -> memref<256x100xi32, #tpu.memory_space<hbm>>
      %dma_wait3A_54 = arith.constant 0 : i32
      %dma_wait3A_55 = arith.constant 0 : i32
      %dma_wait3A_56 = tpu.memref_slice %arg2[%add3A, %dma_wait3A_54, %dma_wait3A_55] : memref<32x256x100xi32, #tpu.memory_space<hbm>> -> memref<1x256x100xi32, #tpu.memory_space<hbm>>
      %dma_wait3A_57 = tpu.memref_squeeze %dma_wait3A_56 : memref<1x256x100xi32, #tpu.memory_space<hbm>> -> memref<256x100xi32, #tpu.memory_space<hbm>>
      tpu.wait_dma2 semaphore(%run_scoped3A : memref<!tpu.dma_semaphore, #tpu.memory_space<semaphore_mem>>) src(%dma_wait3A_57 : memref<256x100xi32, #tpu.memory_space<hbm>>) dst(%arg5 : memref<256x100xi32, #tpu.memory_space<vmem>>)
      tpu.yield
    }) : () -> ()
    %dma_start3A = arith.constant 0 : i32
    %dma_start3A_1 = arith.constant 0 : i32
    %dma_start3A_2 = arith.constant 0 : i32
    %dma_start3A_3 = arith.constant 0 : i32
    %dma_start3A_4 = tpu.memref_slice %arg6[%dma_start3A_1, %dma_start3A_2, %dma_start3A_3] : memref<4x100x64xf32, #tpu.memory_space<vmem>> -> memref<1x100x64xf32, #tpu.memory_space<vmem>>
    %dma_start3A_5 = tpu.memref_squeeze %dma_start3A_4 : memref<1x100x64xf32, #tpu.memory_space<vmem>> -> memref<100x64xf32, #tpu.memory_space<vmem>>
    %dma_start3A_6 = arith.constant 0 : i32
    %dma_start3A_7 = tpu.memref_slice %arg5[%dma_start3A, %dma_start3A_6] : memref<256x100xi32, #tpu.memory_space<vmem>> -> memref<1x100xi32, #tpu.memory_space<vmem>>
    %dma_start3A_8 = tpu.memref_squeeze %dma_start3A_7 : memref<1x100xi32, #tpu.memory_space<vmem>> -> memref<100xi32, #tpu.memory_space<vmem>>
    %dma_start3A_9 = arith.constant 0 : i32
    %dma_start3A_10 = arith.constant 0 : i32
    %dma_start3A_11 = tpu.memref_slice %arg3[%dma_start3A_9, %dma_start3A_10] : memref<1000000x64xf32, #tpu.memory_space<hbm>> -> memref<1000000x64xf32, #tpu.memory_space<hbm>>
    tpu.enqueue_indirect_dma source(%dma_start3A_11 : memref<1000000x64xf32, #tpu.memory_space<hbm>>) target(%dma_start3A_5 : memref<100x64xf32, #tpu.memory_space<vmem>>) offsets(%dma_start3A_8 : memref<100xi32, #tpu.memory_space<vmem>>) semaphore(%arg8 : memref<!tpu.dma_semaphore, #tpu.memory_space<semaphore_mem>>)
    %dma_start3A_12 = arith.constant 1 : i32
    %dma_start3A_13 = arith.constant 1 : i32
    %dma_start3A_14 = arith.constant 0 : i32
    %dma_start3A_15 = arith.constant 0 : i32
    %dma_start3A_16 = tpu.memref_slice %arg6[%dma_start3A_13, %dma_start3A_14, %dma_start3A_15] : memref<4x100x64xf32, #tpu.memory_space<vmem>> -> memref<1x100x64xf32, #tpu.memory_space<vmem>>
    %dma_start3A_17 = tpu.memref_squeeze %dma_start3A_16 : memref<1x100x64xf32, #tpu.memory_space<vmem>> -> memref<100x64xf32, #tpu.memory_space<vmem>>
    %dma_start3A_18 = arith.constant 0 : i32
    %dma_start3A_19 = tpu.memref_slice %arg5[%dma_start3A_12, %dma_start3A_18] : memref<256x100xi32, #tpu.memory_space<vmem>> -> memref<1x100xi32, #tpu.memory_space<vmem>>
    %dma_start3A_20 = tpu.memref_squeeze %dma_start3A_19 : memref<1x100xi32, #tpu.memory_space<vmem>> -> memref<100xi32, #tpu.memory_space<vmem>>
    %dma_start3A_21 = arith.constant 0 : i32
    %dma_start3A_22 = arith.constant 0 : i32
    %dma_start3A_23 = tpu.memref_slice %arg3[%dma_start3A_21, %dma_start3A_22] : memref<1000000x64xf32, #tpu.memory_space<hbm>> -> memref<1000000x64xf32, #tpu.memory_space<hbm>>
    tpu.enqueue_indirect_dma source(%dma_start3A_23 : memref<1000000x64xf32, #tpu.memory_space<hbm>>) target(%dma_start3A_17 : memref<100x64xf32, #tpu.memory_space<vmem>>) offsets(%dma_start3A_20 : memref<100xi32, #tpu.memory_space<vmem>>) semaphore(%arg8 : memref<!tpu.dma_semaphore, #tpu.memory_space<semaphore_mem>>)
    %dma_start3A_24 = arith.constant 2 : i32
    %dma_start3A_25 = arith.constant 2 : i32
    %dma_start3A_26 = arith.constant 0 : i32
    %dma_start3A_27 = arith.constant 0 : i32
    %dma_start3A_28 = tpu.memref_slice %arg6[%dma_start3A_25, %dma_start3A_26, %dma_start3A_27] : memref<4x100x64xf32, #tpu.memory_space<vmem>> -> memref<1x100x64xf32, #tpu.memory_space<vmem>>
    %dma_start3A_29 = tpu.memref_squeeze %dma_start3A_28 : memref<1x100x64xf32, #tpu.memory_space<vmem>> -> memref<100x64xf32, #tpu.memory_space<vmem>>
    %dma_start3A_30 = arith.constant 0 : i32
    %dma_start3A_31 = tpu.memref_slice %arg5[%dma_start3A_24, %dma_start3A_30] : memref<256x100xi32, #tpu.memory_space<vmem>> -> memref<1x100xi32, #tpu.memory_space<vmem>>
    %dma_start3A_32 = tpu.memref_squeeze %dma_start3A_31 : memref<1x100xi32, #tpu.memory_space<vmem>> -> memref<100xi32, #tpu.memory_space<vmem>>
    %dma_start3A_33 = arith.constant 0 : i32
    %dma_start3A_34 = arith.constant 0 : i32
    %dma_start3A_35 = tpu.memref_slice %arg3[%dma_start3A_33, %dma_start3A_34] : memref<1000000x64xf32, #tpu.memory_space<hbm>> -> memref<1000000x64xf32, #tpu.memory_space<hbm>>
    tpu.enqueue_indirect_dma source(%dma_start3A_35 : memref<1000000x64xf32, #tpu.memory_space<hbm>>) target(%dma_start3A_29 : memref<100x64xf32, #tpu.memory_space<vmem>>) offsets(%dma_start3A_32 : memref<100xi32, #tpu.memory_space<vmem>>) semaphore(%arg8 : memref<!tpu.dma_semaphore, #tpu.memory_space<semaphore_mem>>)
    %scan3A = arith.constant 0 : i32
    %scan3A_36 = arith.constant 0 : i32
    %scan3A_37 = arith.constant 256 : i32
    %scan3A_38 = arith.addi %scan3A_36, %scan3A_37 : i32
    %scan3A_39 = arith.constant 1 : i32
    scf.for %scan3A_43 = %scan3A_36 to %scan3A_38 step %scan3A_39  : i32 {
      %rem3A = arith.constant 4 : i32
      %rem3A_44 = arith.remsi %scan3A_43, %rem3A : i32
      %dma_wait3A = arith.constant 0 : i32
      %dma_wait3A_45 = arith.constant 0 : i32
      %dma_wait3A_46 = tpu.memref_slice %arg6[%rem3A_44, %dma_wait3A, %dma_wait3A_45] : memref<4x100x64xf32, #tpu.memory_space<vmem>> -> memref<1x100x64xf32, #tpu.memory_space<vmem>>
      %dma_wait3A_47 = tpu.memref_squeeze %dma_wait3A_46 : memref<1x100x64xf32, #tpu.memory_space<vmem>> -> memref<100x64xf32, #tpu.memory_space<vmem>>
      %dma_wait3A_48 = arith.constant 0 : i32
      %dma_wait3A_49 = tpu.memref_slice %arg5[%scan3A_43, %dma_wait3A_48] : memref<256x100xi32, #tpu.memory_space<vmem>> -> memref<1x100xi32, #tpu.memory_space<vmem>>
      %dma_wait3A_50 = tpu.memref_squeeze %dma_wait3A_49 : memref<1x100xi32, #tpu.memory_space<vmem>> -> memref<100xi32, #tpu.memory_space<vmem>>
      %dma_wait3A_51 = arith.constant 0 : i32
      %dma_wait3A_52 = arith.constant 0 : i32
      %dma_wait3A_53 = tpu.memref_slice %arg3[%dma_wait3A_51, %dma_wait3A_52] : memref<1000000x64xf32, #tpu.memory_space<hbm>> -> memref<1000000x64xf32, #tpu.memory_space<hbm>>
      tpu.wait_indirect_dma semaphore(%arg8 : memref<!tpu.dma_semaphore, #tpu.memory_space<semaphore_mem>>) src(%dma_wait3A_53 : memref<1000000x64xf32, #tpu.memory_space<hbm>>) dst(%dma_wait3A_47 : memref<100x64xf32, #tpu.memory_space<vmem>>)
      %add3A_54 = arith.constant 4 : i32
      %add3A_55 = arith.addi %scan3A_43, %add3A_54 : i32
      %sub3A = arith.constant 1 : i32
      %sub3A_56 = arith.subi %add3A_55, %sub3A : i32
      %lt3A = arith.constant 256 : i32
      %lt3A_57 = arith.cmpi slt, %sub3A_56, %lt3A : i32
      %convert_element_type3A = arith.extui %lt3A_57 : i1 to i32
      %cond3A = arith.constant 0 : i32
      %cond3A_58 = arith.cmpi ne, %convert_element_type3A, %cond3A : i32
      scf.if %cond3A_58 {
        %add3A_2921 = arith.constant 4 : i32
        %add3A_2922 = arith.addi %scan3A_43, %add3A_2921 : i32
        %sub3A_2923 = arith.constant 1 : i32
        %sub3A_2924 = arith.subi %add3A_2922, %sub3A_2923 : i32
        %rem3A_2925 = arith.constant 4 : i32
        %rem3A_2926 = arith.remsi %sub3A_2924, %rem3A_2925 : i32
        %add3A_2927 = arith.constant 4 : i32
        %add3A_2928 = arith.addi %scan3A_43, %add3A_2927 : i32
        %sub3A_2929 = arith.constant 1 : i32
        %sub3A_2930 = arith.subi %add3A_2928, %sub3A_2929 : i32
        %dma_start3A_2931 = arith.constant 0 : i32
        %dma_start3A_2932 = arith.constant 0 : i32
        %dma_start3A_2933 = tpu.memref_slice %arg6[%rem3A_2926, %dma_start3A_2931, %dma_start3A_2932] : memref<4x100x64xf32, #tpu.memory_space<vmem>> -> memref<1x100x64xf32, #tpu.memory_space<vmem>>
        %dma_start3A_2934 = tpu.memref_squeeze %dma_start3A_2933 : memref<1x100x64xf32, #tpu.memory_space<vmem>> -> memref<100x64xf32, #tpu.memory_space<vmem>>
        %dma_start3A_2935 = arith.constant 0 : i32
        %dma_start3A_2936 = tpu.memref_slice %arg5[%sub3A_2930, %dma_start3A_2935] : memref<256x100xi32, #tpu.memory_space<vmem>> -> memref<1x100xi32, #tpu.memory_space<vmem>>
        %dma_start3A_2937 = tpu.memref_squeeze %dma_start3A_2936 : memref<1x100xi32, #tpu.memory_space<vmem>> -> memref<100xi32, #tpu.memory_space<vmem>>
        %dma_start3A_2938 = arith.constant 0 : i32
        %dma_start3A_2939 = arith.constant 0 : i32
        %dma_start3A_2940 = tpu.memref_slice %arg3[%dma_start3A_2938, %dma_start3A_2939] : memref<1000000x64xf32, #tpu.memory_space<hbm>> -> memref<1000000x64xf32, #tpu.memory_space<hbm>>
        tpu.enqueue_indirect_dma source(%dma_start3A_2940 : memref<1000000x64xf32, #tpu.memory_space<hbm>>) target(%dma_start3A_2934 : memref<100x64xf32, #tpu.memory_space<vmem>>) offsets(%dma_start3A_2937 : memref<100xi32, #tpu.memory_space<vmem>>) semaphore(%arg8 : memref<!tpu.dma_semaphore, #tpu.memory_space<semaphore_mem>>)
      } else {
      }
      %get3A = arith.constant 0 : i32
      %get3A_59 = arith.index_cast %rem3A_44 : i32 to index
      %get3A_60 = arith.index_cast %get3A : i32 to index
      %get3A_61 = arith.constant 0 : index
      %get3A_62 = tpu.vector_load %arg6[%get3A_59, %get3A_60, %get3A_61] {strides = array<i32>} : memref<4x100x64xf32, #tpu.memory_space<vmem>>, vector<1x1x16xf32>,
      %get3A_63 = vector.shape_cast %get3A_62 : vector<1x1x16xf32> to vector<16xf32>
      %get3A_64 = arith.constant 0 : i32
      %get3A_65 = arith.index_cast %rem3A_44 : i32 to index
      %get3A_66 = arith.index_cast %get3A_64 : i32 to index
      %get3A_67 = arith.constant 16 : index
      %get3A_68 = tpu.vector_load %arg6[%get3A_65, %get3A_66, %get3A_67] {strides = array<i32>} : memref<4x100x64xf32, #tpu.memory_space<vmem>>, vector<1x1x16xf32>,
      %get3A_69 = vector.shape_cast %get3A_68 : vector<1x1x16xf32> to vector<16xf32>
      %get3A_70 = arith.constant 0 : i32
      %get3A_71 = arith.index_cast %rem3A_44 : i32 to index
      %get3A_72 = arith.index_cast %get3A_70 : i32 to index
      %get3A_73 = arith.constant 32 : index
      %get3A_74 = tpu.vector_load %arg6[%get3A_71, %get3A_72, %get3A_73] {strides = array<i32>} : memref<4x100x64xf32, #tpu.memory_space<vmem>>, vector<1x1x16xf32>,
      %get3A_75 = vector.shape_cast %get3A_74 : vector<1x1x16xf32> to vector<16xf32>
      %get3A_76 = arith.constant 0 : i32
      %get3A_77 = arith.index_cast %rem3A_44 : i32 to index
      %get3A_78 = arith.index_cast %get3A_76 : i32 to index
      %get3A_79 = arith.constant 48 : index
      %get3A_80 = tpu.vector_load %arg6[%get3A_77, %get3A_78, %get3A_79] {strides = array<i32>} : memref<4x100x64xf32, #tpu.memory_space<vmem>>, vector<1x1x16xf32>,
      %get3A_81 = vector.shape_cast %get3A_80 : vector<1x1x16xf32> to vector<16xf32>
      %get3A_82 = arith.constant 1 : i32
      %get3A_83 = arith.index_cast %rem3A_44 : i32 to index
      %get3A_84 = arith.index_cast %get3A_82 : i32 to index
      %get3A_85 = arith.constant 0 : index
      %get3A_86 = tpu.vector_load %arg6[%get3A_83, %get3A_84, %get3A_85] {strides = array<i32>} : memref<4x100x64xf32, #tpu.memory_space<vmem>>, vector<1x1x16xf32>,
      %get3A_87 = vector.shape_cast %get3A_86 : vector<1x1x16xf32> to vector<16xf32>
      %add3A_88 = arith.addf %get3A_63, %get3A_87 : vector<16xf32>
      %get3A_89 = arith.constant 1 : i32
      %get3A_90 = arith.index_cast %rem3A_44 : i32 to index
      %get3A_91 = arith.index_cast %get3A_89 : i32 to index
      %get3A_92 = arith.constant 16 : index
      %get3A_93 = tpu.vector_load %arg6[%get3A_90, %get3A_91, %get3A_92] {strides = array<i32>} : memref<4x100x64xf32, #tpu.memory_space<vmem>>, vector<1x1x16xf32>,
      %get3A_94 = vector.shape_cast %get3A_93 : vector<1x1x16xf32> to vector<16xf32>
      %add3A_95 = arith.addf %get3A_69, %get3A_94 : vector<16xf32>
      %get3A_96 = arith.constant 1 : i32
      %get3A_97 = arith.index_cast %rem3A_44 : i32 to index
      %get3A_98 = arith.index_cast %get3A_96 : i32 to index
      %get3A_99 = arith.constant 32 : index
      %get3A_100 = tpu.vector_load %arg6[%get3A_97, %get3A_98, %get3A_99] {strides = array<i32>} : memref<4x100x64xf32, #tpu.memory_space<vmem>>, vector<1x1x16xf32>,
      %get3A_101 = vector.shape_cast %get3A_100 : vector<1x1x16xf32> to vector<16xf32>
      %add3A_102 = arith.addf %get3A_75, %get3A_101 : vector<16xf32>
      %get3A_103 = arith.constant 1 : i32
      %get3A_104 = arith.index_cast %rem3A_44 : i32 to index
      %get3A_105 = arith.index_cast %get3A_103 : i32 to index
      %get3A_106 = arith.constant 48 : index
      %get3A_107 = tpu.vector_load %arg6[%get3A_104, %get3A_105, %get3A_106] {strides = array<i32>} : memref<4x100x64xf32, #tpu.memory_space<vmem>>, vector<1x1x16xf32>,
      %get3A_108 = vector.shape_cast %get3A_107 : vector<1x1x16xf32> to vector<16xf32>
      %add3A_109 = arith.addf %get3A_81, %get3A_108 : vector<16xf32>
      %get3A_110 = arith.constant 2 : i32
      %get3A_111 = arith.index_cast %rem3A_44 : i32 to index
      %get3A_112 = arith.index_cast %get3A_110 : i32 to index
      %get3A_113 = arith.constant 0 : index
      %get3A_114 = tpu.vector_load %arg6[%get3A_111, %get3A_112, %get3A_113] {strides = array<i32>} : memref<4x100x64xf32, #tpu.memory_space<vmem>>, vector<1x1x16xf32>,
      %get3A_115 = vector.shape_cast %get3A_114 : vector<1x1x16xf32> to vector<16xf32>
      %add3A_116 = arith.addf %add3A_88, %get3A_115 : vector<16xf32>
      %get3A_117 = arith.constant 2 : i32
      %get3A_118 = arith.index_cast %rem3A_44 : i32 to index
      %get3A_119 = arith.index_cast %get3A_117 : i32 to index
      %get3A_120 = arith.constant 16 : index
      %get3A_121 = tpu.vector_load %arg6[%get3A_118, %get3A_119, %get3A_120] {strides = array<i32>} : memref<4x100x64xf32, #tpu.memory_space<vmem>>, vector<1x1x16xf32>,
      %get3A_122 = vector.shape_cast %get3A_121 : vector<1x1x16xf32> to vector<16xf32>
      %add3A_123 = arith.addf %add3A_95, %get3A_122 : vector<16xf32>
      %get3A_124 = arith.constant 2 : i32
      %get3A_125 = arith.index_cast %rem3A_44 : i32 to index
      %get3A_126 = arith.index_cast %get3A_124 : i32 to index
      %get3A_127 = arith.constant 32 : index
      %get3A_128 = tpu.vector_load %arg6[%get3A_125, %get3A_126, %get3A_127] {strides = array<i32>} : memref<4x100x64xf32, #tpu.memory_space<vmem>>, vector<1x1x16xf32>,
      %get3A_129 = vector.shape_cast %get3A_128 : vector<1x1x16xf32> to vector<16xf32>
      %add3A_130 = arith.addf %add3A_102, %get3A_129 : vector<16xf32>
      %get3A_131 = arith.constant 2 : i32
      %get3A_132 = arith.index_cast %rem3A_44 : i32 to index
      %get3A_133 = arith.index_cast %get3A_131 : i32 to index
      %get3A_134 = arith.constant 48 : index
      %get3A_135 = tpu.vector_load %arg6[%get3A_132, %get3A_133, %get3A_134] {strides = array<i32>} : memref<4x100x64xf32, #tpu.memory_space<vmem>>, vector<1x1x16xf32>,
      %get3A_136 = vector.shape_cast %get3A_135 : vector<1x1x16xf32> to vector<16xf32>
      %add3A_137 = arith.addf %add3A_109, %get3A_136 : vector<16xf32>
      %get3A_138 = arith.constant 3 : i32
      %get3A_139 = arith.index_cast %rem3A_44 : i32 to index
      %get3A_140 = arith.index_cast %get3A_138 : i32 to index
      %get3A_141 = arith.constant 0 : index
      %get3A_142 = tpu.vector_load %arg6[%get3A_139, %get3A_140, %get3A_141] {strides = array<i32>} : memref<4x100x64xf32, #tpu.memory_space<vmem>>, vector<1x1x16xf32>,
      %get3A_143 = vector.shape_cast %get3A_142 : vector<1x1x16xf32> to vector<16xf32>
      %add3A_144 = arith.addf %add3A_116, %get3A_143 : vector<16xf32>
      %get3A_145 = arith.constant 3 : i32
      %get3A_146 = arith.index_cast %rem3A_44 : i32 to index
      %get3A_147 = arith.index_cast %get3A_145 : i32 to index
      %get3A_148 = arith.constant 16 : index
      %get3A_149 = tpu.vector_load %arg6[%get3A_146, %get3A_147, %get3A_148] {strides = array<i32>} : memref<4x100x64xf32, #tpu.memory_space<vmem>>, vector<1x1x16xf32>,
      %get3A_150 = vector.shape_cast %get3A_149 : vector<1x1x16xf32> to vector<16xf32>
      %add3A_151 = arith.addf %add3A_123, %get3A_150 : vector<16xf32>
      %get3A_152 = arith.constant 3 : i32
      %get3A_153 = arith.index_cast %rem3A_44 : i32 to index
      %get3A_154 = arith.index_cast %get3A_152 : i32 to index
      %get3A_155 = arith.constant 32 : index
      %get3A_156 = tpu.vector_load %arg6[%get3A_153, %get3A_154, %get3A_155] {strides = array<i32>} : memref<4x100x64xf32, #tpu.memory_space<vmem>>, vector<1x1x16xf32>,
      %get3A_157 = vector.shape_cast %get3A_156 : vector<1x1x16xf32> to vector<16xf32>
      %add3A_158 = arith.addf %add3A_130, %get3A_157 : vector<16xf32>
      %get3A_159 = arith.constant 3 : i32
      %get3A_160 = arith.index_cast %rem3A_44 : i32 to index
      %get3A_161 = arith.index_cast %get3A_159 : i32 to index
      %get3A_162 = arith.constant 48 : index
      %get3A_163 = tpu.vector_load %arg6[%get3A_160, %get3A_161, %get3A_162] {strides = array<i32>} : memref<4x100x64xf32, #tpu.memory_space<vmem>>, vector<1x1x16xf32>,
      %get3A_164 = vector.shape_cast %get3A_163 : vector<1x1x16xf32> to vector<16xf32>
      %add3A_165 = arith.addf %add3A_137, %get3A_164 : vector<16xf32>
      %get3A_166 = arith.constant 4 : i32
      %get3A_167 = arith.index_cast %rem3A_44 : i32 to index
      %get3A_168 = arith.index_cast %get3A_166 : i32 to index
      %get3A_169 = arith.constant 0 : index
      %get3A_170 = tpu.vector_load %arg6[%get3A_167, %get3A_168, %get3A_169] {strides = array<i32>} : memref<4x100x64xf32, #tpu.memory_space<vmem>>, vector<1x1x16xf32>,
      %get3A_171 = vector.shape_cast %get3A_170 : vector<1x1x16xf32> to vector<16xf32>
      %add3A_172 = arith.addf %add3A_144, %get3A_171 : vector<16xf32>
      %get3A_173 = arith.constant 4 : i32
      %get3A_174 = arith.index_cast %rem3A_44 : i32 to index
      %get3A_175 = arith.index_cast %get3A_173 : i32 to index
      %get3A_176 = arith.constant 16 : index
      %get3A_177 = tpu.vector_load %arg6[%get3A_174, %get3A_175, %get3A_176] {strides = array<i32>} : memref<4x100x64xf32, #tpu.memory_space<vmem>>, vector<1x1x16xf32>,
      %get3A_178 = vector.shape_cast %get3A_177 : vector<1x1x16xf32> to vector<16xf32>
      %add3A_179 = arith.addf %add3A_151, %get3A_178 : vector<16xf32>
      %get3A_180 = arith.constant 4 : i32
      %get3A_181 = arith.index_cast %rem3A_44 : i32 to index
      %get3A_182 = arith.index_cast %get3A_180 : i32 to index
      %get3A_183 = arith.constant 32 : index
      %get3A_184 = tpu.vector_load %arg6[%get3A_181, %get3A_182, %get3A_183] {strides = array<i32>} : memref<4x100x64xf32, #tpu.memory_space<vmem>>, vector<1x1x16xf32>,
      %get3A_185 = vector.shape_cast %get3A_184 : vector<1x1x16xf32> to vector<16xf32>
      %add3A_186 = arith.addf %add3A_158, %get3A_185 : vector<16xf32>
      %get3A_187 = arith.constant 4 : i32
      %get3A_188 = arith.index_cast %rem3A_44 : i32 to index
      %get3A_189 = arith.index_cast %get3A_187 : i32 to index
      %get3A_190 = arith.constant 48 : index
      %get3A_191 = tpu.vector_load %arg6[%get3A_188, %get3A_189, %get3A_190] {strides = array<i32>} : memref<4x100x64xf32, #tpu.memory_space<vmem>>, vector<1x1x16xf32>,
      %get3A_192 = vector.shape_cast %get3A_191 : vector<1x1x16xf32> to vector<16xf32>
      %add3A_193 = arith.addf %add3A_165, %get3A_192 : vector<16xf32>
      %get3A_194 = arith.constant 5 : i32
      %get3A_195 = arith.index_cast %rem3A_44 : i32 to index
      %get3A_196 = arith.index_cast %get3A_194 : i32 to index
      %get3A_197 = arith.constant 0 : index
      %get3A_198 = tpu.vector_load %arg6[%get3A_195, %get3A_196, %get3A_197] {strides = array<i32>} : memref<4x100x64xf32, #tpu.memory_space<vmem>>, vector<1x1x16xf32>,
      %get3A_199 = vector.shape_cast %get3A_198 : vector<1x1x16xf32> to vector<16xf32>
      %add3A_200 = arith.addf %add3A_172, %get3A_199 : vector<16xf32>
      %get3A_201 = arith.constant 5 : i32
      %get3A_202 = arith.index_cast %rem3A_44 : i32 to index
      %get3A_203 = arith.index_cast %get3A_201 : i32 to index
      %get3A_204 = arith.constant 16 : index
      %get3A_205 = tpu.vector_load %arg6[%get3A_202, %get3A_203, %get3A_204] {strides = array<i32>} : memref<4x100x64xf32, #tpu.memory_space<vmem>>, vector<1x1x16xf32>,
      %get3A_206 = vector.shape_cast %get3A_205 : vector<1x1x16xf32> to vector<16xf32>
      %add3A_207 = arith.addf %add3A_179, %get3A_206 : vector<16xf32>
      %get3A_208 = arith.constant 5 : i32
      %get3A_209 = arith.index_cast %rem3A_44 : i32 to index
      %get3A_210 = arith.index_cast %get3A_208 : i32 to index
      %get3A_211 = arith.constant 32 : index
      %get3A_212 = tpu.vector_load %arg6[%get3A_209, %get3A_210, %get3A_211] {strides = array<i32>} : memref<4x100x64xf32, #tpu.memory_space<vmem>>, vector<1x1x16xf32>,
      %get3A_213 = vector.shape_cast %get3A_212 : vector<1x1x16xf32> to vector<16xf32>
      %add3A_214 = arith.addf %add3A_186, %get3A_213 : vector<16xf32>
      %get3A_215 = arith.constant 5 : i32
      %get3A_216 = arith.index_cast %rem3A_44 : i32 to index
      %get3A_217 = arith.index_cast %get3A_215 : i32 to index
      %get3A_218 = arith.constant 48 : index
      %get3A_219 = tpu.vector_load %arg6[%get3A_216, %get3A_217, %get3A_218] {strides = array<i32>} : memref<4x100x64xf32, #tpu.memory_space<vmem>>, vector<1x1x16xf32>,
      %get3A_220 = vector.shape_cast %get3A_219 : vector<1x1x16xf32> to vector<16xf32>
      %add3A_221 = arith.addf %add3A_193, %get3A_220 : vector<16xf32>
      %get3A_222 = arith.constant 6 : i32
      %get3A_223 = arith.index_cast %rem3A_44 : i32 to index
      %get3A_224 = arith.index_cast %get3A_222 : i32 to index
      %get3A_225 = arith.constant 0 : index
      %get3A_226 = tpu.vector_load %arg6[%get3A_223, %get3A_224, %get3A_225] {strides = array<i32>} : memref<4x100x64xf32, #tpu.memory_space<vmem>>, vector<1x1x16xf32>,
      %get3A_227 = vector.shape_cast %get3A_226 : vector<1x1x16xf32> to vector<16xf32>
      %add3A_228 = arith.addf %add3A_200, %get3A_227 : vector<16xf32>
      %get3A_229 = arith.constant 6 : i32
      %get3A_230 = arith.index_cast %rem3A_44 : i32 to index
      %get3A_231 = arith.index_cast %get3A_229 : i32 to index
      %get3A_232 = arith.constant 16 : index
      %get3A_233 = tpu.vector_load %arg6[%get3A_230, %get3A_231, %get3A_232] {strides = array<i32>} : memref<4x100x64xf32, #tpu.memory_space<vmem>>, vector<1x1x16xf32>,
      %get3A_234 = vector.shape_cast %get3A_233 : vector<1x1x16xf32> to vector<16xf32>
      %add3A_235 = arith.addf %add3A_207, %get3A_234 : vector<16xf32>
      %get3A_236 = arith.constant 6 : i32
      %get3A_237 = arith.index_cast %rem3A_44 : i32 to index
      %get3A_238 = arith.index_cast %get3A_236 : i32 to index
      %get3A_239 = arith.constant 32 : index
      %get3A_240 = tpu.vector_load %arg6[%get3A_237, %get3A_238, %get3A_239] {strides = array<i32>} : memref<4x100x64xf32, #tpu.memory_space<vmem>>, vector<1x1x16xf32>,
      %get3A_241 = vector.shape_cast %get3A_240 : vector<1x1x16xf32> to vector<16xf32>
      %add3A_242 = arith.addf %add3A_214, %get3A_241 : vector<16xf32>
      %get3A_243 = arith.constant 6 : i32
      %get3A_244 = arith.index_cast %rem3A_44 : i32 to index
      %get3A_245 = arith.index_cast %get3A_243 : i32 to index
      %get3A_246 = arith.constant 48 : index
      %get3A_247 = tpu.vector_load %arg6[%get3A_244, %get3A_245, %get3A_246] {strides = array<i32>} : memref<4x100x64xf32, #tpu.memory_space<vmem>>, vector<1x1x16xf32>,
      %get3A_248 = vector.shape_cast %get3A_247 : vector<1x1x16xf32> to vector<16xf32>
      %add3A_249 = arith.addf %add3A_221, %get3A_248 : vector<16xf32>
      %get3A_250 = arith.constant 7 : i32
      %get3A_251 = arith.index_cast %rem3A_44 : i32 to index
      %get3A_252 = arith.index_cast %get3A_250 : i32 to index
      %get3A_253 = arith.constant 0 : index
      %get3A_254 = tpu.vector_load %arg6[%get3A_251, %get3A_252, %get3A_253] {strides = array<i32>} : memref<4x100x64xf32, #tpu.memory_space<vmem>>, vector<1x1x16xf32>,
      %get3A_255 = vector.shape_cast %get3A_254 : vector<1x1x16xf32> to vector<16xf32>
      %add3A_256 = arith.addf %add3A_228, %get3A_255 : vector<16xf32>
      %get3A_257 = arith.constant 7 : i32
      %get3A_258 = arith.index_cast %rem3A_44 : i32 to index
      %get3A_259 = arith.index_cast %get3A_257 : i32 to index
      %get3A_260 = arith.constant 16 : index
      %get3A_261 = tpu.vector_load %arg6[%get3A_258, %get3A_259, %get3A_260] {strides = array<i32>} : memref<4x100x64xf32, #tpu.memory_space<vmem>>, vector<1x1x16xf32>,
      %get3A_262 = vector.shape_cast %get3A_261 : vector<1x1x16xf32> to vector<16xf32>
      %add3A_263 = arith.addf %add3A_235, %get3A_262 : vector<16xf32>
      %get3A_264 = arith.constant 7 : i32
      %get3A_265 = arith.index_cast %rem3A_44 : i32 to index
      %get3A_266 = arith.index_cast %get3A_264 : i32 to index
      %get3A_267 = arith.constant 32 : index
      %get3A_268 = tpu.vector_load %arg6[%get3A_265, %get3A_266, %get3A_267] {strides = array<i32>} : memref<4x100x64xf32, #tpu.memory_space<vmem>>, vector<1x1x16xf32>,
      %get3A_269 = vector.shape_cast %get3A_268 : vector<1x1x16xf32> to vector<16xf32>
      %add3A_270 = arith.addf %add3A_242, %get3A_269 : vector<16xf32>
      %get3A_271 = arith.constant 7 : i32
      %get3A_272 = arith.index_cast %rem3A_44 : i32 to index
      %get3A_273 = arith.index_cast %get3A_271 : i32 to index
      %get3A_274 = arith.constant 48 : index
      %get3A_275 = tpu.vector_load %arg6[%get3A_272, %get3A_273, %get3A_274] {strides = array<i32>} : memref<4x100x64xf32, #tpu.memory_space<vmem>>, vector<1x1x16xf32>,
      %get3A_276 = vector.shape_cast %get3A_275 : vector<1x1x16xf32> to vector<16xf32>
      %add3A_277 = arith.addf %add3A_249, %get3A_276 : vector<16xf32>
      %get3A_278 = arith.constant 8 : i32
      %get3A_279 = arith.index_cast %rem3A_44 : i32 to index
      %get3A_280 = arith.index_cast %get3A_278 : i32 to index
      %get3A_281 = arith.constant 0 : index
      %get3A_282 = tpu.vector_load %arg6[%get3A_279, %get3A_280, %get3A_281] {strides = array<i32>} : memref<4x100x64xf32, #tpu.memory_space<vmem>>, vector<1x1x16xf32>,
      %get3A_283 = vector.shape_cast %get3A_282 : vector<1x1x16xf32> to vector<16xf32>
      %add3A_284 = arith.addf %add3A_256, %get3A_283 : vector<16xf32>
      %get3A_285 = arith.constant 8 : i32
      %get3A_286 = arith.index_cast %rem3A_44 : i32 to index
      %get3A_287 = arith.index_cast %get3A_285 : i32 to index
      %get3A_288 = arith.constant 16 : index
      %get3A_289 = tpu.vector_load %arg6[%get3A_286, %get3A_287, %get3A_288] {strides = array<i32>} : memref<4x100x64xf32, #tpu.memory_space<vmem>>, vector<1x1x16xf32>,
      %get3A_290 = vector.shape_cast %get3A_289 : vector<1x1x16xf32> to vector<16xf32>
      %add3A_291 = arith.addf %add3A_263, %get3A_290 : vector<16xf32>
      %get3A_292 = arith.constant 8 : i32
      %get3A_293 = arith.index_cast %rem3A_44 : i32 to index
      %get3A_294 = arith.index_cast %get3A_292 : i32 to index
      %get3A_295 = arith.constant 32 : index
      %get3A_296 = tpu.vector_load %arg6[%get3A_293, %get3A_294, %get3A_295] {strides = array<i32>} : memref<4x100x64xf32, #tpu.memory_space<vmem>>, vector<1x1x16xf32>,
      %get3A_297 = vector.shape_cast %get3A_296 : vector<1x1x16xf32> to vector<16xf32>
      %add3A_298 = arith.addf %add3A_270, %get3A_297 : vector<16xf32>
      %get3A_299 = arith.constant 8 : i32
      %get3A_300 = arith.index_cast %rem3A_44 : i32 to index
      %get3A_301 = arith.index_cast %get3A_299 : i32 to index
      %get3A_302 = arith.constant 48 : index
      %get3A_303 = tpu.vector_load %arg6[%get3A_300, %get3A_301, %get3A_302] {strides = array<i32>} : memref<4x100x64xf32, #tpu.memory_space<vmem>>, vector<1x1x16xf32>,
      %get3A_304 = vector.shape_cast %get3A_303 : vector<1x1x16xf32> to vector<16xf32>
      %add3A_305 = arith.addf %add3A_277, %get3A_304 : vector<16xf32>
      %get3A_306 = arith.constant 9 : i32
      %get3A_307 = arith.index_cast %rem3A_44 : i32 to index
      %get3A_308 = arith.index_cast %get3A_306 : i32 to index
      %get3A_309 = arith.constant 0 : index
      %get3A_310 = tpu.vector_load %arg6[%get3A_307, %get3A_308, %get3A_309] {strides = array<i32>} : memref<4x100x64xf32, #tpu.memory_space<vmem>>, vector<1x1x16xf32>,
      %get3A_311 = vector.shape_cast %get3A_310 : vector<1x1x16xf32> to vector<16xf32>
      %add3A_312 = arith.addf %add3A_284, %get3A_311 : vector<16xf32>
      %get3A_313 = arith.constant 9 : i32
      %get3A_314 = arith.index_cast %rem3A_44 : i32 to index
      %get3A_315 = arith.index_cast %get3A_313 : i32 to index
      %get3A_316 = arith.constant 16 : index
      %get3A_317 = tpu.vector_load %arg6[%get3A_314, %get3A_315, %get3A_316] {strides = array<i32>} : memref<4x100x64xf32, #tpu.memory_space<vmem>>, vector<1x1x16xf32>,
      %get3A_318 = vector.shape_cast %get3A_317 : vector<1x1x16xf32> to vector<16xf32>
      %add3A_319 = arith.addf %add3A_291, %get3A_318 : vector<16xf32>
      %get3A_320 = arith.constant 9 : i32
      %get3A_321 = arith.index_cast %rem3A_44 : i32 to index
      %get3A_322 = arith.index_cast %get3A_320 : i32 to index
      %get3A_323 = arith.constant 32 : index
      %get3A_324 = tpu.vector_load %arg6[%get3A_321, %get3A_322, %get3A_323] {strides = array<i32>} : memref<4x100x64xf32, #tpu.memory_space<vmem>>, vector<1x1x16xf32>,
      %get3A_325 = vector.shape_cast %get3A_324 : vector<1x1x16xf32> to vector<16xf32>
      %add3A_326 = arith.addf %add3A_298, %get3A_325 : vector<16xf32>
      %get3A_327 = arith.constant 9 : i32
      %get3A_328 = arith.index_cast %rem3A_44 : i32 to index
      %get3A_329 = arith.index_cast %get3A_327 : i32 to index
      %get3A_330 = arith.constant 48 : index
      %get3A_331 = tpu.vector_load %arg6[%get3A_328, %get3A_329, %get3A_330] {strides = array<i32>} : memref<4x100x64xf32, #tpu.memory_space<vmem>>, vector<1x1x16xf32>,
      %get3A_332 = vector.shape_cast %get3A_331 : vector<1x1x16xf32> to vector<16xf32>
      %add3A_333 = arith.addf %add3A_305, %get3A_332 : vector<16xf32>
      %get3A_334 = arith.constant 10 : i32
      %get3A_335 = arith.index_cast %rem3A_44 : i32 to index
      %get3A_336 = arith.index_cast %get3A_334 : i32 to index
      %get3A_337 = arith.constant 0 : index
      %get3A_338 = tpu.vector_load %arg6[%get3A_335, %get3A_336, %get3A_337] {strides = array<i32>} : memref<4x100x64xf32, #tpu.memory_space<vmem>>, vector<1x1x16xf32>,
      %get3A_339 = vector.shape_cast %get3A_338 : vector<1x1x16xf32> to vector<16xf32>
      %add3A_340 = arith.addf %add3A_312, %get3A_339 : vector<16xf32>
      %get3A_341 = arith.constant 10 : i32
      %get3A_342 = arith.index_cast %rem3A_44 : i32 to index
      %get3A_343 = arith.index_cast %get3A_341 : i32 to index
      %get3A_344 = arith.constant 16 : index
      %get3A_345 = tpu.vector_load %arg6[%get3A_342, %get3A_343, %get3A_344] {strides = array<i32>} : memref<4x100x64xf32, #tpu.memory_space<vmem>>, vector<1x1x16xf32>,
      %get3A_346 = vector.shape_cast %get3A_345 : vector<1x1x16xf32> to vector<16xf32>
      %add3A_347 = arith.addf %add3A_319, %get3A_346 : vector<16xf32>
      %get3A_348 = arith.constant 10 : i32
      %get3A_349 = arith.index_cast %rem3A_44 : i32 to index
      %get3A_350 = arith.index_cast %get3A_348 : i32 to index
      %get3A_351 = arith.constant 32 : index
      %get3A_352 = tpu.vector_load %arg6[%get3A_349, %get3A_350, %get3A_351] {strides = array<i32>} : memref<4x100x64xf32, #tpu.memory_space<vmem>>, vector<1x1x16xf32>,
      %get3A_353 = vector.shape_cast %get3A_352 : vector<1x1x16xf32> to vector<16xf32>
      %add3A_354 = arith.addf %add3A_326, %get3A_353 : vector<16xf32>
      %get3A_355 = arith.constant 10 : i32
      %get3A_356 = arith.index_cast %rem3A_44 : i32 to index
      %get3A_357 = arith.index_cast %get3A_355 : i32 to index
      %get3A_358 = arith.constant 48 : index
      %get3A_359 = tpu.vector_load %arg6[%get3A_356, %get3A_357, %get3A_358] {strides = array<i32>} : memref<4x100x64xf32, #tpu.memory_space<vmem>>, vector<1x1x16xf32>,
      %get3A_360 = vector.shape_cast %get3A_359 : vector<1x1x16xf32> to vector<16xf32>
      %add3A_361 = arith.addf %add3A_333, %get3A_360 : vector<16xf32>
      %get3A_362 = arith.constant 11 : i32
      %get3A_363 = arith.index_cast %rem3A_44 : i32 to index
      %get3A_364 = arith.index_cast %get3A_362 : i32 to index
      %get3A_365 = arith.constant 0 : index
      %get3A_366 = tpu.vector_load %arg6[%get3A_363, %get3A_364, %get3A_365] {strides = array<i32>} : memref<4x100x64xf32, #tpu.memory_space<vmem>>, vector<1x1x16xf32>,
      %get3A_367 = vector.shape_cast %get3A_366 : vector<1x1x16xf32> to vector<16xf32>
      %add3A_368 = arith.addf %add3A_340, %get3A_367 : vector<16xf32>
      %get3A_369 = arith.constant 11 : i32
      %get3A_370 = arith.index_cast %rem3A_44 : i32 to index
      %get3A_371 = arith.index_cast %get3A_369 : i32 to index
      %get3A_372 = arith.constant 16 : index
      %get3A_373 = tpu.vector_load %arg6[%get3A_370, %get3A_371, %get3A_372] {strides = array<i32>} : memref<4x100x64xf32, #tpu.memory_space<vmem>>, vector<1x1x16xf32>,
      %get3A_374 = vector.shape_cast %get3A_373 : vector<1x1x16xf32> to vector<16xf32>
      %add3A_375 = arith.addf %add3A_347, %get3A_374 : vector<16xf32>
      %get3A_376 = arith.constant 11 : i32
      %get3A_377 = arith.index_cast %rem3A_44 : i32 to index
      %get3A_378 = arith.index_cast %get3A_376 : i32 to index
      %get3A_379 = arith.constant 32 : index
      %get3A_380 = tpu.vector_load %arg6[%get3A_377, %get3A_378, %get3A_379] {strides = array<i32>} : memref<4x100x64xf32, #tpu.memory_space<vmem>>, vector<1x1x16xf32>,
      %get3A_381 = vector.shape_cast %get3A_380 : vector<1x1x16xf32> to vector<16xf32>
      %add3A_382 = arith.addf %add3A_354, %get3A_381 : vector<16xf32>
      %get3A_383 = arith.constant 11 : i32
      %get3A_384 = arith.index_cast %rem3A_44 : i32 to index
      %get3A_385 = arith.index_cast %get3A_383 : i32 to index
      %get3A_386 = arith.constant 48 : index
      %get3A_387 = tpu.vector_load %arg6[%get3A_384, %get3A_385, %get3A_386] {strides = array<i32>} : memref<4x100x64xf32, #tpu.memory_space<vmem>>, vector<1x1x16xf32>,
      %get3A_388 = vector.shape_cast %get3A_387 : vector<1x1x16xf32> to vector<16xf32>
      %add3A_389 = arith.addf %add3A_361, %get3A_388 : vector<16xf32>
      %get3A_390 = arith.constant 12 : i32
      %get3A_391 = arith.index_cast %rem3A_44 : i32 to index
      %get3A_392 = arith.index_cast %get3A_390 : i32 to index
      %get3A_393 = arith.constant 0 : index
      %get3A_394 = tpu.vector_load %arg6[%get3A_391, %get3A_392, %get3A_393] {strides = array<i32>} : memref<4x100x64xf32, #tpu.memory_space<vmem>>, vector<1x1x16xf32>,
      %get3A_395 = vector.shape_cast %get3A_394 : vector<1x1x16xf32> to vector<16xf32>
      %add3A_396 = arith.addf %add3A_368, %get3A_395 : vector<16xf32>
      %get3A_397 = arith.constant 12 : i32
      %get3A_398 = arith.index_cast %rem3A_44 : i32 to index
      %get3A_399 = arith.index_cast %get3A_397 : i32 to index
      %get3A_400 = arith.constant 16 : index
      %get3A_401 = tpu.vector_load %arg6[%get3A_398, %get3A_399, %get3A_400] {strides = array<i32>} : memref<4x100x64xf32, #tpu.memory_space<vmem>>, vector<1x1x16xf32>,
      %get3A_402 = vector.shape_cast %get3A_401 : vector<1x1x16xf32> to vector<16xf32>
      %add3A_403 = arith.addf %add3A_375, %get3A_402 : vector<16xf32>
      %get3A_404 = arith.constant 12 : i32
      %get3A_405 = arith.index_cast %rem3A_44 : i32 to index
      %get3A_406 = arith.index_cast %get3A_404 : i32 to index
      %get3A_407 = arith.constant 32 : index
      %get3A_408 = tpu.vector_load %arg6[%get3A_405, %get3A_406, %get3A_407] {strides = array<i32>} : memref<4x100x64xf32, #tpu.memory_space<vmem>>, vector<1x1x16xf32>,
      %get3A_409 = vector.shape_cast %get3A_408 : vector<1x1x16xf32> to vector<16xf32>
      %add3A_410 = arith.addf %add3A_382, %get3A_409 : vector<16xf32>
      %get3A_411 = arith.constant 12 : i32
      %get3A_412 = arith.index_cast %rem3A_44 : i32 to index
      %get3A_413 = arith.index_cast %get3A_411 : i32 to index
      %get3A_414 = arith.constant 48 : index
      %get3A_415 = tpu.vector_load %arg6[%get3A_412, %get3A_413, %get3A_414] {strides = array<i32>} : memref<4x100x64xf32, #tpu.memory_space<vmem>>, vector<1x1x16xf32>,
      %get3A_416 = vector.shape_cast %get3A_415 : vector<1x1x16xf32> to vector<16xf32>
      %add3A_417 = arith.addf %add3A_389, %get3A_416 : vector<16xf32>
      %get3A_418 = arith.constant 13 : i32
      %get3A_419 = arith.index_cast %rem3A_44 : i32 to index
      %get3A_420 = arith.index_cast %get3A_418 : i32 to index
      %get3A_421 = arith.constant 0 : index
      %get3A_422 = tpu.vector_load %arg6[%get3A_419, %get3A_420, %get3A_421] {strides = array<i32>} : memref<4x100x64xf32, #tpu.memory_space<vmem>>, vector<1x1x16xf32>,
      %get3A_423 = vector.shape_cast %get3A_422 : vector<1x1x16xf32> to vector<16xf32>
      %add3A_424 = arith.addf %add3A_396, %get3A_423 : vector<16xf32>
      %get3A_425 = arith.constant 13 : i32
      %get3A_426 = arith.index_cast %rem3A_44 : i32 to index
      %get3A_427 = arith.index_cast %get3A_425 : i32 to index
      %get3A_428 = arith.constant 16 : index
      %get3A_429 = tpu.vector_load %arg6[%get3A_426, %get3A_427, %get3A_428] {strides = array<i32>} : memref<4x100x64xf32, #tpu.memory_space<vmem>>, vector<1x1x16xf32>,
      %get3A_430 = vector.shape_cast %get3A_429 : vector<1x1x16xf32> to vector<16xf32>
      %add3A_431 = arith.addf %add3A_403, %get3A_430 : vector<16xf32>
      %get3A_432 = arith.constant 13 : i32
      %get3A_433 = arith.index_cast %rem3A_44 : i32 to index
      %get3A_434 = arith.index_cast %get3A_432 : i32 to index
      %get3A_435 = arith.constant 32 : index
      %get3A_436 = tpu.vector_load %arg6[%get3A_433, %get3A_434, %get3A_435] {strides = array<i32>} : memref<4x100x64xf32, #tpu.memory_space<vmem>>, vector<1x1x16xf32>,
      %get3A_437 = vector.shape_cast %get3A_436 : vector<1x1x16xf32> to vector<16xf32>
      %add3A_438 = arith.addf %add3A_410, %get3A_437 : vector<16xf32>
      %get3A_439 = arith.constant 13 : i32
      %get3A_440 = arith.index_cast %rem3A_44 : i32 to index
      %get3A_441 = arith.index_cast %get3A_439 : i32 to index
      %get3A_442 = arith.constant 48 : index
      %get3A_443 = tpu.vector_load %arg6[%get3A_440, %get3A_441, %get3A_442] {strides = array<i32>} : memref<4x100x64xf32, #tpu.memory_space<vmem>>, vector<1x1x16xf32>,
      %get3A_444 = vector.shape_cast %get3A_443 : vector<1x1x16xf32> to vector<16xf32>
      %add3A_445 = arith.addf %add3A_417, %get3A_444 : vector<16xf32>
      %get3A_446 = arith.constant 14 : i32
      %get3A_447 = arith.index_cast %rem3A_44 : i32 to index
      %get3A_448 = arith.index_cast %get3A_446 : i32 to index
      %get3A_449 = arith.constant 0 : index
      %get3A_450 = tpu.vector_load %arg6[%get3A_447, %get3A_448, %get3A_449] {strides = array<i32>} : memref<4x100x64xf32, #tpu.memory_space<vmem>>, vector<1x1x16xf32>,
      %get3A_451 = vector.shape_cast %get3A_450 : vector<1x1x16xf32> to vector<16xf32>
      %add3A_452 = arith.addf %add3A_424, %get3A_451 : vector<16xf32>
      %get3A_453 = arith.constant 14 : i32
      %get3A_454 = arith.index_cast %rem3A_44 : i32 to index
      %get3A_455 = arith.index_cast %get3A_453 : i32 to index
      %get3A_456 = arith.constant 16 : index
      %get3A_457 = tpu.vector_load %arg6[%get3A_454, %get3A_455, %get3A_456] {strides = array<i32>} : memref<4x100x64xf32, #tpu.memory_space<vmem>>, vector<1x1x16xf32>,
      %get3A_458 = vector.shape_cast %get3A_457 : vector<1x1x16xf32> to vector<16xf32>
      %add3A_459 = arith.addf %add3A_431, %get3A_458 : vector<16xf32>
      %get3A_460 = arith.constant 14 : i32
      %get3A_461 = arith.index_cast %rem3A_44 : i32 to index
      %get3A_462 = arith.index_cast %get3A_460 : i32 to index
      %get3A_463 = arith.constant 32 : index
      %get3A_464 = tpu.vector_load %arg6[%get3A_461, %get3A_462, %get3A_463] {strides = array<i32>} : memref<4x100x64xf32, #tpu.memory_space<vmem>>, vector<1x1x16xf32>,
      %get3A_465 = vector.shape_cast %get3A_464 : vector<1x1x16xf32> to vector<16xf32>
      %add3A_466 = arith.addf %add3A_438, %get3A_465 : vector<16xf32>
      %get3A_467 = arith.constant 14 : i32
      %get3A_468 = arith.index_cast %rem3A_44 : i32 to index
      %get3A_469 = arith.index_cast %get3A_467 : i32 to index
      %get3A_470 = arith.constant 48 : index
      %get3A_471 = tpu.vector_load %arg6[%get3A_468, %get3A_469, %get3A_470] {strides = array<i32>} : memref<4x100x64xf32, #tpu.memory_space<vmem>>, vector<1x1x16xf32>,
      %get3A_472 = vector.shape_cast %get3A_471 : vector<1x1x16xf32> to vector<16xf32>
      %add3A_473 = arith.addf %add3A_445, %get3A_472 : vector<16xf32>
      %get3A_474 = arith.constant 15 : i32
      %get3A_475 = arith.index_cast %rem3A_44 : i32 to index
      %get3A_476 = arith.index_cast %get3A_474 : i32 to index
      %get3A_477 = arith.constant 0 : index
      %get3A_478 = tpu.vector_load %arg6[%get3A_475, %get3A_476, %get3A_477] {strides = array<i32>} : memref<4x100x64xf32, #tpu.memory_space<vmem>>, vector<1x1x16xf32>,
      %get3A_479 = vector.shape_cast %get3A_478 : vector<1x1x16xf32> to vector<16xf32>
      %add3A_480 = arith.addf %add3A_452, %get3A_479 : vector<16xf32>
      %get3A_481 = arith.constant 15 : i32
      %get3A_482 = arith.index_cast %rem3A_44 : i32 to index
      %get3A_483 = arith.index_cast %get3A_481 : i32 to index
      %get3A_484 = arith.constant 16 : index
      %get3A_485 = tpu.vector_load %arg6[%get3A_482, %get3A_483, %get3A_484] {strides = array<i32>} : memref<4x100x64xf32, #tpu.memory_space<vmem>>, vector<1x1x16xf32>,
      %get3A_486 = vector.shape_cast %get3A_485 : vector<1x1x16xf32> to vector<16xf32>
      %add3A_487 = arith.addf %add3A_459, %get3A_486 : vector<16xf32>
      %get3A_488 = arith.constant 15 : i32
      %get3A_489 = arith.index_cast %rem3A_44 : i32 to index
      %get3A_490 = arith.index_cast %get3A_488 : i32 to index
      %get3A_491 = arith.constant 32 : index
      %get3A_492 = tpu.vector_load %arg6[%get3A_489, %get3A_490, %get3A_491] {strides = array<i32>} : memref<4x100x64xf32, #tpu.memory_space<vmem>>, vector<1x1x16xf32>,
      %get3A_493 = vector.shape_cast %get3A_492 : vector<1x1x16xf32> to vector<16xf32>
      %add3A_494 = arith.addf %add3A_466, %get3A_493 : vector<16xf32>
      %get3A_495 = arith.constant 15 : i32
      %get3A_496 = arith.index_cast %rem3A_44 : i32 to index
      %get3A_497 = arith.index_cast %get3A_495 : i32 to index
      %get3A_498 = arith.constant 48 : index
      %get3A_499 = tpu.vector_load %arg6[%get3A_496, %get3A_497, %get3A_498] {strides = array<i32>} : memref<4x100x64xf32, #tpu.memory_space<vmem>>, vector<1x1x16xf32>,
      %get3A_500 = vector.shape_cast %get3A_499 : vector<1x1x16xf32> to vector<16xf32>
      %add3A_501 = arith.addf %add3A_473, %get3A_500 : vector<16xf32>
      %get3A_502 = arith.constant 16 : i32
      %get3A_503 = arith.index_cast %rem3A_44 : i32 to index
      %get3A_504 = arith.index_cast %get3A_502 : i32 to index
      %get3A_505 = arith.constant 0 : index
      %get3A_506 = tpu.vector_load %arg6[%get3A_503, %get3A_504, %get3A_505] {strides = array<i32>} : memref<4x100x64xf32, #tpu.memory_space<vmem>>, vector<1x1x16xf32>,
      %get3A_507 = vector.shape_cast %get3A_506 : vector<1x1x16xf32> to vector<16xf32>
      %add3A_508 = arith.addf %add3A_480, %get3A_507 : vector<16xf32>
      %get3A_509 = arith.constant 16 : i32
      %get3A_510 = arith.index_cast %rem3A_44 : i32 to index
      %get3A_511 = arith.index_cast %get3A_509 : i32 to index
      %get3A_512 = arith.constant 16 : index
      %get3A_513 = tpu.vector_load %arg6[%get3A_510, %get3A_511, %get3A_512] {strides = array<i32>} : memref<4x100x64xf32, #tpu.memory_space<vmem>>, vector<1x1x16xf32>,
      %get3A_514 = vector.shape_cast %get3A_513 : vector<1x1x16xf32> to vector<16xf32>
      %add3A_515 = arith.addf %add3A_487, %get3A_514 : vector<16xf32>
      %get3A_516 = arith.constant 16 : i32
      %get3A_517 = arith.index_cast %rem3A_44 : i32 to index
      %get3A_518 = arith.index_cast %get3A_516 : i32 to index
      %get3A_519 = arith.constant 32 : index
      %get3A_520 = tpu.vector_load %arg6[%get3A_517, %get3A_518, %get3A_519] {strides = array<i32>} : memref<4x100x64xf32, #tpu.memory_space<vmem>>, vector<1x1x16xf32>,
      %get3A_521 = vector.shape_cast %get3A_520 : vector<1x1x16xf32> to vector<16xf32>
      %add3A_522 = arith.addf %add3A_494, %get3A_521 : vector<16xf32>
      %get3A_523 = arith.constant 16 : i32
      %get3A_524 = arith.index_cast %rem3A_44 : i32 to index
      %get3A_525 = arith.index_cast %get3A_523 : i32 to index
      %get3A_526 = arith.constant 48 : index
      %get3A_527 = tpu.vector_load %arg6[%get3A_524, %get3A_525, %get3A_526] {strides = array<i32>} : memref<4x100x64xf32, #tpu.memory_space<vmem>>, vector<1x1x16xf32>,
      %get3A_528 = vector.shape_cast %get3A_527 : vector<1x1x16xf32> to vector<16xf32>
      %add3A_529 = arith.addf %add3A_501, %get3A_528 : vector<16xf32>
      %get3A_530 = arith.constant 17 : i32
      %get3A_531 = arith.index_cast %rem3A_44 : i32 to index
      %get3A_532 = arith.index_cast %get3A_530 : i32 to index
      %get3A_533 = arith.constant 0 : index
      %get3A_534 = tpu.vector_load %arg6[%get3A_531, %get3A_532, %get3A_533] {strides = array<i32>} : memref<4x100x64xf32, #tpu.memory_space<vmem>>, vector<1x1x16xf32>,
      %get3A_535 = vector.shape_cast %get3A_534 : vector<1x1x16xf32> to vector<16xf32>
      %add3A_536 = arith.addf %add3A_508, %get3A_535 : vector<16xf32>
      %get3A_537 = arith.constant 17 : i32
      %get3A_538 = arith.index_cast %rem3A_44 : i32 to index
      %get3A_539 = arith.index_cast %get3A_537 : i32 to index
      %get3A_540 = arith.constant 16 : index
      %get3A_541 = tpu.vector_load %arg6[%get3A_538, %get3A_539, %get3A_540] {strides = array<i32>} : memref<4x100x64xf32, #tpu.memory_space<vmem>>, vector<1x1x16xf32>,
      %get3A_542 = vector.shape_cast %get3A_541 : vector<1x1x16xf32> to vector<16xf32>
      %add3A_543 = arith.addf %add3A_515, %get3A_542 : vector<16xf32>
      %get3A_544 = arith.constant 17 : i32
      %get3A_545 = arith.index_cast %rem3A_44 : i32 to index
      %get3A_546 = arith.index_cast %get3A_544 : i32 to index
      %get3A_547 = arith.constant 32 : index
      %get3A_548 = tpu.vector_load %arg6[%get3A_545, %get3A_546, %get3A_547] {strides = array<i32>} : memref<4x100x64xf32, #tpu.memory_space<vmem>>, vector<1x1x16xf32>,
      %get3A_549 = vector.shape_cast %get3A_548 : vector<1x1x16xf32> to vector<16xf32>
      %add3A_550 = arith.addf %add3A_522, %get3A_549 : vector<16xf32>
      %get3A_551 = arith.constant 17 : i32
      %get3A_552 = arith.index_cast %rem3A_44 : i32 to index
      %get3A_553 = arith.index_cast %get3A_551 : i32 to index
      %get3A_554 = arith.constant 48 : index
      %get3A_555 = tpu.vector_load %arg6[%get3A_552, %get3A_553, %get3A_554] {strides = array<i32>} : memref<4x100x64xf32, #tpu.memory_space<vmem>>, vector<1x1x16xf32>,
      %get3A_556 = vector.shape_cast %get3A_555 : vector<1x1x16xf32> to vector<16xf32>
      %add3A_557 = arith.addf %add3A_529, %get3A_556 : vector<16xf32>
      %get3A_558 = arith.constant 18 : i32
      %get3A_559 = arith.index_cast %rem3A_44 : i32 to index
      %get3A_560 = arith.index_cast %get3A_558 : i32 to index
      %get3A_561 = arith.constant 0 : index
      %get3A_562 = tpu.vector_load %arg6[%get3A_559, %get3A_560, %get3A_561] {strides = array<i32>} : memref<4x100x64xf32, #tpu.memory_space<vmem>>, vector<1x1x16xf32>,
      %get3A_563 = vector.shape_cast %get3A_562 : vector<1x1x16xf32> to vector<16xf32>
      %add3A_564 = arith.addf %add3A_536, %get3A_563 : vector<16xf32>
      %get3A_565 = arith.constant 18 : i32
      %get3A_566 = arith.index_cast %rem3A_44 : i32 to index
      %get3A_567 = arith.index_cast %get3A_565 : i32 to index
      %get3A_568 = arith.constant 16 : index
      %get3A_569 = tpu.vector_load %arg6[%get3A_566, %get3A_567, %get3A_568] {strides = array<i32>} : memref<4x100x64xf32, #tpu.memory_space<vmem>>, vector<1x1x16xf32>,
      %get3A_570 = vector.shape_cast %get3A_569 : vector<1x1x16xf32> to vector<16xf32>
      %add3A_571 = arith.addf %add3A_543, %get3A_570 : vector<16xf32>
      %get3A_572 = arith.constant 18 : i32
      %get3A_573 = arith.index_cast %rem3A_44 : i32 to index
      %get3A_574 = arith.index_cast %get3A_572 : i32 to index
      %get3A_575 = arith.constant 32 : index
      %get3A_576 = tpu.vector_load %arg6[%get3A_573, %get3A_574, %get3A_575] {strides = array<i32>} : memref<4x100x64xf32, #tpu.memory_space<vmem>>, vector<1x1x16xf32>,
      %get3A_577 = vector.shape_cast %get3A_576 : vector<1x1x16xf32> to vector<16xf32>
      %add3A_578 = arith.addf %add3A_550, %get3A_577 : vector<16xf32>
      %get3A_579 = arith.constant 18 : i32
      %get3A_580 = arith.index_cast %rem3A_44 : i32 to index
      %get3A_581 = arith.index_cast %get3A_579 : i32 to index
      %get3A_582 = arith.constant 48 : index
      %get3A_583 = tpu.vector_load %arg6[%get3A_580, %get3A_581, %get3A_582] {strides = array<i32>} : memref<4x100x64xf32, #tpu.memory_space<vmem>>, vector<1x1x16xf32>,
      %get3A_584 = vector.shape_cast %get3A_583 : vector<1x1x16xf32> to vector<16xf32>
      %add3A_585 = arith.addf %add3A_557, %get3A_584 : vector<16xf32>
      %get3A_586 = arith.constant 19 : i32
      %get3A_587 = arith.index_cast %rem3A_44 : i32 to index
      %get3A_588 = arith.index_cast %get3A_586 : i32 to index
      %get3A_589 = arith.constant 0 : index
      %get3A_590 = tpu.vector_load %arg6[%get3A_587, %get3A_588, %get3A_589] {strides = array<i32>} : memref<4x100x64xf32, #tpu.memory_space<vmem>>, vector<1x1x16xf32>,
      %get3A_591 = vector.shape_cast %get3A_590 : vector<1x1x16xf32> to vector<16xf32>
      %add3A_592 = arith.addf %add3A_564, %get3A_591 : vector<16xf32>
      %get3A_593 = arith.constant 19 : i32
      %get3A_594 = arith.index_cast %rem3A_44 : i32 to index
      %get3A_595 = arith.index_cast %get3A_593 : i32 to index
      %get3A_596 = arith.constant 16 : index
      %get3A_597 = tpu.vector_load %arg6[%get3A_594, %get3A_595, %get3A_596] {strides = array<i32>} : memref<4x100x64xf32, #tpu.memory_space<vmem>>, vector<1x1x16xf32>,
      %get3A_598 = vector.shape_cast %get3A_597 : vector<1x1x16xf32> to vector<16xf32>
      %add3A_599 = arith.addf %add3A_571, %get3A_598 : vector<16xf32>
      %get3A_600 = arith.constant 19 : i32
      %get3A_601 = arith.index_cast %rem3A_44 : i32 to index
      %get3A_602 = arith.index_cast %get3A_600 : i32 to index
      %get3A_603 = arith.constant 32 : index
      %get3A_604 = tpu.vector_load %arg6[%get3A_601, %get3A_602, %get3A_603] {strides = array<i32>} : memref<4x100x64xf32, #tpu.memory_space<vmem>>, vector<1x1x16xf32>,
      %get3A_605 = vector.shape_cast %get3A_604 : vector<1x1x16xf32> to vector<16xf32>
      %add3A_606 = arith.addf %add3A_578, %get3A_605 : vector<16xf32>
      %get3A_607 = arith.constant 19 : i32
      %get3A_608 = arith.index_cast %rem3A_44 : i32 to index
      %get3A_609 = arith.index_cast %get3A_607 : i32 to index
      %get3A_610 = arith.constant 48 : index
      %get3A_611 = tpu.vector_load %arg6[%get3A_608, %get3A_609, %get3A_610] {strides = array<i32>} : memref<4x100x64xf32, #tpu.memory_space<vmem>>, vector<1x1x16xf32>,
      %get3A_612 = vector.shape_cast %get3A_611 : vector<1x1x16xf32> to vector<16xf32>
      %add3A_613 = arith.addf %add3A_585, %get3A_612 : vector<16xf32>
      %get3A_614 = arith.constant 20 : i32
      %get3A_615 = arith.index_cast %rem3A_44 : i32 to index
      %get3A_616 = arith.index_cast %get3A_614 : i32 to index
      %get3A_617 = arith.constant 0 : index
      %get3A_618 = tpu.vector_load %arg6[%get3A_615, %get3A_616, %get3A_617] {strides = array<i32>} : memref<4x100x64xf32, #tpu.memory_space<vmem>>, vector<1x1x16xf32>,
      %get3A_619 = vector.shape_cast %get3A_618 : vector<1x1x16xf32> to vector<16xf32>
      %add3A_620 = arith.addf %add3A_592, %get3A_619 : vector<16xf32>
      %get3A_621 = arith.constant 20 : i32
      %get3A_622 = arith.index_cast %rem3A_44 : i32 to index
      %get3A_623 = arith.index_cast %get3A_621 : i32 to index
      %get3A_624 = arith.constant 16 : index
      %get3A_625 = tpu.vector_load %arg6[%get3A_622, %get3A_623, %get3A_624] {strides = array<i32>} : memref<4x100x64xf32, #tpu.memory_space<vmem>>, vector<1x1x16xf32>,
      %get3A_626 = vector.shape_cast %get3A_625 : vector<1x1x16xf32> to vector<16xf32>
      %add3A_627 = arith.addf %add3A_599, %get3A_626 : vector<16xf32>
      %get3A_628 = arith.constant 20 : i32
      %get3A_629 = arith.index_cast %rem3A_44 : i32 to index
      %get3A_630 = arith.index_cast %get3A_628 : i32 to index
      %get3A_631 = arith.constant 32 : index
      %get3A_632 = tpu.vector_load %arg6[%get3A_629, %get3A_630, %get3A_631] {strides = array<i32>} : memref<4x100x64xf32, #tpu.memory_space<vmem>>, vector<1x1x16xf32>,
      %get3A_633 = vector.shape_cast %get3A_632 : vector<1x1x16xf32> to vector<16xf32>
      %add3A_634 = arith.addf %add3A_606, %get3A_633 : vector<16xf32>
      %get3A_635 = arith.constant 20 : i32
      %get3A_636 = arith.index_cast %rem3A_44 : i32 to index
      %get3A_637 = arith.index_cast %get3A_635 : i32 to index
      %get3A_638 = arith.constant 48 : index
      %get3A_639 = tpu.vector_load %arg6[%get3A_636, %get3A_637, %get3A_638] {strides = array<i32>} : memref<4x100x64xf32, #tpu.memory_space<vmem>>, vector<1x1x16xf32>,
      %get3A_640 = vector.shape_cast %get3A_639 : vector<1x1x16xf32> to vector<16xf32>
      %add3A_641 = arith.addf %add3A_613, %get3A_640 : vector<16xf32>
      %get3A_642 = arith.constant 21 : i32
      %get3A_643 = arith.index_cast %rem3A_44 : i32 to index
      %get3A_644 = arith.index_cast %get3A_642 : i32 to index
      %get3A_645 = arith.constant 0 : index
      %get3A_646 = tpu.vector_load %arg6[%get3A_643, %get3A_644, %get3A_645] {strides = array<i32>} : memref<4x100x64xf32, #tpu.memory_space<vmem>>, vector<1x1x16xf32>,
      %get3A_647 = vector.shape_cast %get3A_646 : vector<1x1x16xf32> to vector<16xf32>
      %add3A_648 = arith.addf %add3A_620, %get3A_647 : vector<16xf32>
      %get3A_649 = arith.constant 21 : i32
      %get3A_650 = arith.index_cast %rem3A_44 : i32 to index
      %get3A_651 = arith.index_cast %get3A_649 : i32 to index
      %get3A_652 = arith.constant 16 : index
      %get3A_653 = tpu.vector_load %arg6[%get3A_650, %get3A_651, %get3A_652] {strides = array<i32>} : memref<4x100x64xf32, #tpu.memory_space<vmem>>, vector<1x1x16xf32>,
      %get3A_654 = vector.shape_cast %get3A_653 : vector<1x1x16xf32> to vector<16xf32>
      %add3A_655 = arith.addf %add3A_627, %get3A_654 : vector<16xf32>
      %get3A_656 = arith.constant 21 : i32
      %get3A_657 = arith.index_cast %rem3A_44 : i32 to index
      %get3A_658 = arith.index_cast %get3A_656 : i32 to index
      %get3A_659 = arith.constant 32 : index
      %get3A_660 = tpu.vector_load %arg6[%get3A_657, %get3A_658, %get3A_659] {strides = array<i32>} : memref<4x100x64xf32, #tpu.memory_space<vmem>>, vector<1x1x16xf32>,
      %get3A_661 = vector.shape_cast %get3A_660 : vector<1x1x16xf32> to vector<16xf32>
      %add3A_662 = arith.addf %add3A_634, %get3A_661 : vector<16xf32>
      %get3A_663 = arith.constant 21 : i32
      %get3A_664 = arith.index_cast %rem3A_44 : i32 to index
      %get3A_665 = arith.index_cast %get3A_663 : i32 to index
      %get3A_666 = arith.constant 48 : index
      %get3A_667 = tpu.vector_load %arg6[%get3A_664, %get3A_665, %get3A_666] {strides = array<i32>} : memref<4x100x64xf32, #tpu.memory_space<vmem>>, vector<1x1x16xf32>,
      %get3A_668 = vector.shape_cast %get3A_667 : vector<1x1x16xf32> to vector<16xf32>
      %add3A_669 = arith.addf %add3A_641, %get3A_668 : vector<16xf32>
      %get3A_670 = arith.constant 22 : i32
      %get3A_671 = arith.index_cast %rem3A_44 : i32 to index
      %get3A_672 = arith.index_cast %get3A_670 : i32 to index
      %get3A_673 = arith.constant 0 : index
      %get3A_674 = tpu.vector_load %arg6[%get3A_671, %get3A_672, %get3A_673] {strides = array<i32>} : memref<4x100x64xf32, #tpu.memory_space<vmem>>, vector<1x1x16xf32>,
      %get3A_675 = vector.shape_cast %get3A_674 : vector<1x1x16xf32> to vector<16xf32>
      %add3A_676 = arith.addf %add3A_648, %get3A_675 : vector<16xf32>
      %get3A_677 = arith.constant 22 : i32
      %get3A_678 = arith.index_cast %rem3A_44 : i32 to index
      %get3A_679 = arith.index_cast %get3A_677 : i32 to index
      %get3A_680 = arith.constant 16 : index
      %get3A_681 = tpu.vector_load %arg6[%get3A_678, %get3A_679, %get3A_680] {strides = array<i32>} : memref<4x100x64xf32, #tpu.memory_space<vmem>>, vector<1x1x16xf32>,
      %get3A_682 = vector.shape_cast %get3A_681 : vector<1x1x16xf32> to vector<16xf32>
      %add3A_683 = arith.addf %add3A_655, %get3A_682 : vector<16xf32>
      %get3A_684 = arith.constant 22 : i32
      %get3A_685 = arith.index_cast %rem3A_44 : i32 to index
      %get3A_686 = arith.index_cast %get3A_684 : i32 to index
      %get3A_687 = arith.constant 32 : index
      %get3A_688 = tpu.vector_load %arg6[%get3A_685, %get3A_686, %get3A_687] {strides = array<i32>} : memref<4x100x64xf32, #tpu.memory_space<vmem>>, vector<1x1x16xf32>,
      %get3A_689 = vector.shape_cast %get3A_688 : vector<1x1x16xf32> to vector<16xf32>
      %add3A_690 = arith.addf %add3A_662, %get3A_689 : vector<16xf32>
      %get3A_691 = arith.constant 22 : i32
      %get3A_692 = arith.index_cast %rem3A_44 : i32 to index
      %get3A_693 = arith.index_cast %get3A_691 : i32 to index
      %get3A_694 = arith.constant 48 : index
      %get3A_695 = tpu.vector_load %arg6[%get3A_692, %get3A_693, %get3A_694] {strides = array<i32>} : memref<4x100x64xf32, #tpu.memory_space<vmem>>, vector<1x1x16xf32>,
      %get3A_696 = vector.shape_cast %get3A_695 : vector<1x1x16xf32> to vector<16xf32>
      %add3A_697 = arith.addf %add3A_669, %get3A_696 : vector<16xf32>
      %get3A_698 = arith.constant 23 : i32
      %get3A_699 = arith.index_cast %rem3A_44 : i32 to index
      %get3A_700 = arith.index_cast %get3A_698 : i32 to index
      %get3A_701 = arith.constant 0 : index
      %get3A_702 = tpu.vector_load %arg6[%get3A_699, %get3A_700, %get3A_701] {strides = array<i32>} : memref<4x100x64xf32, #tpu.memory_space<vmem>>, vector<1x1x16xf32>,
      %get3A_703 = vector.shape_cast %get3A_702 : vector<1x1x16xf32> to vector<16xf32>
      %add3A_704 = arith.addf %add3A_676, %get3A_703 : vector<16xf32>
      %get3A_705 = arith.constant 23 : i32
      %get3A_706 = arith.index_cast %rem3A_44 : i32 to index
      %get3A_707 = arith.index_cast %get3A_705 : i32 to index
      %get3A_708 = arith.constant 16 : index
      %get3A_709 = tpu.vector_load %arg6[%get3A_706, %get3A_707, %get3A_708] {strides = array<i32>} : memref<4x100x64xf32, #tpu.memory_space<vmem>>, vector<1x1x16xf32>,
      %get3A_710 = vector.shape_cast %get3A_709 : vector<1x1x16xf32> to vector<16xf32>
      %add3A_711 = arith.addf %add3A_683, %get3A_710 : vector<16xf32>
      %get3A_712 = arith.constant 23 : i32
      %get3A_713 = arith.index_cast %rem3A_44 : i32 to index
      %get3A_714 = arith.index_cast %get3A_712 : i32 to index
      %get3A_715 = arith.constant 32 : index
      %get3A_716 = tpu.vector_load %arg6[%get3A_713, %get3A_714, %get3A_715] {strides = array<i32>} : memref<4x100x64xf32, #tpu.memory_space<vmem>>, vector<1x1x16xf32>,
      %get3A_717 = vector.shape_cast %get3A_716 : vector<1x1x16xf32> to vector<16xf32>
      %add3A_718 = arith.addf %add3A_690, %get3A_717 : vector<16xf32>
      %get3A_719 = arith.constant 23 : i32
      %get3A_720 = arith.index_cast %rem3A_44 : i32 to index
      %get3A_721 = arith.index_cast %get3A_719 : i32 to index
      %get3A_722 = arith.constant 48 : index
      %get3A_723 = tpu.vector_load %arg6[%get3A_720, %get3A_721, %get3A_722] {strides = array<i32>} : memref<4x100x64xf32, #tpu.memory_space<vmem>>, vector<1x1x16xf32>,
      %get3A_724 = vector.shape_cast %get3A_723 : vector<1x1x16xf32> to vector<16xf32>
      %add3A_725 = arith.addf %add3A_697, %get3A_724 : vector<16xf32>
      %get3A_726 = arith.constant 24 : i32
      %get3A_727 = arith.index_cast %rem3A_44 : i32 to index
      %get3A_728 = arith.index_cast %get3A_726 : i32 to index
      %get3A_729 = arith.constant 0 : index
      %get3A_730 = tpu.vector_load %arg6[%get3A_727, %get3A_728, %get3A_729] {strides = array<i32>} : memref<4x100x64xf32, #tpu.memory_space<vmem>>, vector<1x1x16xf32>,
      %get3A_731 = vector.shape_cast %get3A_730 : vector<1x1x16xf32> to vector<16xf32>
      %add3A_732 = arith.addf %add3A_704, %get3A_731 : vector<16xf32>
      %get3A_733 = arith.constant 24 : i32
      %get3A_734 = arith.index_cast %rem3A_44 : i32 to index
      %get3A_735 = arith.index_cast %get3A_733 : i32 to index
      %get3A_736 = arith.constant 16 : index
      %get3A_737 = tpu.vector_load %arg6[%get3A_734, %get3A_735, %get3A_736] {strides = array<i32>} : memref<4x100x64xf32, #tpu.memory_space<vmem>>, vector<1x1x16xf32>,
      %get3A_738 = vector.shape_cast %get3A_737 : vector<1x1x16xf32> to vector<16xf32>
      %add3A_739 = arith.addf %add3A_711, %get3A_738 : vector<16xf32>
      %get3A_740 = arith.constant 24 : i32
      %get3A_741 = arith.index_cast %rem3A_44 : i32 to index
      %get3A_742 = arith.index_cast %get3A_740 : i32 to index
      %get3A_743 = arith.constant 32 : index
      %get3A_744 = tpu.vector_load %arg6[%get3A_741, %get3A_742, %get3A_743] {strides = array<i32>} : memref<4x100x64xf32, #tpu.memory_space<vmem>>, vector<1x1x16xf32>,
      %get3A_745 = vector.shape_cast %get3A_744 : vector<1x1x16xf32> to vector<16xf32>
      %add3A_746 = arith.addf %add3A_718, %get3A_745 : vector<16xf32>
      %get3A_747 = arith.constant 24 : i32
      %get3A_748 = arith.index_cast %rem3A_44 : i32 to index
      %get3A_749 = arith.index_cast %get3A_747 : i32 to index
      %get3A_750 = arith.constant 48 : index
      %get3A_751 = tpu.vector_load %arg6[%get3A_748, %get3A_749, %get3A_750] {strides = array<i32>} : memref<4x100x64xf32, #tpu.memory_space<vmem>>, vector<1x1x16xf32>,
      %get3A_752 = vector.shape_cast %get3A_751 : vector<1x1x16xf32> to vector<16xf32>
      %add3A_753 = arith.addf %add3A_725, %get3A_752 : vector<16xf32>
      %get3A_754 = arith.constant 25 : i32
      %get3A_755 = arith.index_cast %rem3A_44 : i32 to index
      %get3A_756 = arith.index_cast %get3A_754 : i32 to index
      %get3A_757 = arith.constant 0 : index
      %get3A_758 = tpu.vector_load %arg6[%get3A_755, %get3A_756, %get3A_757] {strides = array<i32>} : memref<4x100x64xf32, #tpu.memory_space<vmem>>, vector<1x1x16xf32>,
      %get3A_759 = vector.shape_cast %get3A_758 : vector<1x1x16xf32> to vector<16xf32>
      %add3A_760 = arith.addf %add3A_732, %get3A_759 : vector<16xf32>
      %get3A_761 = arith.constant 25 : i32
      %get3A_762 = arith.index_cast %rem3A_44 : i32 to index
      %get3A_763 = arith.index_cast %get3A_761 : i32 to index
      %get3A_764 = arith.constant 16 : index
      %get3A_765 = tpu.vector_load %arg6[%get3A_762, %get3A_763, %get3A_764] {strides = array<i32>} : memref<4x100x64xf32, #tpu.memory_space<vmem>>, vector<1x1x16xf32>,
      %get3A_766 = vector.shape_cast %get3A_765 : vector<1x1x16xf32> to vector<16xf32>
      %add3A_767 = arith.addf %add3A_739, %get3A_766 : vector<16xf32>
      %get3A_768 = arith.constant 25 : i32
      %get3A_769 = arith.index_cast %rem3A_44 : i32 to index
      %get3A_770 = arith.index_cast %get3A_768 : i32 to index
      %get3A_771 = arith.constant 32 : index
      %get3A_772 = tpu.vector_load %arg6[%get3A_769, %get3A_770, %get3A_771] {strides = array<i32>} : memref<4x100x64xf32, #tpu.memory_space<vmem>>, vector<1x1x16xf32>,
      %get3A_773 = vector.shape_cast %get3A_772 : vector<1x1x16xf32> to vector<16xf32>
      %add3A_774 = arith.addf %add3A_746, %get3A_773 : vector<16xf32>
      %get3A_775 = arith.constant 25 : i32
      %get3A_776 = arith.index_cast %rem3A_44 : i32 to index
      %get3A_777 = arith.index_cast %get3A_775 : i32 to index
      %get3A_778 = arith.constant 48 : index
      %get3A_779 = tpu.vector_load %arg6[%get3A_776, %get3A_777, %get3A_778] {strides = array<i32>} : memref<4x100x64xf32, #tpu.memory_space<vmem>>, vector<1x1x16xf32>,
      %get3A_780 = vector.shape_cast %get3A_779 : vector<1x1x16xf32> to vector<16xf32>
      %add3A_781 = arith.addf %add3A_753, %get3A_780 : vector<16xf32>
      %get3A_782 = arith.constant 26 : i32
      %get3A_783 = arith.index_cast %rem3A_44 : i32 to index
      %get3A_784 = arith.index_cast %get3A_782 : i32 to index
      %get3A_785 = arith.constant 0 : index
      %get3A_786 = tpu.vector_load %arg6[%get3A_783, %get3A_784, %get3A_785] {strides = array<i32>} : memref<4x100x64xf32, #tpu.memory_space<vmem>>, vector<1x1x16xf32>,
      %get3A_787 = vector.shape_cast %get3A_786 : vector<1x1x16xf32> to vector<16xf32>
      %add3A_788 = arith.addf %add3A_760, %get3A_787 : vector<16xf32>
      %get3A_789 = arith.constant 26 : i32
      %get3A_790 = arith.index_cast %rem3A_44 : i32 to index
      %get3A_791 = arith.index_cast %get3A_789 : i32 to index
      %get3A_792 = arith.constant 16 : index
      %get3A_793 = tpu.vector_load %arg6[%get3A_790, %get3A_791, %get3A_792] {strides = array<i32>} : memref<4x100x64xf32, #tpu.memory_space<vmem>>, vector<1x1x16xf32>,
      %get3A_794 = vector.shape_cast %get3A_793 : vector<1x1x16xf32> to vector<16xf32>
      %add3A_795 = arith.addf %add3A_767, %get3A_794 : vector<16xf32>
      %get3A_796 = arith.constant 26 : i32
      %get3A_797 = arith.index_cast %rem3A_44 : i32 to index
      %get3A_798 = arith.index_cast %get3A_796 : i32 to index
      %get3A_799 = arith.constant 32 : index
      %get3A_800 = tpu.vector_load %arg6[%get3A_797, %get3A_798, %get3A_799] {strides = array<i32>} : memref<4x100x64xf32, #tpu.memory_space<vmem>>, vector<1x1x16xf32>,
      %get3A_801 = vector.shape_cast %get3A_800 : vector<1x1x16xf32> to vector<16xf32>
      %add3A_802 = arith.addf %add3A_774, %get3A_801 : vector<16xf32>
      %get3A_803 = arith.constant 26 : i32
      %get3A_804 = arith.index_cast %rem3A_44 : i32 to index
      %get3A_805 = arith.index_cast %get3A_803 : i32 to index
      %get3A_806 = arith.constant 48 : index
      %get3A_807 = tpu.vector_load %arg6[%get3A_804, %get3A_805, %get3A_806] {strides = array<i32>} : memref<4x100x64xf32, #tpu.memory_space<vmem>>, vector<1x1x16xf32>,
      %get3A_808 = vector.shape_cast %get3A_807 : vector<1x1x16xf32> to vector<16xf32>
      %add3A_809 = arith.addf %add3A_781, %get3A_808 : vector<16xf32>
      %get3A_810 = arith.constant 27 : i32
      %get3A_811 = arith.index_cast %rem3A_44 : i32 to index
      %get3A_812 = arith.index_cast %get3A_810 : i32 to index
      %get3A_813 = arith.constant 0 : index
      %get3A_814 = tpu.vector_load %arg6[%get3A_811, %get3A_812, %get3A_813] {strides = array<i32>} : memref<4x100x64xf32, #tpu.memory_space<vmem>>, vector<1x1x16xf32>,
      %get3A_815 = vector.shape_cast %get3A_814 : vector<1x1x16xf32> to vector<16xf32>
      %add3A_816 = arith.addf %add3A_788, %get3A_815 : vector<16xf32>
      %get3A_817 = arith.constant 27 : i32
      %get3A_818 = arith.index_cast %rem3A_44 : i32 to index
      %get3A_819 = arith.index_cast %get3A_817 : i32 to index
      %get3A_820 = arith.constant 16 : index
      %get3A_821 = tpu.vector_load %arg6[%get3A_818, %get3A_819, %get3A_820] {strides = array<i32>} : memref<4x100x64xf32, #tpu.memory_space<vmem>>, vector<1x1x16xf32>,
      %get3A_822 = vector.shape_cast %get3A_821 : vector<1x1x16xf32> to vector<16xf32>
      %add3A_823 = arith.addf %add3A_795, %get3A_822 : vector<16xf32>
      %get3A_824 = arith.constant 27 : i32
      %get3A_825 = arith.index_cast %rem3A_44 : i32 to index
      %get3A_826 = arith.index_cast %get3A_824 : i32 to index
      %get3A_827 = arith.constant 32 : index
      %get3A_828 = tpu.vector_load %arg6[%get3A_825, %get3A_826, %get3A_827] {strides = array<i32>} : memref<4x100x64xf32, #tpu.memory_space<vmem>>, vector<1x1x16xf32>,
      %get3A_829 = vector.shape_cast %get3A_828 : vector<1x1x16xf32> to vector<16xf32>
      %add3A_830 = arith.addf %add3A_802, %get3A_829 : vector<16xf32>
      %get3A_831 = arith.constant 27 : i32
      %get3A_832 = arith.index_cast %rem3A_44 : i32 to index
      %get3A_833 = arith.index_cast %get3A_831 : i32 to index
      %get3A_834 = arith.constant 48 : index
      %get3A_835 = tpu.vector_load %arg6[%get3A_832, %get3A_833, %get3A_834] {strides = array<i32>} : memref<4x100x64xf32, #tpu.memory_space<vmem>>, vector<1x1x16xf32>,
      %get3A_836 = vector.shape_cast %get3A_835 : vector<1x1x16xf32> to vector<16xf32>
      %add3A_837 = arith.addf %add3A_809, %get3A_836 : vector<16xf32>
      %get3A_838 = arith.constant 28 : i32
      %get3A_839 = arith.index_cast %rem3A_44 : i32 to index
      %get3A_840 = arith.index_cast %get3A_838 : i32 to index
      %get3A_841 = arith.constant 0 : index
      %get3A_842 = tpu.vector_load %arg6[%get3A_839, %get3A_840, %get3A_841] {strides = array<i32>} : memref<4x100x64xf32, #tpu.memory_space<vmem>>, vector<1x1x16xf32>,
      %get3A_843 = vector.shape_cast %get3A_842 : vector<1x1x16xf32> to vector<16xf32>
      %add3A_844 = arith.addf %add3A_816, %get3A_843 : vector<16xf32>
      %get3A_845 = arith.constant 28 : i32
      %get3A_846 = arith.index_cast %rem3A_44 : i32 to index
      %get3A_847 = arith.index_cast %get3A_845 : i32 to index
      %get3A_848 = arith.constant 16 : index
      %get3A_849 = tpu.vector_load %arg6[%get3A_846, %get3A_847, %get3A_848] {strides = array<i32>} : memref<4x100x64xf32, #tpu.memory_space<vmem>>, vector<1x1x16xf32>,
      %get3A_850 = vector.shape_cast %get3A_849 : vector<1x1x16xf32> to vector<16xf32>
      %add3A_851 = arith.addf %add3A_823, %get3A_850 : vector<16xf32>
      %get3A_852 = arith.constant 28 : i32
      %get3A_853 = arith.index_cast %rem3A_44 : i32 to index
      %get3A_854 = arith.index_cast %get3A_852 : i32 to index
      %get3A_855 = arith.constant 32 : index
      %get3A_856 = tpu.vector_load %arg6[%get3A_853, %get3A_854, %get3A_855] {strides = array<i32>} : memref<4x100x64xf32, #tpu.memory_space<vmem>>, vector<1x1x16xf32>,
      %get3A_857 = vector.shape_cast %get3A_856 : vector<1x1x16xf32> to vector<16xf32>
      %add3A_858 = arith.addf %add3A_830, %get3A_857 : vector<16xf32>
      %get3A_859 = arith.constant 28 : i32
      %get3A_860 = arith.index_cast %rem3A_44 : i32 to index
      %get3A_861 = arith.index_cast %get3A_859 : i32 to index
      %get3A_862 = arith.constant 48 : index
      %get3A_863 = tpu.vector_load %arg6[%get3A_860, %get3A_861, %get3A_862] {strides = array<i32>} : memref<4x100x64xf32, #tpu.memory_space<vmem>>, vector<1x1x16xf32>,
      %get3A_864 = vector.shape_cast %get3A_863 : vector<1x1x16xf32> to vector<16xf32>
      %add3A_865 = arith.addf %add3A_837, %get3A_864 : vector<16xf32>
      %get3A_866 = arith.constant 29 : i32
      %get3A_867 = arith.index_cast %rem3A_44 : i32 to index
      %get3A_868 = arith.index_cast %get3A_866 : i32 to index
      %get3A_869 = arith.constant 0 : index
      %get3A_870 = tpu.vector_load %arg6[%get3A_867, %get3A_868, %get3A_869] {strides = array<i32>} : memref<4x100x64xf32, #tpu.memory_space<vmem>>, vector<1x1x16xf32>,
      %get3A_871 = vector.shape_cast %get3A_870 : vector<1x1x16xf32> to vector<16xf32>
      %add3A_872 = arith.addf %add3A_844, %get3A_871 : vector<16xf32>
      %get3A_873 = arith.constant 29 : i32
      %get3A_874 = arith.index_cast %rem3A_44 : i32 to index
      %get3A_875 = arith.index_cast %get3A_873 : i32 to index
      %get3A_876 = arith.constant 16 : index
      %get3A_877 = tpu.vector_load %arg6[%get3A_874, %get3A_875, %get3A_876] {strides = array<i32>} : memref<4x100x64xf32, #tpu.memory_space<vmem>>, vector<1x1x16xf32>,
      %get3A_878 = vector.shape_cast %get3A_877 : vector<1x1x16xf32> to vector<16xf32>
      %add3A_879 = arith.addf %add3A_851, %get3A_878 : vector<16xf32>
      %get3A_880 = arith.constant 29 : i32
      %get3A_881 = arith.index_cast %rem3A_44 : i32 to index
      %get3A_882 = arith.index_cast %get3A_880 : i32 to index
      %get3A_883 = arith.constant 32 : index
      %get3A_884 = tpu.vector_load %arg6[%get3A_881, %get3A_882, %get3A_883] {strides = array<i32>} : memref<4x100x64xf32, #tpu.memory_space<vmem>>, vector<1x1x16xf32>,
      %get3A_885 = vector.shape_cast %get3A_884 : vector<1x1x16xf32> to vector<16xf32>
      %add3A_886 = arith.addf %add3A_858, %get3A_885 : vector<16xf32>
      %get3A_887 = arith.constant 29 : i32
      %get3A_888 = arith.index_cast %rem3A_44 : i32 to index
      %get3A_889 = arith.index_cast %get3A_887 : i32 to index
      %get3A_890 = arith.constant 48 : index
      %get3A_891 = tpu.vector_load %arg6[%get3A_888, %get3A_889, %get3A_890] {strides = array<i32>} : memref<4x100x64xf32, #tpu.memory_space<vmem>>, vector<1x1x16xf32>,
      %get3A_892 = vector.shape_cast %get3A_891 : vector<1x1x16xf32> to vector<16xf32>
      %add3A_893 = arith.addf %add3A_865, %get3A_892 : vector<16xf32>
      %get3A_894 = arith.constant 30 : i32
      %get3A_895 = arith.index_cast %rem3A_44 : i32 to index
      %get3A_896 = arith.index_cast %get3A_894 : i32 to index
      %get3A_897 = arith.constant 0 : index
      %get3A_898 = tpu.vector_load %arg6[%get3A_895, %get3A_896, %get3A_897] {strides = array<i32>} : memref<4x100x64xf32, #tpu.memory_space<vmem>>, vector<1x1x16xf32>,
      %get3A_899 = vector.shape_cast %get3A_898 : vector<1x1x16xf32> to vector<16xf32>
      %add3A_900 = arith.addf %add3A_872, %get3A_899 : vector<16xf32>
      %get3A_901 = arith.constant 30 : i32
      %get3A_902 = arith.index_cast %rem3A_44 : i32 to index
      %get3A_903 = arith.index_cast %get3A_901 : i32 to index
      %get3A_904 = arith.constant 16 : index
      %get3A_905 = tpu.vector_load %arg6[%get3A_902, %get3A_903, %get3A_904] {strides = array<i32>} : memref<4x100x64xf32, #tpu.memory_space<vmem>>, vector<1x1x16xf32>,
      %get3A_906 = vector.shape_cast %get3A_905 : vector<1x1x16xf32> to vector<16xf32>
      %add3A_907 = arith.addf %add3A_879, %get3A_906 : vector<16xf32>
      %get3A_908 = arith.constant 30 : i32
      %get3A_909 = arith.index_cast %rem3A_44 : i32 to index
      %get3A_910 = arith.index_cast %get3A_908 : i32 to index
      %get3A_911 = arith.constant 32 : index
      %get3A_912 = tpu.vector_load %arg6[%get3A_909, %get3A_910, %get3A_911] {strides = array<i32>} : memref<4x100x64xf32, #tpu.memory_space<vmem>>, vector<1x1x16xf32>,
      %get3A_913 = vector.shape_cast %get3A_912 : vector<1x1x16xf32> to vector<16xf32>
      %add3A_914 = arith.addf %add3A_886, %get3A_913 : vector<16xf32>
      %get3A_915 = arith.constant 30 : i32
      %get3A_916 = arith.index_cast %rem3A_44 : i32 to index
      %get3A_917 = arith.index_cast %get3A_915 : i32 to index
      %get3A_918 = arith.constant 48 : index
      %get3A_919 = tpu.vector_load %arg6[%get3A_916, %get3A_917, %get3A_918] {strides = array<i32>} : memref<4x100x64xf32, #tpu.memory_space<vmem>>, vector<1x1x16xf32>,
      %get3A_920 = vector.shape_cast %get3A_919 : vector<1x1x16xf32> to vector<16xf32>
      %add3A_921 = arith.addf %add3A_893, %get3A_920 : vector<16xf32>
      %get3A_922 = arith.constant 31 : i32
      %get3A_923 = arith.index_cast %rem3A_44 : i32 to index
      %get3A_924 = arith.index_cast %get3A_922 : i32 to index
      %get3A_925 = arith.constant 0 : index
      %get3A_926 = tpu.vector_load %arg6[%get3A_923, %get3A_924, %get3A_925] {strides = array<i32>} : memref<4x100x64xf32, #tpu.memory_space<vmem>>, vector<1x1x16xf32>,
      %get3A_927 = vector.shape_cast %get3A_926 : vector<1x1x16xf32> to vector<16xf32>
      %add3A_928 = arith.addf %add3A_900, %get3A_927 : vector<16xf32>
      %get3A_929 = arith.constant 31 : i32
      %get3A_930 = arith.index_cast %rem3A_44 : i32 to index
      %get3A_931 = arith.index_cast %get3A_929 : i32 to index
      %get3A_932 = arith.constant 16 : index
      %get3A_933 = tpu.vector_load %arg6[%get3A_930, %get3A_931, %get3A_932] {strides = array<i32>} : memref<4x100x64xf32, #tpu.memory_space<vmem>>, vector<1x1x16xf32>,
      %get3A_934 = vector.shape_cast %get3A_933 : vector<1x1x16xf32> to vector<16xf32>
      %add3A_935 = arith.addf %add3A_907, %get3A_934 : vector<16xf32>
      %get3A_936 = arith.constant 31 : i32
      %get3A_937 = arith.index_cast %rem3A_44 : i32 to index
      %get3A_938 = arith.index_cast %get3A_936 : i32 to index
      %get3A_939 = arith.constant 32 : index
      %get3A_940 = tpu.vector_load %arg6[%get3A_937, %get3A_938, %get3A_939] {strides = array<i32>} : memref<4x100x64xf32, #tpu.memory_space<vmem>>, vector<1x1x16xf32>,
      %get3A_941 = vector.shape_cast %get3A_940 : vector<1x1x16xf32> to vector<16xf32>
      %add3A_942 = arith.addf %add3A_914, %get3A_941 : vector<16xf32>
      %get3A_943 = arith.constant 31 : i32
      %get3A_944 = arith.index_cast %rem3A_44 : i32 to index
      %get3A_945 = arith.index_cast %get3A_943 : i32 to index
      %get3A_946 = arith.constant 48 : index
      %get3A_947 = tpu.vector_load %arg6[%get3A_944, %get3A_945, %get3A_946] {strides = array<i32>} : memref<4x100x64xf32, #tpu.memory_space<vmem>>, vector<1x1x16xf32>,
      %get3A_948 = vector.shape_cast %get3A_947 : vector<1x1x16xf32> to vector<16xf32>
      %add3A_949 = arith.addf %add3A_921, %get3A_948 : vector<16xf32>
      %get3A_950 = arith.constant 32 : i32
      %get3A_951 = arith.index_cast %rem3A_44 : i32 to index
      %get3A_952 = arith.index_cast %get3A_950 : i32 to index
      %get3A_953 = arith.constant 0 : index
      %get3A_954 = tpu.vector_load %arg6[%get3A_951, %get3A_952, %get3A_953] {strides = array<i32>} : memref<4x100x64xf32, #tpu.memory_space<vmem>>, vector<1x1x16xf32>,
      %get3A_955 = vector.shape_cast %get3A_954 : vector<1x1x16xf32> to vector<16xf32>
      %add3A_956 = arith.addf %add3A_928, %get3A_955 : vector<16xf32>
      %get3A_957 = arith.constant 32 : i32
      %get3A_958 = arith.index_cast %rem3A_44 : i32 to index
      %get3A_959 = arith.index_cast %get3A_957 : i32 to index
      %get3A_960 = arith.constant 16 : index
      %get3A_961 = tpu.vector_load %arg6[%get3A_958, %get3A_959, %get3A_960] {strides = array<i32>} : memref<4x100x64xf32, #tpu.memory_space<vmem>>, vector<1x1x16xf32>,
      %get3A_962 = vector.shape_cast %get3A_961 : vector<1x1x16xf32> to vector<16xf32>
      %add3A_963 = arith.addf %add3A_935, %get3A_962 : vector<16xf32>
      %get3A_964 = arith.constant 32 : i32
      %get3A_965 = arith.index_cast %rem3A_44 : i32 to index
      %get3A_966 = arith.index_cast %get3A_964 : i32 to index
      %get3A_967 = arith.constant 32 : index
      %get3A_968 = tpu.vector_load %arg6[%get3A_965, %get3A_966, %get3A_967] {strides = array<i32>} : memref<4x100x64xf32, #tpu.memory_space<vmem>>, vector<1x1x16xf32>,
      %get3A_969 = vector.shape_cast %get3A_968 : vector<1x1x16xf32> to vector<16xf32>
      %add3A_970 = arith.addf %add3A_942, %get3A_969 : vector<16xf32>
      %get3A_971 = arith.constant 32 : i32
      %get3A_972 = arith.index_cast %rem3A_44 : i32 to index
      %get3A_973 = arith.index_cast %get3A_971 : i32 to index
      %get3A_974 = arith.constant 48 : index
      %get3A_975 = tpu.vector_load %arg6[%get3A_972, %get3A_973, %get3A_974] {strides = array<i32>} : memref<4x100x64xf32, #tpu.memory_space<vmem>>, vector<1x1x16xf32>,
      %get3A_976 = vector.shape_cast %get3A_975 : vector<1x1x16xf32> to vector<16xf32>
      %add3A_977 = arith.addf %add3A_949, %get3A_976 : vector<16xf32>
      %get3A_978 = arith.constant 33 : i32
      %get3A_979 = arith.index_cast %rem3A_44 : i32 to index
      %get3A_980 = arith.index_cast %get3A_978 : i32 to index
      %get3A_981 = arith.constant 0 : index
      %get3A_982 = tpu.vector_load %arg6[%get3A_979, %get3A_980, %get3A_981] {strides = array<i32>} : memref<4x100x64xf32, #tpu.memory_space<vmem>>, vector<1x1x16xf32>,
      %get3A_983 = vector.shape_cast %get3A_982 : vector<1x1x16xf32> to vector<16xf32>
      %add3A_984 = arith.addf %add3A_956, %get3A_983 : vector<16xf32>
      %get3A_985 = arith.constant 33 : i32
      %get3A_986 = arith.index_cast %rem3A_44 : i32 to index
      %get3A_987 = arith.index_cast %get3A_985 : i32 to index
      %get3A_988 = arith.constant 16 : index
      %get3A_989 = tpu.vector_load %arg6[%get3A_986, %get3A_987, %get3A_988] {strides = array<i32>} : memref<4x100x64xf32, #tpu.memory_space<vmem>>, vector<1x1x16xf32>,
      %get3A_990 = vector.shape_cast %get3A_989 : vector<1x1x16xf32> to vector<16xf32>
      %add3A_991 = arith.addf %add3A_963, %get3A_990 : vector<16xf32>
      %get3A_992 = arith.constant 33 : i32
      %get3A_993 = arith.index_cast %rem3A_44 : i32 to index
      %get3A_994 = arith.index_cast %get3A_992 : i32 to index
      %get3A_995 = arith.constant 32 : index
      %get3A_996 = tpu.vector_load %arg6[%get3A_993, %get3A_994, %get3A_995] {strides = array<i32>} : memref<4x100x64xf32, #tpu.memory_space<vmem>>, vector<1x1x16xf32>,
      %get3A_997 = vector.shape_cast %get3A_996 : vector<1x1x16xf32> to vector<16xf32>
      %add3A_998 = arith.addf %add3A_970, %get3A_997 : vector<16xf32>
      %get3A_999 = arith.constant 33 : i32
      %get3A_1000 = arith.index_cast %rem3A_44 : i32 to index
      %get3A_1001 = arith.index_cast %get3A_999 : i32 to index
      %get3A_1002 = arith.constant 48 : index
      %get3A_1003 = tpu.vector_load %arg6[%get3A_1000, %get3A_1001, %get3A_1002] {strides = array<i32>} : memref<4x100x64xf32, #tpu.memory_space<vmem>>, vector<1x1x16xf32>,
      %get3A_1004 = vector.shape_cast %get3A_1003 : vector<1x1x16xf32> to vector<16xf32>
      %add3A_1005 = arith.addf %add3A_977, %get3A_1004 : vector<16xf32>
      %get3A_1006 = arith.constant 34 : i32
      %get3A_1007 = arith.index_cast %rem3A_44 : i32 to index
      %get3A_1008 = arith.index_cast %get3A_1006 : i32 to index
      %get3A_1009 = arith.constant 0 : index
      %get3A_1010 = tpu.vector_load %arg6[%get3A_1007, %get3A_1008, %get3A_1009] {strides = array<i32>} : memref<4x100x64xf32, #tpu.memory_space<vmem>>, vector<1x1x16xf32>,
      %get3A_1011 = vector.shape_cast %get3A_1010 : vector<1x1x16xf32> to vector<16xf32>
      %add3A_1012 = arith.addf %add3A_984, %get3A_1011 : vector<16xf32>
      %get3A_1013 = arith.constant 34 : i32
      %get3A_1014 = arith.index_cast %rem3A_44 : i32 to index
      %get3A_1015 = arith.index_cast %get3A_1013 : i32 to index
      %get3A_1016 = arith.constant 16 : index
      %get3A_1017 = tpu.vector_load %arg6[%get3A_1014, %get3A_1015, %get3A_1016] {strides = array<i32>} : memref<4x100x64xf32, #tpu.memory_space<vmem>>, vector<1x1x16xf32>,
      %get3A_1018 = vector.shape_cast %get3A_1017 : vector<1x1x16xf32> to vector<16xf32>
      %add3A_1019 = arith.addf %add3A_991, %get3A_1018 : vector<16xf32>
      %get3A_1020 = arith.constant 34 : i32
      %get3A_1021 = arith.index_cast %rem3A_44 : i32 to index
      %get3A_1022 = arith.index_cast %get3A_1020 : i32 to index
      %get3A_1023 = arith.constant 32 : index
      %get3A_1024 = tpu.vector_load %arg6[%get3A_1021, %get3A_1022, %get3A_1023] {strides = array<i32>} : memref<4x100x64xf32, #tpu.memory_space<vmem>>, vector<1x1x16xf32>,
      %get3A_1025 = vector.shape_cast %get3A_1024 : vector<1x1x16xf32> to vector<16xf32>
      %add3A_1026 = arith.addf %add3A_998, %get3A_1025 : vector<16xf32>
      %get3A_1027 = arith.constant 34 : i32
      %get3A_1028 = arith.index_cast %rem3A_44 : i32 to index
      %get3A_1029 = arith.index_cast %get3A_1027 : i32 to index
      %get3A_1030 = arith.constant 48 : index
      %get3A_1031 = tpu.vector_load %arg6[%get3A_1028, %get3A_1029, %get3A_1030] {strides = array<i32>} : memref<4x100x64xf32, #tpu.memory_space<vmem>>, vector<1x1x16xf32>,
      %get3A_1032 = vector.shape_cast %get3A_1031 : vector<1x1x16xf32> to vector<16xf32>
      %add3A_1033 = arith.addf %add3A_1005, %get3A_1032 : vector<16xf32>
      %get3A_1034 = arith.constant 35 : i32
      %get3A_1035 = arith.index_cast %rem3A_44 : i32 to index
      %get3A_1036 = arith.index_cast %get3A_1034 : i32 to index
      %get3A_1037 = arith.constant 0 : index
      %get3A_1038 = tpu.vector_load %arg6[%get3A_1035, %get3A_1036, %get3A_1037] {strides = array<i32>} : memref<4x100x64xf32, #tpu.memory_space<vmem>>, vector<1x1x16xf32>,
      %get3A_1039 = vector.shape_cast %get3A_1038 : vector<1x1x16xf32> to vector<16xf32>
      %add3A_1040 = arith.addf %add3A_1012, %get3A_1039 : vector<16xf32>
      %get3A_1041 = arith.constant 35 : i32
      %get3A_1042 = arith.index_cast %rem3A_44 : i32 to index
      %get3A_1043 = arith.index_cast %get3A_1041 : i32 to index
      %get3A_1044 = arith.constant 16 : index
      %get3A_1045 = tpu.vector_load %arg6[%get3A_1042, %get3A_1043, %get3A_1044] {strides = array<i32>} : memref<4x100x64xf32, #tpu.memory_space<vmem>>, vector<1x1x16xf32>,
      %get3A_1046 = vector.shape_cast %get3A_1045 : vector<1x1x16xf32> to vector<16xf32>
      %add3A_1047 = arith.addf %add3A_1019, %get3A_1046 : vector<16xf32>
      %get3A_1048 = arith.constant 35 : i32
      %get3A_1049 = arith.index_cast %rem3A_44 : i32 to index
      %get3A_1050 = arith.index_cast %get3A_1048 : i32 to index
      %get3A_1051 = arith.constant 32 : index
      %get3A_1052 = tpu.vector_load %arg6[%get3A_1049, %get3A_1050, %get3A_1051] {strides = array<i32>} : memref<4x100x64xf32, #tpu.memory_space<vmem>>, vector<1x1x16xf32>,
      %get3A_1053 = vector.shape_cast %get3A_1052 : vector<1x1x16xf32> to vector<16xf32>
      %add3A_1054 = arith.addf %add3A_1026, %get3A_1053 : vector<16xf32>
      %get3A_1055 = arith.constant 35 : i32
      %get3A_1056 = arith.index_cast %rem3A_44 : i32 to index
      %get3A_1057 = arith.index_cast %get3A_1055 : i32 to index
      %get3A_1058 = arith.constant 48 : index
      %get3A_1059 = tpu.vector_load %arg6[%get3A_1056, %get3A_1057, %get3A_1058] {strides = array<i32>} : memref<4x100x64xf32, #tpu.memory_space<vmem>>, vector<1x1x16xf32>,
      %get3A_1060 = vector.shape_cast %get3A_1059 : vector<1x1x16xf32> to vector<16xf32>
      %add3A_1061 = arith.addf %add3A_1033, %get3A_1060 : vector<16xf32>
      %get3A_1062 = arith.constant 36 : i32
      %get3A_1063 = arith.index_cast %rem3A_44 : i32 to index
      %get3A_1064 = arith.index_cast %get3A_1062 : i32 to index
      %get3A_1065 = arith.constant 0 : index
      %get3A_1066 = tpu.vector_load %arg6[%get3A_1063, %get3A_1064, %get3A_1065] {strides = array<i32>} : memref<4x100x64xf32, #tpu.memory_space<vmem>>, vector<1x1x16xf32>,
      %get3A_1067 = vector.shape_cast %get3A_1066 : vector<1x1x16xf32> to vector<16xf32>
      %add3A_1068 = arith.addf %add3A_1040, %get3A_1067 : vector<16xf32>
      %get3A_1069 = arith.constant 36 : i32
      %get3A_1070 = arith.index_cast %rem3A_44 : i32 to index
      %get3A_1071 = arith.index_cast %get3A_1069 : i32 to index
      %get3A_1072 = arith.constant 16 : index
      %get3A_1073 = tpu.vector_load %arg6[%get3A_1070, %get3A_1071, %get3A_1072] {strides = array<i32>} : memref<4x100x64xf32, #tpu.memory_space<vmem>>, vector<1x1x16xf32>,
      %get3A_1074 = vector.shape_cast %get3A_1073 : vector<1x1x16xf32> to vector<16xf32>
      %add3A_1075 = arith.addf %add3A_1047, %get3A_1074 : vector<16xf32>
      %get3A_1076 = arith.constant 36 : i32
      %get3A_1077 = arith.index_cast %rem3A_44 : i32 to index
      %get3A_1078 = arith.index_cast %get3A_1076 : i32 to index
      %get3A_1079 = arith.constant 32 : index
      %get3A_1080 = tpu.vector_load %arg6[%get3A_1077, %get3A_1078, %get3A_1079] {strides = array<i32>} : memref<4x100x64xf32, #tpu.memory_space<vmem>>, vector<1x1x16xf32>,
      %get3A_1081 = vector.shape_cast %get3A_1080 : vector<1x1x16xf32> to vector<16xf32>
      %add3A_1082 = arith.addf %add3A_1054, %get3A_1081 : vector<16xf32>
      %get3A_1083 = arith.constant 36 : i32
      %get3A_1084 = arith.index_cast %rem3A_44 : i32 to index
      %get3A_1085 = arith.index_cast %get3A_1083 : i32 to index
      %get3A_1086 = arith.constant 48 : index
      %get3A_1087 = tpu.vector_load %arg6[%get3A_1084, %get3A_1085, %get3A_1086] {strides = array<i32>} : memref<4x100x64xf32, #tpu.memory_space<vmem>>, vector<1x1x16xf32>,
      %get3A_1088 = vector.shape_cast %get3A_1087 : vector<1x1x16xf32> to vector<16xf32>
      %add3A_1089 = arith.addf %add3A_1061, %get3A_1088 : vector<16xf32>
      %get3A_1090 = arith.constant 37 : i32
      %get3A_1091 = arith.index_cast %rem3A_44 : i32 to index
      %get3A_1092 = arith.index_cast %get3A_1090 : i32 to index
      %get3A_1093 = arith.constant 0 : index
      %get3A_1094 = tpu.vector_load %arg6[%get3A_1091, %get3A_1092, %get3A_1093] {strides = array<i32>} : memref<4x100x64xf32, #tpu.memory_space<vmem>>, vector<1x1x16xf32>,
      %get3A_1095 = vector.shape_cast %get3A_1094 : vector<1x1x16xf32> to vector<16xf32>
      %add3A_1096 = arith.addf %add3A_1068, %get3A_1095 : vector<16xf32>
      %get3A_1097 = arith.constant 37 : i32
      %get3A_1098 = arith.index_cast %rem3A_44 : i32 to index
      %get3A_1099 = arith.index_cast %get3A_1097 : i32 to index
      %get3A_1100 = arith.constant 16 : index
      %get3A_1101 = tpu.vector_load %arg6[%get3A_1098, %get3A_1099, %get3A_1100] {strides = array<i32>} : memref<4x100x64xf32, #tpu.memory_space<vmem>>, vector<1x1x16xf32>,
      %get3A_1102 = vector.shape_cast %get3A_1101 : vector<1x1x16xf32> to vector<16xf32>
      %add3A_1103 = arith.addf %add3A_1075, %get3A_1102 : vector<16xf32>
      %get3A_1104 = arith.constant 37 : i32
      %get3A_1105 = arith.index_cast %rem3A_44 : i32 to index
      %get3A_1106 = arith.index_cast %get3A_1104 : i32 to index
      %get3A_1107 = arith.constant 32 : index
      %get3A_1108 = tpu.vector_load %arg6[%get3A_1105, %get3A_1106, %get3A_1107] {strides = array<i32>} : memref<4x100x64xf32, #tpu.memory_space<vmem>>, vector<1x1x16xf32>,
      %get3A_1109 = vector.shape_cast %get3A_1108 : vector<1x1x16xf32> to vector<16xf32>
      %add3A_1110 = arith.addf %add3A_1082, %get3A_1109 : vector<16xf32>
      %get3A_1111 = arith.constant 37 : i32
      %get3A_1112 = arith.index_cast %rem3A_44 : i32 to index
      %get3A_1113 = arith.index_cast %get3A_1111 : i32 to index
      %get3A_1114 = arith.constant 48 : index
      %get3A_1115 = tpu.vector_load %arg6[%get3A_1112, %get3A_1113, %get3A_1114] {strides = array<i32>} : memref<4x100x64xf32, #tpu.memory_space<vmem>>, vector<1x1x16xf32>,
      %get3A_1116 = vector.shape_cast %get3A_1115 : vector<1x1x16xf32> to vector<16xf32>
      %add3A_1117 = arith.addf %add3A_1089, %get3A_1116 : vector<16xf32>
      %get3A_1118 = arith.constant 38 : i32
      %get3A_1119 = arith.index_cast %rem3A_44 : i32 to index
      %get3A_1120 = arith.index_cast %get3A_1118 : i32 to index
      %get3A_1121 = arith.constant 0 : index
      %get3A_1122 = tpu.vector_load %arg6[%get3A_1119, %get3A_1120, %get3A_1121] {strides = array<i32>} : memref<4x100x64xf32, #tpu.memory_space<vmem>>, vector<1x1x16xf32>,
      %get3A_1123 = vector.shape_cast %get3A_1122 : vector<1x1x16xf32> to vector<16xf32>
      %add3A_1124 = arith.addf %add3A_1096, %get3A_1123 : vector<16xf32>
      %get3A_1125 = arith.constant 38 : i32
      %get3A_1126 = arith.index_cast %rem3A_44 : i32 to index
      %get3A_1127 = arith.index_cast %get3A_1125 : i32 to index
      %get3A_1128 = arith.constant 16 : index
      %get3A_1129 = tpu.vector_load %arg6[%get3A_1126, %get3A_1127, %get3A_1128] {strides = array<i32>} : memref<4x100x64xf32, #tpu.memory_space<vmem>>, vector<1x1x16xf32>,
      %get3A_1130 = vector.shape_cast %get3A_1129 : vector<1x1x16xf32> to vector<16xf32>
      %add3A_1131 = arith.addf %add3A_1103, %get3A_1130 : vector<16xf32>
      %get3A_1132 = arith.constant 38 : i32
      %get3A_1133 = arith.index_cast %rem3A_44 : i32 to index
      %get3A_1134 = arith.index_cast %get3A_1132 : i32 to index
      %get3A_1135 = arith.constant 32 : index
      %get3A_1136 = tpu.vector_load %arg6[%get3A_1133, %get3A_1134, %get3A_1135] {strides = array<i32>} : memref<4x100x64xf32, #tpu.memory_space<vmem>>, vector<1x1x16xf32>,
      %get3A_1137 = vector.shape_cast %get3A_1136 : vector<1x1x16xf32> to vector<16xf32>
      %add3A_1138 = arith.addf %add3A_1110, %get3A_1137 : vector<16xf32>
      %get3A_1139 = arith.constant 38 : i32
      %get3A_1140 = arith.index_cast %rem3A_44 : i32 to index
      %get3A_1141 = arith.index_cast %get3A_1139 : i32 to index
      %get3A_1142 = arith.constant 48 : index
      %get3A_1143 = tpu.vector_load %arg6[%get3A_1140, %get3A_1141, %get3A_1142] {strides = array<i32>} : memref<4x100x64xf32, #tpu.memory_space<vmem>>, vector<1x1x16xf32>,
      %get3A_1144 = vector.shape_cast %get3A_1143 : vector<1x1x16xf32> to vector<16xf32>
      %add3A_1145 = arith.addf %add3A_1117, %get3A_1144 : vector<16xf32>
      %get3A_1146 = arith.constant 39 : i32
      %get3A_1147 = arith.index_cast %rem3A_44 : i32 to index
      %get3A_1148 = arith.index_cast %get3A_1146 : i32 to index
      %get3A_1149 = arith.constant 0 : index
      %get3A_1150 = tpu.vector_load %arg6[%get3A_1147, %get3A_1148, %get3A_1149] {strides = array<i32>} : memref<4x100x64xf32, #tpu.memory_space<vmem>>, vector<1x1x16xf32>,
      %get3A_1151 = vector.shape_cast %get3A_1150 : vector<1x1x16xf32> to vector<16xf32>
      %add3A_1152 = arith.addf %add3A_1124, %get3A_1151 : vector<16xf32>
      %get3A_1153 = arith.constant 39 : i32
      %get3A_1154 = arith.index_cast %rem3A_44 : i32 to index
      %get3A_1155 = arith.index_cast %get3A_1153 : i32 to index
      %get3A_1156 = arith.constant 16 : index
      %get3A_1157 = tpu.vector_load %arg6[%get3A_1154, %get3A_1155, %get3A_1156] {strides = array<i32>} : memref<4x100x64xf32, #tpu.memory_space<vmem>>, vector<1x1x16xf32>,
      %get3A_1158 = vector.shape_cast %get3A_1157 : vector<1x1x16xf32> to vector<16xf32>
      %add3A_1159 = arith.addf %add3A_1131, %get3A_1158 : vector<16xf32>
      %get3A_1160 = arith.constant 39 : i32
      %get3A_1161 = arith.index_cast %rem3A_44 : i32 to index
      %get3A_1162 = arith.index_cast %get3A_1160 : i32 to index
      %get3A_1163 = arith.constant 32 : index
      %get3A_1164 = tpu.vector_load %arg6[%get3A_1161, %get3A_1162, %get3A_1163] {strides = array<i32>} : memref<4x100x64xf32, #tpu.memory_space<vmem>>, vector<1x1x16xf32>,
      %get3A_1165 = vector.shape_cast %get3A_1164 : vector<1x1x16xf32> to vector<16xf32>
      %add3A_1166 = arith.addf %add3A_1138, %get3A_1165 : vector<16xf32>
      %get3A_1167 = arith.constant 39 : i32
      %get3A_1168 = arith.index_cast %rem3A_44 : i32 to index
      %get3A_1169 = arith.index_cast %get3A_1167 : i32 to index
      %get3A_1170 = arith.constant 48 : index
      %get3A_1171 = tpu.vector_load %arg6[%get3A_1168, %get3A_1169, %get3A_1170] {strides = array<i32>} : memref<4x100x64xf32, #tpu.memory_space<vmem>>, vector<1x1x16xf32>,
      %get3A_1172 = vector.shape_cast %get3A_1171 : vector<1x1x16xf32> to vector<16xf32>
      %add3A_1173 = arith.addf %add3A_1145, %get3A_1172 : vector<16xf32>
      %get3A_1174 = arith.constant 40 : i32
      %get3A_1175 = arith.index_cast %rem3A_44 : i32 to index
      %get3A_1176 = arith.index_cast %get3A_1174 : i32 to index
      %get3A_1177 = arith.constant 0 : index
      %get3A_1178 = tpu.vector_load %arg6[%get3A_1175, %get3A_1176, %get3A_1177] {strides = array<i32>} : memref<4x100x64xf32, #tpu.memory_space<vmem>>, vector<1x1x16xf32>,
      %get3A_1179 = vector.shape_cast %get3A_1178 : vector<1x1x16xf32> to vector<16xf32>
      %add3A_1180 = arith.addf %add3A_1152, %get3A_1179 : vector<16xf32>
      %get3A_1181 = arith.constant 40 : i32
      %get3A_1182 = arith.index_cast %rem3A_44 : i32 to index
      %get3A_1183 = arith.index_cast %get3A_1181 : i32 to index
      %get3A_1184 = arith.constant 16 : index
      %get3A_1185 = tpu.vector_load %arg6[%get3A_1182, %get3A_1183, %get3A_1184] {strides = array<i32>} : memref<4x100x64xf32, #tpu.memory_space<vmem>>, vector<1x1x16xf32>,
      %get3A_1186 = vector.shape_cast %get3A_1185 : vector<1x1x16xf32> to vector<16xf32>
      %add3A_1187 = arith.addf %add3A_1159, %get3A_1186 : vector<16xf32>
      %get3A_1188 = arith.constant 40 : i32
      %get3A_1189 = arith.index_cast %rem3A_44 : i32 to index
      %get3A_1190 = arith.index_cast %get3A_1188 : i32 to index
      %get3A_1191 = arith.constant 32 : index
      %get3A_1192 = tpu.vector_load %arg6[%get3A_1189, %get3A_1190, %get3A_1191] {strides = array<i32>} : memref<4x100x64xf32, #tpu.memory_space<vmem>>, vector<1x1x16xf32>,
      %get3A_1193 = vector.shape_cast %get3A_1192 : vector<1x1x16xf32> to vector<16xf32>
      %add3A_1194 = arith.addf %add3A_1166, %get3A_1193 : vector<16xf32>
      %get3A_1195 = arith.constant 40 : i32
      %get3A_1196 = arith.index_cast %rem3A_44 : i32 to index
      %get3A_1197 = arith.index_cast %get3A_1195 : i32 to index
      %get3A_1198 = arith.constant 48 : index
      %get3A_1199 = tpu.vector_load %arg6[%get3A_1196, %get3A_1197, %get3A_1198] {strides = array<i32>} : memref<4x100x64xf32, #tpu.memory_space<vmem>>, vector<1x1x16xf32>,
      %get3A_1200 = vector.shape_cast %get3A_1199 : vector<1x1x16xf32> to vector<16xf32>
      %add3A_1201 = arith.addf %add3A_1173, %get3A_1200 : vector<16xf32>
      %get3A_1202 = arith.constant 41 : i32
      %get3A_1203 = arith.index_cast %rem3A_44 : i32 to index
      %get3A_1204 = arith.index_cast %get3A_1202 : i32 to index
      %get3A_1205 = arith.constant 0 : index
      %get3A_1206 = tpu.vector_load %arg6[%get3A_1203, %get3A_1204, %get3A_1205] {strides = array<i32>} : memref<4x100x64xf32, #tpu.memory_space<vmem>>, vector<1x1x16xf32>,
      %get3A_1207 = vector.shape_cast %get3A_1206 : vector<1x1x16xf32> to vector<16xf32>
      %add3A_1208 = arith.addf %add3A_1180, %get3A_1207 : vector<16xf32>
      %get3A_1209 = arith.constant 41 : i32
      %get3A_1210 = arith.index_cast %rem3A_44 : i32 to index
      %get3A_1211 = arith.index_cast %get3A_1209 : i32 to index
      %get3A_1212 = arith.constant 16 : index
      %get3A_1213 = tpu.vector_load %arg6[%get3A_1210, %get3A_1211, %get3A_1212] {strides = array<i32>} : memref<4x100x64xf32, #tpu.memory_space<vmem>>, vector<1x1x16xf32>,
      %get3A_1214 = vector.shape_cast %get3A_1213 : vector<1x1x16xf32> to vector<16xf32>
      %add3A_1215 = arith.addf %add3A_1187, %get3A_1214 : vector<16xf32>
      %get3A_1216 = arith.constant 41 : i32
      %get3A_1217 = arith.index_cast %rem3A_44 : i32 to index
      %get3A_1218 = arith.index_cast %get3A_1216 : i32 to index
      %get3A_1219 = arith.constant 32 : index
      %get3A_1220 = tpu.vector_load %arg6[%get3A_1217, %get3A_1218, %get3A_1219] {strides = array<i32>} : memref<4x100x64xf32, #tpu.memory_space<vmem>>, vector<1x1x16xf32>,
      %get3A_1221 = vector.shape_cast %get3A_1220 : vector<1x1x16xf32> to vector<16xf32>
      %add3A_1222 = arith.addf %add3A_1194, %get3A_1221 : vector<16xf32>
      %get3A_1223 = arith.constant 41 : i32
      %get3A_1224 = arith.index_cast %rem3A_44 : i32 to index
      %get3A_1225 = arith.index_cast %get3A_1223 : i32 to index
      %get3A_1226 = arith.constant 48 : index
      %get3A_1227 = tpu.vector_load %arg6[%get3A_1224, %get3A_1225, %get3A_1226] {strides = array<i32>} : memref<4x100x64xf32, #tpu.memory_space<vmem>>, vector<1x1x16xf32>,
      %get3A_1228 = vector.shape_cast %get3A_1227 : vector<1x1x16xf32> to vector<16xf32>
      %add3A_1229 = arith.addf %add3A_1201, %get3A_1228 : vector<16xf32>
      %get3A_1230 = arith.constant 42 : i32
      %get3A_1231 = arith.index_cast %rem3A_44 : i32 to index
      %get3A_1232 = arith.index_cast %get3A_1230 : i32 to index
      %get3A_1233 = arith.constant 0 : index
      %get3A_1234 = tpu.vector_load %arg6[%get3A_1231, %get3A_1232, %get3A_1233] {strides = array<i32>} : memref<4x100x64xf32, #tpu.memory_space<vmem>>, vector<1x1x16xf32>,
      %get3A_1235 = vector.shape_cast %get3A_1234 : vector<1x1x16xf32> to vector<16xf32>
      %add3A_1236 = arith.addf %add3A_1208, %get3A_1235 : vector<16xf32>
      %get3A_1237 = arith.constant 42 : i32
      %get3A_1238 = arith.index_cast %rem3A_44 : i32 to index
      %get3A_1239 = arith.index_cast %get3A_1237 : i32 to index
      %get3A_1240 = arith.constant 16 : index
      %get3A_1241 = tpu.vector_load %arg6[%get3A_1238, %get3A_1239, %get3A_1240] {strides = array<i32>} : memref<4x100x64xf32, #tpu.memory_space<vmem>>, vector<1x1x16xf32>,
      %get3A_1242 = vector.shape_cast %get3A_1241 : vector<1x1x16xf32> to vector<16xf32>
      %add3A_1243 = arith.addf %add3A_1215, %get3A_1242 : vector<16xf32>
      %get3A_1244 = arith.constant 42 : i32
      %get3A_1245 = arith.index_cast %rem3A_44 : i32 to index
      %get3A_1246 = arith.index_cast %get3A_1244 : i32 to index
      %get3A_1247 = arith.constant 32 : index
      %get3A_1248 = tpu.vector_load %arg6[%get3A_1245, %get3A_1246, %get3A_1247] {strides = array<i32>} : memref<4x100x64xf32, #tpu.memory_space<vmem>>, vector<1x1x16xf32>,
      %get3A_1249 = vector.shape_cast %get3A_1248 : vector<1x1x16xf32> to vector<16xf32>
      %add3A_1250 = arith.addf %add3A_1222, %get3A_1249 : vector<16xf32>
      %get3A_1251 = arith.constant 42 : i32
      %get3A_1252 = arith.index_cast %rem3A_44 : i32 to index
      %get3A_1253 = arith.index_cast %get3A_1251 : i32 to index
      %get3A_1254 = arith.constant 48 : index
      %get3A_1255 = tpu.vector_load %arg6[%get3A_1252, %get3A_1253, %get3A_1254] {strides = array<i32>} : memref<4x100x64xf32, #tpu.memory_space<vmem>>, vector<1x1x16xf32>,
      %get3A_1256 = vector.shape_cast %get3A_1255 : vector<1x1x16xf32> to vector<16xf32>
      %add3A_1257 = arith.addf %add3A_1229, %get3A_1256 : vector<16xf32>
      %get3A_1258 = arith.constant 43 : i32
      %get3A_1259 = arith.index_cast %rem3A_44 : i32 to index
      %get3A_1260 = arith.index_cast %get3A_1258 : i32 to index
      %get3A_1261 = arith.constant 0 : index
      %get3A_1262 = tpu.vector_load %arg6[%get3A_1259, %get3A_1260, %get3A_1261] {strides = array<i32>} : memref<4x100x64xf32, #tpu.memory_space<vmem>>, vector<1x1x16xf32>,
      %get3A_1263 = vector.shape_cast %get3A_1262 : vector<1x1x16xf32> to vector<16xf32>
      %add3A_1264 = arith.addf %add3A_1236, %get3A_1263 : vector<16xf32>
      %get3A_1265 = arith.constant 43 : i32
      %get3A_1266 = arith.index_cast %rem3A_44 : i32 to index
      %get3A_1267 = arith.index_cast %get3A_1265 : i32 to index
      %get3A_1268 = arith.constant 16 : index
      %get3A_1269 = tpu.vector_load %arg6[%get3A_1266, %get3A_1267, %get3A_1268] {strides = array<i32>} : memref<4x100x64xf32, #tpu.memory_space<vmem>>, vector<1x1x16xf32>,
      %get3A_1270 = vector.shape_cast %get3A_1269 : vector<1x1x16xf32> to vector<16xf32>
      %add3A_1271 = arith.addf %add3A_1243, %get3A_1270 : vector<16xf32>
      %get3A_1272 = arith.constant 43 : i32
      %get3A_1273 = arith.index_cast %rem3A_44 : i32 to index
      %get3A_1274 = arith.index_cast %get3A_1272 : i32 to index
      %get3A_1275 = arith.constant 32 : index
      %get3A_1276 = tpu.vector_load %arg6[%get3A_1273, %get3A_1274, %get3A_1275] {strides = array<i32>} : memref<4x100x64xf32, #tpu.memory_space<vmem>>, vector<1x1x16xf32>,
      %get3A_1277 = vector.shape_cast %get3A_1276 : vector<1x1x16xf32> to vector<16xf32>
      %add3A_1278 = arith.addf %add3A_1250, %get3A_1277 : vector<16xf32>
      %get3A_1279 = arith.constant 43 : i32
      %get3A_1280 = arith.index_cast %rem3A_44 : i32 to index
      %get3A_1281 = arith.index_cast %get3A_1279 : i32 to index
      %get3A_1282 = arith.constant 48 : index
      %get3A_1283 = tpu.vector_load %arg6[%get3A_1280, %get3A_1281, %get3A_1282] {strides = array<i32>} : memref<4x100x64xf32, #tpu.memory_space<vmem>>, vector<1x1x16xf32>,
      %get3A_1284 = vector.shape_cast %get3A_1283 : vector<1x1x16xf32> to vector<16xf32>
      %add3A_1285 = arith.addf %add3A_1257, %get3A_1284 : vector<16xf32>
      %get3A_1286 = arith.constant 44 : i32
      %get3A_1287 = arith.index_cast %rem3A_44 : i32 to index
      %get3A_1288 = arith.index_cast %get3A_1286 : i32 to index
      %get3A_1289 = arith.constant 0 : index
      %get3A_1290 = tpu.vector_load %arg6[%get3A_1287, %get3A_1288, %get3A_1289] {strides = array<i32>} : memref<4x100x64xf32, #tpu.memory_space<vmem>>, vector<1x1x16xf32>,
      %get3A_1291 = vector.shape_cast %get3A_1290 : vector<1x1x16xf32> to vector<16xf32>
      %add3A_1292 = arith.addf %add3A_1264, %get3A_1291 : vector<16xf32>
      %get3A_1293 = arith.constant 44 : i32
      %get3A_1294 = arith.index_cast %rem3A_44 : i32 to index
      %get3A_1295 = arith.index_cast %get3A_1293 : i32 to index
      %get3A_1296 = arith.constant 16 : index
      %get3A_1297 = tpu.vector_load %arg6[%get3A_1294, %get3A_1295, %get3A_1296] {strides = array<i32>} : memref<4x100x64xf32, #tpu.memory_space<vmem>>, vector<1x1x16xf32>,
      %get3A_1298 = vector.shape_cast %get3A_1297 : vector<1x1x16xf32> to vector<16xf32>
      %add3A_1299 = arith.addf %add3A_1271, %get3A_1298 : vector<16xf32>
      %get3A_1300 = arith.constant 44 : i32
      %get3A_1301 = arith.index_cast %rem3A_44 : i32 to index
      %get3A_1302 = arith.index_cast %get3A_1300 : i32 to index
      %get3A_1303 = arith.constant 32 : index
      %get3A_1304 = tpu.vector_load %arg6[%get3A_1301, %get3A_1302, %get3A_1303] {strides = array<i32>} : memref<4x100x64xf32, #tpu.memory_space<vmem>>, vector<1x1x16xf32>,
      %get3A_1305 = vector.shape_cast %get3A_1304 : vector<1x1x16xf32> to vector<16xf32>
      %add3A_1306 = arith.addf %add3A_1278, %get3A_1305 : vector<16xf32>
      %get3A_1307 = arith.constant 44 : i32
      %get3A_1308 = arith.index_cast %rem3A_44 : i32 to index
      %get3A_1309 = arith.index_cast %get3A_1307 : i32 to index
      %get3A_1310 = arith.constant 48 : index
      %get3A_1311 = tpu.vector_load %arg6[%get3A_1308, %get3A_1309, %get3A_1310] {strides = array<i32>} : memref<4x100x64xf32, #tpu.memory_space<vmem>>, vector<1x1x16xf32>,
      %get3A_1312 = vector.shape_cast %get3A_1311 : vector<1x1x16xf32> to vector<16xf32>
      %add3A_1313 = arith.addf %add3A_1285, %get3A_1312 : vector<16xf32>
      %get3A_1314 = arith.constant 45 : i32
      %get3A_1315 = arith.index_cast %rem3A_44 : i32 to index
      %get3A_1316 = arith.index_cast %get3A_1314 : i32 to index
      %get3A_1317 = arith.constant 0 : index
      %get3A_1318 = tpu.vector_load %arg6[%get3A_1315, %get3A_1316, %get3A_1317] {strides = array<i32>} : memref<4x100x64xf32, #tpu.memory_space<vmem>>, vector<1x1x16xf32>,
      %get3A_1319 = vector.shape_cast %get3A_1318 : vector<1x1x16xf32> to vector<16xf32>
      %add3A_1320 = arith.addf %add3A_1292, %get3A_1319 : vector<16xf32>
      %get3A_1321 = arith.constant 45 : i32
      %get3A_1322 = arith.index_cast %rem3A_44 : i32 to index
      %get3A_1323 = arith.index_cast %get3A_1321 : i32 to index
      %get3A_1324 = arith.constant 16 : index
      %get3A_1325 = tpu.vector_load %arg6[%get3A_1322, %get3A_1323, %get3A_1324] {strides = array<i32>} : memref<4x100x64xf32, #tpu.memory_space<vmem>>, vector<1x1x16xf32>,
      %get3A_1326 = vector.shape_cast %get3A_1325 : vector<1x1x16xf32> to vector<16xf32>
      %add3A_1327 = arith.addf %add3A_1299, %get3A_1326 : vector<16xf32>
      %get3A_1328 = arith.constant 45 : i32
      %get3A_1329 = arith.index_cast %rem3A_44 : i32 to index
      %get3A_1330 = arith.index_cast %get3A_1328 : i32 to index
      %get3A_1331 = arith.constant 32 : index
      %get3A_1332 = tpu.vector_load %arg6[%get3A_1329, %get3A_1330, %get3A_1331] {strides = array<i32>} : memref<4x100x64xf32, #tpu.memory_space<vmem>>, vector<1x1x16xf32>,
      %get3A_1333 = vector.shape_cast %get3A_1332 : vector<1x1x16xf32> to vector<16xf32>
      %add3A_1334 = arith.addf %add3A_1306, %get3A_1333 : vector<16xf32>
      %get3A_1335 = arith.constant 45 : i32
      %get3A_1336 = arith.index_cast %rem3A_44 : i32 to index
      %get3A_1337 = arith.index_cast %get3A_1335 : i32 to index
      %get3A_1338 = arith.constant 48 : index
      %get3A_1339 = tpu.vector_load %arg6[%get3A_1336, %get3A_1337, %get3A_1338] {strides = array<i32>} : memref<4x100x64xf32, #tpu.memory_space<vmem>>, vector<1x1x16xf32>,
      %get3A_1340 = vector.shape_cast %get3A_1339 : vector<1x1x16xf32> to vector<16xf32>
      %add3A_1341 = arith.addf %add3A_1313, %get3A_1340 : vector<16xf32>
      %get3A_1342 = arith.constant 46 : i32
      %get3A_1343 = arith.index_cast %rem3A_44 : i32 to index
      %get3A_1344 = arith.index_cast %get3A_1342 : i32 to index
      %get3A_1345 = arith.constant 0 : index
      %get3A_1346 = tpu.vector_load %arg6[%get3A_1343, %get3A_1344, %get3A_1345] {strides = array<i32>} : memref<4x100x64xf32, #tpu.memory_space<vmem>>, vector<1x1x16xf32>,
      %get3A_1347 = vector.shape_cast %get3A_1346 : vector<1x1x16xf32> to vector<16xf32>
      %add3A_1348 = arith.addf %add3A_1320, %get3A_1347 : vector<16xf32>
      %get3A_1349 = arith.constant 46 : i32
      %get3A_1350 = arith.index_cast %rem3A_44 : i32 to index
      %get3A_1351 = arith.index_cast %get3A_1349 : i32 to index
      %get3A_1352 = arith.constant 16 : index
      %get3A_1353 = tpu.vector_load %arg6[%get3A_1350, %get3A_1351, %get3A_1352] {strides = array<i32>} : memref<4x100x64xf32, #tpu.memory_space<vmem>>, vector<1x1x16xf32>,
      %get3A_1354 = vector.shape_cast %get3A_1353 : vector<1x1x16xf32> to vector<16xf32>
      %add3A_1355 = arith.addf %add3A_1327, %get3A_1354 : vector<16xf32>
      %get3A_1356 = arith.constant 46 : i32
      %get3A_1357 = arith.index_cast %rem3A_44 : i32 to index
      %get3A_1358 = arith.index_cast %get3A_1356 : i32 to index
      %get3A_1359 = arith.constant 32 : index
      %get3A_1360 = tpu.vector_load %arg6[%get3A_1357, %get3A_1358, %get3A_1359] {strides = array<i32>} : memref<4x100x64xf32, #tpu.memory_space<vmem>>, vector<1x1x16xf32>,
      %get3A_1361 = vector.shape_cast %get3A_1360 : vector<1x1x16xf32> to vector<16xf32>
      %add3A_1362 = arith.addf %add3A_1334, %get3A_1361 : vector<16xf32>
      %get3A_1363 = arith.constant 46 : i32
      %get3A_1364 = arith.index_cast %rem3A_44 : i32 to index
      %get3A_1365 = arith.index_cast %get3A_1363 : i32 to index
      %get3A_1366 = arith.constant 48 : index
      %get3A_1367 = tpu.vector_load %arg6[%get3A_1364, %get3A_1365, %get3A_1366] {strides = array<i32>} : memref<4x100x64xf32, #tpu.memory_space<vmem>>, vector<1x1x16xf32>,
      %get3A_1368 = vector.shape_cast %get3A_1367 : vector<1x1x16xf32> to vector<16xf32>
      %add3A_1369 = arith.addf %add3A_1341, %get3A_1368 : vector<16xf32>
      %get3A_1370 = arith.constant 47 : i32
      %get3A_1371 = arith.index_cast %rem3A_44 : i32 to index
      %get3A_1372 = arith.index_cast %get3A_1370 : i32 to index
      %get3A_1373 = arith.constant 0 : index
      %get3A_1374 = tpu.vector_load %arg6[%get3A_1371, %get3A_1372, %get3A_1373] {strides = array<i32>} : memref<4x100x64xf32, #tpu.memory_space<vmem>>, vector<1x1x16xf32>,
      %get3A_1375 = vector.shape_cast %get3A_1374 : vector<1x1x16xf32> to vector<16xf32>
      %add3A_1376 = arith.addf %add3A_1348, %get3A_1375 : vector<16xf32>
      %get3A_1377 = arith.constant 47 : i32
      %get3A_1378 = arith.index_cast %rem3A_44 : i32 to index
      %get3A_1379 = arith.index_cast %get3A_1377 : i32 to index
      %get3A_1380 = arith.constant 16 : index
      %get3A_1381 = tpu.vector_load %arg6[%get3A_1378, %get3A_1379, %get3A_1380] {strides = array<i32>} : memref<4x100x64xf32, #tpu.memory_space<vmem>>, vector<1x1x16xf32>,
      %get3A_1382 = vector.shape_cast %get3A_1381 : vector<1x1x16xf32> to vector<16xf32>
      %add3A_1383 = arith.addf %add3A_1355, %get3A_1382 : vector<16xf32>
      %get3A_1384 = arith.constant 47 : i32
      %get3A_1385 = arith.index_cast %rem3A_44 : i32 to index
      %get3A_1386 = arith.index_cast %get3A_1384 : i32 to index
      %get3A_1387 = arith.constant 32 : index
      %get3A_1388 = tpu.vector_load %arg6[%get3A_1385, %get3A_1386, %get3A_1387] {strides = array<i32>} : memref<4x100x64xf32, #tpu.memory_space<vmem>>, vector<1x1x16xf32>,
      %get3A_1389 = vector.shape_cast %get3A_1388 : vector<1x1x16xf32> to vector<16xf32>
      %add3A_1390 = arith.addf %add3A_1362, %get3A_1389 : vector<16xf32>
      %get3A_1391 = arith.constant 47 : i32
      %get3A_1392 = arith.index_cast %rem3A_44 : i32 to index
      %get3A_1393 = arith.index_cast %get3A_1391 : i32 to index
      %get3A_1394 = arith.constant 48 : index
      %get3A_1395 = tpu.vector_load %arg6[%get3A_1392, %get3A_1393, %get3A_1394] {strides = array<i32>} : memref<4x100x64xf32, #tpu.memory_space<vmem>>, vector<1x1x16xf32>,
      %get3A_1396 = vector.shape_cast %get3A_1395 : vector<1x1x16xf32> to vector<16xf32>
      %add3A_1397 = arith.addf %add3A_1369, %get3A_1396 : vector<16xf32>
      %get3A_1398 = arith.constant 48 : i32
      %get3A_1399 = arith.index_cast %rem3A_44 : i32 to index
      %get3A_1400 = arith.index_cast %get3A_1398 : i32 to index
      %get3A_1401 = arith.constant 0 : index
      %get3A_1402 = tpu.vector_load %arg6[%get3A_1399, %get3A_1400, %get3A_1401] {strides = array<i32>} : memref<4x100x64xf32, #tpu.memory_space<vmem>>, vector<1x1x16xf32>,
      %get3A_1403 = vector.shape_cast %get3A_1402 : vector<1x1x16xf32> to vector<16xf32>
      %add3A_1404 = arith.addf %add3A_1376, %get3A_1403 : vector<16xf32>
      %get3A_1405 = arith.constant 48 : i32
      %get3A_1406 = arith.index_cast %rem3A_44 : i32 to index
      %get3A_1407 = arith.index_cast %get3A_1405 : i32 to index
      %get3A_1408 = arith.constant 16 : index
      %get3A_1409 = tpu.vector_load %arg6[%get3A_1406, %get3A_1407, %get3A_1408] {strides = array<i32>} : memref<4x100x64xf32, #tpu.memory_space<vmem>>, vector<1x1x16xf32>,
      %get3A_1410 = vector.shape_cast %get3A_1409 : vector<1x1x16xf32> to vector<16xf32>
      %add3A_1411 = arith.addf %add3A_1383, %get3A_1410 : vector<16xf32>
      %get3A_1412 = arith.constant 48 : i32
      %get3A_1413 = arith.index_cast %rem3A_44 : i32 to index
      %get3A_1414 = arith.index_cast %get3A_1412 : i32 to index
      %get3A_1415 = arith.constant 32 : index
      %get3A_1416 = tpu.vector_load %arg6[%get3A_1413, %get3A_1414, %get3A_1415] {strides = array<i32>} : memref<4x100x64xf32, #tpu.memory_space<vmem>>, vector<1x1x16xf32>,
      %get3A_1417 = vector.shape_cast %get3A_1416 : vector<1x1x16xf32> to vector<16xf32>
      %add3A_1418 = arith.addf %add3A_1390, %get3A_1417 : vector<16xf32>
      %get3A_1419 = arith.constant 48 : i32
      %get3A_1420 = arith.index_cast %rem3A_44 : i32 to index
      %get3A_1421 = arith.index_cast %get3A_1419 : i32 to index
      %get3A_1422 = arith.constant 48 : index
      %get3A_1423 = tpu.vector_load %arg6[%get3A_1420, %get3A_1421, %get3A_1422] {strides = array<i32>} : memref<4x100x64xf32, #tpu.memory_space<vmem>>, vector<1x1x16xf32>,
      %get3A_1424 = vector.shape_cast %get3A_1423 : vector<1x1x16xf32> to vector<16xf32>
      %add3A_1425 = arith.addf %add3A_1397, %get3A_1424 : vector<16xf32>
      %get3A_1426 = arith.constant 49 : i32
      %get3A_1427 = arith.index_cast %rem3A_44 : i32 to index
      %get3A_1428 = arith.index_cast %get3A_1426 : i32 to index
      %get3A_1429 = arith.constant 0 : index
      %get3A_1430 = tpu.vector_load %arg6[%get3A_1427, %get3A_1428, %get3A_1429] {strides = array<i32>} : memref<4x100x64xf32, #tpu.memory_space<vmem>>, vector<1x1x16xf32>,
      %get3A_1431 = vector.shape_cast %get3A_1430 : vector<1x1x16xf32> to vector<16xf32>
      %add3A_1432 = arith.addf %add3A_1404, %get3A_1431 : vector<16xf32>
      %get3A_1433 = arith.constant 49 : i32
      %get3A_1434 = arith.index_cast %rem3A_44 : i32 to index
      %get3A_1435 = arith.index_cast %get3A_1433 : i32 to index
      %get3A_1436 = arith.constant 16 : index
      %get3A_1437 = tpu.vector_load %arg6[%get3A_1434, %get3A_1435, %get3A_1436] {strides = array<i32>} : memref<4x100x64xf32, #tpu.memory_space<vmem>>, vector<1x1x16xf32>,
      %get3A_1438 = vector.shape_cast %get3A_1437 : vector<1x1x16xf32> to vector<16xf32>
      %add3A_1439 = arith.addf %add3A_1411, %get3A_1438 : vector<16xf32>
      %get3A_1440 = arith.constant 49 : i32
      %get3A_1441 = arith.index_cast %rem3A_44 : i32 to index
      %get3A_1442 = arith.index_cast %get3A_1440 : i32 to index
      %get3A_1443 = arith.constant 32 : index
      %get3A_1444 = tpu.vector_load %arg6[%get3A_1441, %get3A_1442, %get3A_1443] {strides = array<i32>} : memref<4x100x64xf32, #tpu.memory_space<vmem>>, vector<1x1x16xf32>,
      %get3A_1445 = vector.shape_cast %get3A_1444 : vector<1x1x16xf32> to vector<16xf32>
      %add3A_1446 = arith.addf %add3A_1418, %get3A_1445 : vector<16xf32>
      %get3A_1447 = arith.constant 49 : i32
      %get3A_1448 = arith.index_cast %rem3A_44 : i32 to index
      %get3A_1449 = arith.index_cast %get3A_1447 : i32 to index
      %get3A_1450 = arith.constant 48 : index
      %get3A_1451 = tpu.vector_load %arg6[%get3A_1448, %get3A_1449, %get3A_1450] {strides = array<i32>} : memref<4x100x64xf32, #tpu.memory_space<vmem>>, vector<1x1x16xf32>,
      %get3A_1452 = vector.shape_cast %get3A_1451 : vector<1x1x16xf32> to vector<16xf32>
      %add3A_1453 = arith.addf %add3A_1425, %get3A_1452 : vector<16xf32>
      %mul3A_1454 = arith.constant 2 : i32
      %mul3A_1455 = arith.muli %mul3A_1454, %scan3A_43 : i32
      %add3A_1456 = arith.constant 0 : i32
      %add3A_1457 = arith.addi %mul3A_1455, %add3A_1456 : i32
      %swap3A = arith.index_cast %add3A_1457 : i32 to index
      %swap3A_1458 = arith.constant 0 : index
      %swap3A_1459 = tpu.vector_load %arg7[%swap3A, %swap3A_1458] {strides = array<i32>} : memref<512x64xf32, #tpu.memory_space<vmem>>, vector<1x16xf32>,
      %swap3A_1460 = vector.shape_cast %swap3A_1459 : vector<1x16xf32> to vector<16xf32>
      %swap3A_1461 = vector.shape_cast %add3A_1432 : vector<16xf32> to vector<1x16xf32>
      tpu.vector_store %arg7[%swap3A, %swap3A_1458], %swap3A_1461 {strides = array<i32>} : memref<512x64xf32, #tpu.memory_space<vmem>>, vector<1x16xf32>,
      %mul3A_1462 = arith.constant 2 : i32
      %mul3A_1463 = arith.muli %mul3A_1462, %scan3A_43 : i32
      %add3A_1464 = arith.constant 0 : i32
      %add3A_1465 = arith.addi %mul3A_1463, %add3A_1464 : i32
      %swap3A_1466 = arith.index_cast %add3A_1465 : i32 to index
      %swap3A_1467 = arith.constant 16 : index
      %swap3A_1468 = tpu.vector_load %arg7[%swap3A_1466, %swap3A_1467] {strides = array<i32>} : memref<512x64xf32, #tpu.memory_space<vmem>>, vector<1x16xf32>,
      %swap3A_1469 = vector.shape_cast %swap3A_1468 : vector<1x16xf32> to vector<16xf32>
      %swap3A_1470 = vector.shape_cast %add3A_1439 : vector<16xf32> to vector<1x16xf32>
      tpu.vector_store %arg7[%swap3A_1466, %swap3A_1467], %swap3A_1470 {strides = array<i32>} : memref<512x64xf32, #tpu.memory_space<vmem>>, vector<1x16xf32>,
      %mul3A_1471 = arith.constant 2 : i32
      %mul3A_1472 = arith.muli %mul3A_1471, %scan3A_43 : i32
      %add3A_1473 = arith.constant 0 : i32
      %add3A_1474 = arith.addi %mul3A_1472, %add3A_1473 : i32
      %swap3A_1475 = arith.index_cast %add3A_1474 : i32 to index
      %swap3A_1476 = arith.constant 32 : index
      %swap3A_1477 = tpu.vector_load %arg7[%swap3A_1475, %swap3A_1476] {strides = array<i32>} : memref<512x64xf32, #tpu.memory_space<vmem>>, vector<1x16xf32>,
      %swap3A_1478 = vector.shape_cast %swap3A_1477 : vector<1x16xf32> to vector<16xf32>
      %swap3A_1479 = vector.shape_cast %add3A_1446 : vector<16xf32> to vector<1x16xf32>
      tpu.vector_store %arg7[%swap3A_1475, %swap3A_1476], %swap3A_1479 {strides = array<i32>} : memref<512x64xf32, #tpu.memory_space<vmem>>, vector<1x16xf32>,
      %mul3A_1480 = arith.constant 2 : i32
      %mul3A_1481 = arith.muli %mul3A_1480, %scan3A_43 : i32
      %add3A_1482 = arith.constant 0 : i32
      %add3A_1483 = arith.addi %mul3A_1481, %add3A_1482 : i32
      %swap3A_1484 = arith.index_cast %add3A_1483 : i32 to index
      %swap3A_1485 = arith.constant 48 : index
      %swap3A_1486 = tpu.vector_load %arg7[%swap3A_1484, %swap3A_1485] {strides = array<i32>} : memref<512x64xf32, #tpu.memory_space<vmem>>, vector<1x16xf32>,
      %swap3A_1487 = vector.shape_cast %swap3A_1486 : vector<1x16xf32> to vector<16xf32>
      %swap3A_1488 = vector.shape_cast %add3A_1453 : vector<16xf32> to vector<1x16xf32>
      tpu.vector_store %arg7[%swap3A_1484, %swap3A_1485], %swap3A_1488 {strides = array<i32>} : memref<512x64xf32, #tpu.memory_space<vmem>>, vector<1x16xf32>,
      %get3A_1489 = arith.constant 50 : i32
      %get3A_1490 = arith.index_cast %rem3A_44 : i32 to index
      %get3A_1491 = arith.index_cast %get3A_1489 : i32 to index
      %get3A_1492 = arith.constant 0 : index
      %get3A_1493 = tpu.vector_load %arg6[%get3A_1490, %get3A_1491, %get3A_1492] {strides = array<i32>} : memref<4x100x64xf32, #tpu.memory_space<vmem>>, vector<1x1x16xf32>,
      %get3A_1494 = vector.shape_cast %get3A_1493 : vector<1x1x16xf32> to vector<16xf32>
      %get3A_1495 = arith.constant 50 : i32
      %get3A_1496 = arith.index_cast %rem3A_44 : i32 to index
      %get3A_1497 = arith.index_cast %get3A_1495 : i32 to index
      %get3A_1498 = arith.constant 16 : index
      %get3A_1499 = tpu.vector_load %arg6[%get3A_1496, %get3A_1497, %get3A_1498] {strides = array<i32>} : memref<4x100x64xf32, #tpu.memory_space<vmem>>, vector<1x1x16xf32>,
      %get3A_1500 = vector.shape_cast %get3A_1499 : vector<1x1x16xf32> to vector<16xf32>
      %get3A_1501 = arith.constant 50 : i32
      %get3A_1502 = arith.index_cast %rem3A_44 : i32 to index
      %get3A_1503 = arith.index_cast %get3A_1501 : i32 to index
      %get3A_1504 = arith.constant 32 : index
      %get3A_1505 = tpu.vector_load %arg6[%get3A_1502, %get3A_1503, %get3A_1504] {strides = array<i32>} : memref<4x100x64xf32, #tpu.memory_space<vmem>>, vector<1x1x16xf32>,
      %get3A_1506 = vector.shape_cast %get3A_1505 : vector<1x1x16xf32> to vector<16xf32>
      %get3A_1507 = arith.constant 50 : i32
      %get3A_1508 = arith.index_cast %rem3A_44 : i32 to index
      %get3A_1509 = arith.index_cast %get3A_1507 : i32 to index
      %get3A_1510 = arith.constant 48 : index
      %get3A_1511 = tpu.vector_load %arg6[%get3A_1508, %get3A_1509, %get3A_1510] {strides = array<i32>} : memref<4x100x64xf32, #tpu.memory_space<vmem>>, vector<1x1x16xf32>,
      %get3A_1512 = vector.shape_cast %get3A_1511 : vector<1x1x16xf32> to vector<16xf32>
      %get3A_1513 = arith.constant 51 : i32
      %get3A_1514 = arith.index_cast %rem3A_44 : i32 to index
      %get3A_1515 = arith.index_cast %get3A_1513 : i32 to index
      %get3A_1516 = arith.constant 0 : index
      %get3A_1517 = tpu.vector_load %arg6[%get3A_1514, %get3A_1515, %get3A_1516] {strides = array<i32>} : memref<4x100x64xf32, #tpu.memory_space<vmem>>, vector<1x1x16xf32>,
      %get3A_1518 = vector.shape_cast %get3A_1517 : vector<1x1x16xf32> to vector<16xf32>
      %add3A_1519 = arith.addf %get3A_1494, %get3A_1518 : vector<16xf32>
      %get3A_1520 = arith.constant 51 : i32
      %get3A_1521 = arith.index_cast %rem3A_44 : i32 to index
      %get3A_1522 = arith.index_cast %get3A_1520 : i32 to index
      %get3A_1523 = arith.constant 16 : index
      %get3A_1524 = tpu.vector_load %arg6[%get3A_1521, %get3A_1522, %get3A_1523] {strides = array<i32>} : memref<4x100x64xf32, #tpu.memory_space<vmem>>, vector<1x1x16xf32>,
      %get3A_1525 = vector.shape_cast %get3A_1524 : vector<1x1x16xf32> to vector<16xf32>
      %add3A_1526 = arith.addf %get3A_1500, %get3A_1525 : vector<16xf32>
      %get3A_1527 = arith.constant 51 : i32
      %get3A_1528 = arith.index_cast %rem3A_44 : i32 to index
      %get3A_1529 = arith.index_cast %get3A_1527 : i32 to index
      %get3A_1530 = arith.constant 32 : index
      %get3A_1531 = tpu.vector_load %arg6[%get3A_1528, %get3A_1529, %get3A_1530] {strides = array<i32>} : memref<4x100x64xf32, #tpu.memory_space<vmem>>, vector<1x1x16xf32>,
      %get3A_1532 = vector.shape_cast %get3A_1531 : vector<1x1x16xf32> to vector<16xf32>
      %add3A_1533 = arith.addf %get3A_1506, %get3A_1532 : vector<16xf32>
      %get3A_1534 = arith.constant 51 : i32
      %get3A_1535 = arith.index_cast %rem3A_44 : i32 to index
      %get3A_1536 = arith.index_cast %get3A_1534 : i32 to index
      %get3A_1537 = arith.constant 48 : index
      %get3A_1538 = tpu.vector_load %arg6[%get3A_1535, %get3A_1536, %get3A_1537] {strides = array<i32>} : memref<4x100x64xf32, #tpu.memory_space<vmem>>, vector<1x1x16xf32>,
      %get3A_1539 = vector.shape_cast %get3A_1538 : vector<1x1x16xf32> to vector<16xf32>
      %add3A_1540 = arith.addf %get3A_1512, %get3A_1539 : vector<16xf32>
      %get3A_1541 = arith.constant 52 : i32
      %get3A_1542 = arith.index_cast %rem3A_44 : i32 to index
      %get3A_1543 = arith.index_cast %get3A_1541 : i32 to index
      %get3A_1544 = arith.constant 0 : index
      %get3A_1545 = tpu.vector_load %arg6[%get3A_1542, %get3A_1543, %get3A_1544] {strides = array<i32>} : memref<4x100x64xf32, #tpu.memory_space<vmem>>, vector<1x1x16xf32>,
      %get3A_1546 = vector.shape_cast %get3A_1545 : vector<1x1x16xf32> to vector<16xf32>
      %add3A_1547 = arith.addf %add3A_1519, %get3A_1546 : vector<16xf32>
      %get3A_1548 = arith.constant 52 : i32
      %get3A_1549 = arith.index_cast %rem3A_44 : i32 to index
      %get3A_1550 = arith.index_cast %get3A_1548 : i32 to index
      %get3A_1551 = arith.constant 16 : index
      %get3A_1552 = tpu.vector_load %arg6[%get3A_1549, %get3A_1550, %get3A_1551] {strides = array<i32>} : memref<4x100x64xf32, #tpu.memory_space<vmem>>, vector<1x1x16xf32>,
      %get3A_1553 = vector.shape_cast %get3A_1552 : vector<1x1x16xf32> to vector<16xf32>
      %add3A_1554 = arith.addf %add3A_1526, %get3A_1553 : vector<16xf32>
      %get3A_1555 = arith.constant 52 : i32
      %get3A_1556 = arith.index_cast %rem3A_44 : i32 to index
      %get3A_1557 = arith.index_cast %get3A_1555 : i32 to index
      %get3A_1558 = arith.constant 32 : index
      %get3A_1559 = tpu.vector_load %arg6[%get3A_1556, %get3A_1557, %get3A_1558] {strides = array<i32>} : memref<4x100x64xf32, #tpu.memory_space<vmem>>, vector<1x1x16xf32>,
      %get3A_1560 = vector.shape_cast %get3A_1559 : vector<1x1x16xf32> to vector<16xf32>
      %add3A_1561 = arith.addf %add3A_1533, %get3A_1560 : vector<16xf32>
      %get3A_1562 = arith.constant 52 : i32
      %get3A_1563 = arith.index_cast %rem3A_44 : i32 to index
      %get3A_1564 = arith.index_cast %get3A_1562 : i32 to index
      %get3A_1565 = arith.constant 48 : index
      %get3A_1566 = tpu.vector_load %arg6[%get3A_1563, %get3A_1564, %get3A_1565] {strides = array<i32>} : memref<4x100x64xf32, #tpu.memory_space<vmem>>, vector<1x1x16xf32>,
      %get3A_1567 = vector.shape_cast %get3A_1566 : vector<1x1x16xf32> to vector<16xf32>
      %add3A_1568 = arith.addf %add3A_1540, %get3A_1567 : vector<16xf32>
      %get3A_1569 = arith.constant 53 : i32
      %get3A_1570 = arith.index_cast %rem3A_44 : i32 to index
      %get3A_1571 = arith.index_cast %get3A_1569 : i32 to index
      %get3A_1572 = arith.constant 0 : index
      %get3A_1573 = tpu.vector_load %arg6[%get3A_1570, %get3A_1571, %get3A_1572] {strides = array<i32>} : memref<4x100x64xf32, #tpu.memory_space<vmem>>, vector<1x1x16xf32>,
      %get3A_1574 = vector.shape_cast %get3A_1573 : vector<1x1x16xf32> to vector<16xf32>
      %add3A_1575 = arith.addf %add3A_1547, %get3A_1574 : vector<16xf32>
      %get3A_1576 = arith.constant 53 : i32
      %get3A_1577 = arith.index_cast %rem3A_44 : i32 to index
      %get3A_1578 = arith.index_cast %get3A_1576 : i32 to index
      %get3A_1579 = arith.constant 16 : index
      %get3A_1580 = tpu.vector_load %arg6[%get3A_1577, %get3A_1578, %get3A_1579] {strides = array<i32>} : memref<4x100x64xf32, #tpu.memory_space<vmem>>, vector<1x1x16xf32>,
      %get3A_1581 = vector.shape_cast %get3A_1580 : vector<1x1x16xf32> to vector<16xf32>
      %add3A_1582 = arith.addf %add3A_1554, %get3A_1581 : vector<16xf32>
      %get3A_1583 = arith.constant 53 : i32
      %get3A_1584 = arith.index_cast %rem3A_44 : i32 to index
      %get3A_1585 = arith.index_cast %get3A_1583 : i32 to index
      %get3A_1586 = arith.constant 32 : index
      %get3A_1587 = tpu.vector_load %arg6[%get3A_1584, %get3A_1585, %get3A_1586] {strides = array<i32>} : memref<4x100x64xf32, #tpu.memory_space<vmem>>, vector<1x1x16xf32>,
      %get3A_1588 = vector.shape_cast %get3A_1587 : vector<1x1x16xf32> to vector<16xf32>
      %add3A_1589 = arith.addf %add3A_1561, %get3A_1588 : vector<16xf32>
      %get3A_1590 = arith.constant 53 : i32
      %get3A_1591 = arith.index_cast %rem3A_44 : i32 to index
      %get3A_1592 = arith.index_cast %get3A_1590 : i32 to index
      %get3A_1593 = arith.constant 48 : index
      %get3A_1594 = tpu.vector_load %arg6[%get3A_1591, %get3A_1592, %get3A_1593] {strides = array<i32>} : memref<4x100x64xf32, #tpu.memory_space<vmem>>, vector<1x1x16xf32>,
      %get3A_1595 = vector.shape_cast %get3A_1594 : vector<1x1x16xf32> to vector<16xf32>
      %add3A_1596 = arith.addf %add3A_1568, %get3A_1595 : vector<16xf32>
      %get3A_1597 = arith.constant 54 : i32
      %get3A_1598 = arith.index_cast %rem3A_44 : i32 to index
      %get3A_1599 = arith.index_cast %get3A_1597 : i32 to index
      %get3A_1600 = arith.constant 0 : index
      %get3A_1601 = tpu.vector_load %arg6[%get3A_1598, %get3A_1599, %get3A_1600] {strides = array<i32>} : memref<4x100x64xf32, #tpu.memory_space<vmem>>, vector<1x1x16xf32>,
      %get3A_1602 = vector.shape_cast %get3A_1601 : vector<1x1x16xf32> to vector<16xf32>
      %add3A_1603 = arith.addf %add3A_1575, %get3A_1602 : vector<16xf32>
      %get3A_1604 = arith.constant 54 : i32
      %get3A_1605 = arith.index_cast %rem3A_44 : i32 to index
      %get3A_1606 = arith.index_cast %get3A_1604 : i32 to index
      %get3A_1607 = arith.constant 16 : index
      %get3A_1608 = tpu.vector_load %arg6[%get3A_1605, %get3A_1606, %get3A_1607] {strides = array<i32>} : memref<4x100x64xf32, #tpu.memory_space<vmem>>, vector<1x1x16xf32>,
      %get3A_1609 = vector.shape_cast %get3A_1608 : vector<1x1x16xf32> to vector<16xf32>
      %add3A_1610 = arith.addf %add3A_1582, %get3A_1609 : vector<16xf32>
      %get3A_1611 = arith.constant 54 : i32
      %get3A_1612 = arith.index_cast %rem3A_44 : i32 to index
      %get3A_1613 = arith.index_cast %get3A_1611 : i32 to index
      %get3A_1614 = arith.constant 32 : index
      %get3A_1615 = tpu.vector_load %arg6[%get3A_1612, %get3A_1613, %get3A_1614] {strides = array<i32>} : memref<4x100x64xf32, #tpu.memory_space<vmem>>, vector<1x1x16xf32>,
      %get3A_1616 = vector.shape_cast %get3A_1615 : vector<1x1x16xf32> to vector<16xf32>
      %add3A_1617 = arith.addf %add3A_1589, %get3A_1616 : vector<16xf32>
      %get3A_1618 = arith.constant 54 : i32
      %get3A_1619 = arith.index_cast %rem3A_44 : i32 to index
      %get3A_1620 = arith.index_cast %get3A_1618 : i32 to index
      %get3A_1621 = arith.constant 48 : index
      %get3A_1622 = tpu.vector_load %arg6[%get3A_1619, %get3A_1620, %get3A_1621] {strides = array<i32>} : memref<4x100x64xf32, #tpu.memory_space<vmem>>, vector<1x1x16xf32>,
      %get3A_1623 = vector.shape_cast %get3A_1622 : vector<1x1x16xf32> to vector<16xf32>
      %add3A_1624 = arith.addf %add3A_1596, %get3A_1623 : vector<16xf32>
      %get3A_1625 = arith.constant 55 : i32
      %get3A_1626 = arith.index_cast %rem3A_44 : i32 to index
      %get3A_1627 = arith.index_cast %get3A_1625 : i32 to index
      %get3A_1628 = arith.constant 0 : index
      %get3A_1629 = tpu.vector_load %arg6[%get3A_1626, %get3A_1627, %get3A_1628] {strides = array<i32>} : memref<4x100x64xf32, #tpu.memory_space<vmem>>, vector<1x1x16xf32>,
      %get3A_1630 = vector.shape_cast %get3A_1629 : vector<1x1x16xf32> to vector<16xf32>
      %add3A_1631 = arith.addf %add3A_1603, %get3A_1630 : vector<16xf32>
      %get3A_1632 = arith.constant 55 : i32
      %get3A_1633 = arith.index_cast %rem3A_44 : i32 to index
      %get3A_1634 = arith.index_cast %get3A_1632 : i32 to index
      %get3A_1635 = arith.constant 16 : index
      %get3A_1636 = tpu.vector_load %arg6[%get3A_1633, %get3A_1634, %get3A_1635] {strides = array<i32>} : memref<4x100x64xf32, #tpu.memory_space<vmem>>, vector<1x1x16xf32>,
      %get3A_1637 = vector.shape_cast %get3A_1636 : vector<1x1x16xf32> to vector<16xf32>
      %add3A_1638 = arith.addf %add3A_1610, %get3A_1637 : vector<16xf32>
      %get3A_1639 = arith.constant 55 : i32
      %get3A_1640 = arith.index_cast %rem3A_44 : i32 to index
      %get3A_1641 = arith.index_cast %get3A_1639 : i32 to index
      %get3A_1642 = arith.constant 32 : index
      %get3A_1643 = tpu.vector_load %arg6[%get3A_1640, %get3A_1641, %get3A_1642] {strides = array<i32>} : memref<4x100x64xf32, #tpu.memory_space<vmem>>, vector<1x1x16xf32>,
      %get3A_1644 = vector.shape_cast %get3A_1643 : vector<1x1x16xf32> to vector<16xf32>
      %add3A_1645 = arith.addf %add3A_1617, %get3A_1644 : vector<16xf32>
      %get3A_1646 = arith.constant 55 : i32
      %get3A_1647 = arith.index_cast %rem3A_44 : i32 to index
      %get3A_1648 = arith.index_cast %get3A_1646 : i32 to index
      %get3A_1649 = arith.constant 48 : index
      %get3A_1650 = tpu.vector_load %arg6[%get3A_1647, %get3A_1648, %get3A_1649] {strides = array<i32>} : memref<4x100x64xf32, #tpu.memory_space<vmem>>, vector<1x1x16xf32>,
      %get3A_1651 = vector.shape_cast %get3A_1650 : vector<1x1x16xf32> to vector<16xf32>
      %add3A_1652 = arith.addf %add3A_1624, %get3A_1651 : vector<16xf32>
      %get3A_1653 = arith.constant 56 : i32
      %get3A_1654 = arith.index_cast %rem3A_44 : i32 to index
      %get3A_1655 = arith.index_cast %get3A_1653 : i32 to index
      %get3A_1656 = arith.constant 0 : index
      %get3A_1657 = tpu.vector_load %arg6[%get3A_1654, %get3A_1655, %get3A_1656] {strides = array<i32>} : memref<4x100x64xf32, #tpu.memory_space<vmem>>, vector<1x1x16xf32>,
      %get3A_1658 = vector.shape_cast %get3A_1657 : vector<1x1x16xf32> to vector<16xf32>
      %add3A_1659 = arith.addf %add3A_1631, %get3A_1658 : vector<16xf32>
      %get3A_1660 = arith.constant 56 : i32
      %get3A_1661 = arith.index_cast %rem3A_44 : i32 to index
      %get3A_1662 = arith.index_cast %get3A_1660 : i32 to index
      %get3A_1663 = arith.constant 16 : index
      %get3A_1664 = tpu.vector_load %arg6[%get3A_1661, %get3A_1662, %get3A_1663] {strides = array<i32>} : memref<4x100x64xf32, #tpu.memory_space<vmem>>, vector<1x1x16xf32>,
      %get3A_1665 = vector.shape_cast %get3A_1664 : vector<1x1x16xf32> to vector<16xf32>
      %add3A_1666 = arith.addf %add3A_1638, %get3A_1665 : vector<16xf32>
      %get3A_1667 = arith.constant 56 : i32
      %get3A_1668 = arith.index_cast %rem3A_44 : i32 to index
      %get3A_1669 = arith.index_cast %get3A_1667 : i32 to index
      %get3A_1670 = arith.constant 32 : index
      %get3A_1671 = tpu.vector_load %arg6[%get3A_1668, %get3A_1669, %get3A_1670] {strides = array<i32>} : memref<4x100x64xf32, #tpu.memory_space<vmem>>, vector<1x1x16xf32>,
      %get3A_1672 = vector.shape_cast %get3A_1671 : vector<1x1x16xf32> to vector<16xf32>
      %add3A_1673 = arith.addf %add3A_1645, %get3A_1672 : vector<16xf32>
      %get3A_1674 = arith.constant 56 : i32
      %get3A_1675 = arith.index_cast %rem3A_44 : i32 to index
      %get3A_1676 = arith.index_cast %get3A_1674 : i32 to index
      %get3A_1677 = arith.constant 48 : index
      %get3A_1678 = tpu.vector_load %arg6[%get3A_1675, %get3A_1676, %get3A_1677] {strides = array<i32>} : memref<4x100x64xf32, #tpu.memory_space<vmem>>, vector<1x1x16xf32>,
      %get3A_1679 = vector.shape_cast %get3A_1678 : vector<1x1x16xf32> to vector<16xf32>
      %add3A_1680 = arith.addf %add3A_1652, %get3A_1679 : vector<16xf32>
      %get3A_1681 = arith.constant 57 : i32
      %get3A_1682 = arith.index_cast %rem3A_44 : i32 to index
      %get3A_1683 = arith.index_cast %get3A_1681 : i32 to index
      %get3A_1684 = arith.constant 0 : index
      %get3A_1685 = tpu.vector_load %arg6[%get3A_1682, %get3A_1683, %get3A_1684] {strides = array<i32>} : memref<4x100x64xf32, #tpu.memory_space<vmem>>, vector<1x1x16xf32>,
      %get3A_1686 = vector.shape_cast %get3A_1685 : vector<1x1x16xf32> to vector<16xf32>
      %add3A_1687 = arith.addf %add3A_1659, %get3A_1686 : vector<16xf32>
      %get3A_1688 = arith.constant 57 : i32
      %get3A_1689 = arith.index_cast %rem3A_44 : i32 to index
      %get3A_1690 = arith.index_cast %get3A_1688 : i32 to index
      %get3A_1691 = arith.constant 16 : index
      %get3A_1692 = tpu.vector_load %arg6[%get3A_1689, %get3A_1690, %get3A_1691] {strides = array<i32>} : memref<4x100x64xf32, #tpu.memory_space<vmem>>, vector<1x1x16xf32>,
      %get3A_1693 = vector.shape_cast %get3A_1692 : vector<1x1x16xf32> to vector<16xf32>
      %add3A_1694 = arith.addf %add3A_1666, %get3A_1693 : vector<16xf32>
      %get3A_1695 = arith.constant 57 : i32
      %get3A_1696 = arith.index_cast %rem3A_44 : i32 to index
      %get3A_1697 = arith.index_cast %get3A_1695 : i32 to index
      %get3A_1698 = arith.constant 32 : index
      %get3A_1699 = tpu.vector_load %arg6[%get3A_1696, %get3A_1697, %get3A_1698] {strides = array<i32>} : memref<4x100x64xf32, #tpu.memory_space<vmem>>, vector<1x1x16xf32>,
      %get3A_1700 = vector.shape_cast %get3A_1699 : vector<1x1x16xf32> to vector<16xf32>
      %add3A_1701 = arith.addf %add3A_1673, %get3A_1700 : vector<16xf32>
      %get3A_1702 = arith.constant 57 : i32
      %get3A_1703 = arith.index_cast %rem3A_44 : i32 to index
      %get3A_1704 = arith.index_cast %get3A_1702 : i32 to index
      %get3A_1705 = arith.constant 48 : index
      %get3A_1706 = tpu.vector_load %arg6[%get3A_1703, %get3A_1704, %get3A_1705] {strides = array<i32>} : memref<4x100x64xf32, #tpu.memory_space<vmem>>, vector<1x1x16xf32>,
      %get3A_1707 = vector.shape_cast %get3A_1706 : vector<1x1x16xf32> to vector<16xf32>
      %add3A_1708 = arith.addf %add3A_1680, %get3A_1707 : vector<16xf32>
      %get3A_1709 = arith.constant 58 : i32
      %get3A_1710 = arith.index_cast %rem3A_44 : i32 to index
      %get3A_1711 = arith.index_cast %get3A_1709 : i32 to index
      %get3A_1712 = arith.constant 0 : index
      %get3A_1713 = tpu.vector_load %arg6[%get3A_1710, %get3A_1711, %get3A_1712] {strides = array<i32>} : memref<4x100x64xf32, #tpu.memory_space<vmem>>, vector<1x1x16xf32>,
      %get3A_1714 = vector.shape_cast %get3A_1713 : vector<1x1x16xf32> to vector<16xf32>
      %add3A_1715 = arith.addf %add3A_1687, %get3A_1714 : vector<16xf32>
      %get3A_1716 = arith.constant 58 : i32
      %get3A_1717 = arith.index_cast %rem3A_44 : i32 to index
      %get3A_1718 = arith.index_cast %get3A_1716 : i32 to index
      %get3A_1719 = arith.constant 16 : index
      %get3A_1720 = tpu.vector_load %arg6[%get3A_1717, %get3A_1718, %get3A_1719] {strides = array<i32>} : memref<4x100x64xf32, #tpu.memory_space<vmem>>, vector<1x1x16xf32>,
      %get3A_1721 = vector.shape_cast %get3A_1720 : vector<1x1x16xf32> to vector<16xf32>
      %add3A_1722 = arith.addf %add3A_1694, %get3A_1721 : vector<16xf32>
      %get3A_1723 = arith.constant 58 : i32
      %get3A_1724 = arith.index_cast %rem3A_44 : i32 to index
      %get3A_1725 = arith.index_cast %get3A_1723 : i32 to index
      %get3A_1726 = arith.constant 32 : index
      %get3A_1727 = tpu.vector_load %arg6[%get3A_1724, %get3A_1725, %get3A_1726] {strides = array<i32>} : memref<4x100x64xf32, #tpu.memory_space<vmem>>, vector<1x1x16xf32>,
      %get3A_1728 = vector.shape_cast %get3A_1727 : vector<1x1x16xf32> to vector<16xf32>
      %add3A_1729 = arith.addf %add3A_1701, %get3A_1728 : vector<16xf32>
      %get3A_1730 = arith.constant 58 : i32
      %get3A_1731 = arith.index_cast %rem3A_44 : i32 to index
      %get3A_1732 = arith.index_cast %get3A_1730 : i32 to index
      %get3A_1733 = arith.constant 48 : index
      %get3A_1734 = tpu.vector_load %arg6[%get3A_1731, %get3A_1732, %get3A_1733] {strides = array<i32>} : memref<4x100x64xf32, #tpu.memory_space<vmem>>, vector<1x1x16xf32>,
      %get3A_1735 = vector.shape_cast %get3A_1734 : vector<1x1x16xf32> to vector<16xf32>
      %add3A_1736 = arith.addf %add3A_1708, %get3A_1735 : vector<16xf32>
      %get3A_1737 = arith.constant 59 : i32
      %get3A_1738 = arith.index_cast %rem3A_44 : i32 to index
      %get3A_1739 = arith.index_cast %get3A_1737 : i32 to index
      %get3A_1740 = arith.constant 0 : index
      %get3A_1741 = tpu.vector_load %arg6[%get3A_1738, %get3A_1739, %get3A_1740] {strides = array<i32>} : memref<4x100x64xf32, #tpu.memory_space<vmem>>, vector<1x1x16xf32>,
      %get3A_1742 = vector.shape_cast %get3A_1741 : vector<1x1x16xf32> to vector<16xf32>
      %add3A_1743 = arith.addf %add3A_1715, %get3A_1742 : vector<16xf32>
      %get3A_1744 = arith.constant 59 : i32
      %get3A_1745 = arith.index_cast %rem3A_44 : i32 to index
      %get3A_1746 = arith.index_cast %get3A_1744 : i32 to index
      %get3A_1747 = arith.constant 16 : index
      %get3A_1748 = tpu.vector_load %arg6[%get3A_1745, %get3A_1746, %get3A_1747] {strides = array<i32>} : memref<4x100x64xf32, #tpu.memory_space<vmem>>, vector<1x1x16xf32>,
      %get3A_1749 = vector.shape_cast %get3A_1748 : vector<1x1x16xf32> to vector<16xf32>
      %add3A_1750 = arith.addf %add3A_1722, %get3A_1749 : vector<16xf32>
      %get3A_1751 = arith.constant 59 : i32
      %get3A_1752 = arith.index_cast %rem3A_44 : i32 to index
      %get3A_1753 = arith.index_cast %get3A_1751 : i32 to index
      %get3A_1754 = arith.constant 32 : index
      %get3A_1755 = tpu.vector_load %arg6[%get3A_1752, %get3A_1753, %get3A_1754] {strides = array<i32>} : memref<4x100x64xf32, #tpu.memory_space<vmem>>, vector<1x1x16xf32>,
      %get3A_1756 = vector.shape_cast %get3A_1755 : vector<1x1x16xf32> to vector<16xf32>
      %add3A_1757 = arith.addf %add3A_1729, %get3A_1756 : vector<16xf32>
      %get3A_1758 = arith.constant 59 : i32
      %get3A_1759 = arith.index_cast %rem3A_44 : i32 to index
      %get3A_1760 = arith.index_cast %get3A_1758 : i32 to index
      %get3A_1761 = arith.constant 48 : index
      %get3A_1762 = tpu.vector_load %arg6[%get3A_1759, %get3A_1760, %get3A_1761] {strides = array<i32>} : memref<4x100x64xf32, #tpu.memory_space<vmem>>, vector<1x1x16xf32>,
      %get3A_1763 = vector.shape_cast %get3A_1762 : vector<1x1x16xf32> to vector<16xf32>
      %add3A_1764 = arith.addf %add3A_1736, %get3A_1763 : vector<16xf32>
      %get3A_1765 = arith.constant 60 : i32
      %get3A_1766 = arith.index_cast %rem3A_44 : i32 to index
      %get3A_1767 = arith.index_cast %get3A_1765 : i32 to index
      %get3A_1768 = arith.constant 0 : index
      %get3A_1769 = tpu.vector_load %arg6[%get3A_1766, %get3A_1767, %get3A_1768] {strides = array<i32>} : memref<4x100x64xf32, #tpu.memory_space<vmem>>, vector<1x1x16xf32>,
      %get3A_1770 = vector.shape_cast %get3A_1769 : vector<1x1x16xf32> to vector<16xf32>
      %add3A_1771 = arith.addf %add3A_1743, %get3A_1770 : vector<16xf32>
      %get3A_1772 = arith.constant 60 : i32
      %get3A_1773 = arith.index_cast %rem3A_44 : i32 to index
      %get3A_1774 = arith.index_cast %get3A_1772 : i32 to index
      %get3A_1775 = arith.constant 16 : index
      %get3A_1776 = tpu.vector_load %arg6[%get3A_1773, %get3A_1774, %get3A_1775] {strides = array<i32>} : memref<4x100x64xf32, #tpu.memory_space<vmem>>, vector<1x1x16xf32>,
      %get3A_1777 = vector.shape_cast %get3A_1776 : vector<1x1x16xf32> to vector<16xf32>
      %add3A_1778 = arith.addf %add3A_1750, %get3A_1777 : vector<16xf32>
      %get3A_1779 = arith.constant 60 : i32
      %get3A_1780 = arith.index_cast %rem3A_44 : i32 to index
      %get3A_1781 = arith.index_cast %get3A_1779 : i32 to index
      %get3A_1782 = arith.constant 32 : index
      %get3A_1783 = tpu.vector_load %arg6[%get3A_1780, %get3A_1781, %get3A_1782] {strides = array<i32>} : memref<4x100x64xf32, #tpu.memory_space<vmem>>, vector<1x1x16xf32>,
      %get3A_1784 = vector.shape_cast %get3A_1783 : vector<1x1x16xf32> to vector<16xf32>
      %add3A_1785 = arith.addf %add3A_1757, %get3A_1784 : vector<16xf32>
      %get3A_1786 = arith.constant 60 : i32
      %get3A_1787 = arith.index_cast %rem3A_44 : i32 to index
      %get3A_1788 = arith.index_cast %get3A_1786 : i32 to index
      %get3A_1789 = arith.constant 48 : index
      %get3A_1790 = tpu.vector_load %arg6[%get3A_1787, %get3A_1788, %get3A_1789] {strides = array<i32>} : memref<4x100x64xf32, #tpu.memory_space<vmem>>, vector<1x1x16xf32>,
      %get3A_1791 = vector.shape_cast %get3A_1790 : vector<1x1x16xf32> to vector<16xf32>
      %add3A_1792 = arith.addf %add3A_1764, %get3A_1791 : vector<16xf32>
      %get3A_1793 = arith.constant 61 : i32
      %get3A_1794 = arith.index_cast %rem3A_44 : i32 to index
      %get3A_1795 = arith.index_cast %get3A_1793 : i32 to index
      %get3A_1796 = arith.constant 0 : index
      %get3A_1797 = tpu.vector_load %arg6[%get3A_1794, %get3A_1795, %get3A_1796] {strides = array<i32>} : memref<4x100x64xf32, #tpu.memory_space<vmem>>, vector<1x1x16xf32>,
      %get3A_1798 = vector.shape_cast %get3A_1797 : vector<1x1x16xf32> to vector<16xf32>
      %add3A_1799 = arith.addf %add3A_1771, %get3A_1798 : vector<16xf32>
      %get3A_1800 = arith.constant 61 : i32
      %get3A_1801 = arith.index_cast %rem3A_44 : i32 to index
      %get3A_1802 = arith.index_cast %get3A_1800 : i32 to index
      %get3A_1803 = arith.constant 16 : index
      %get3A_1804 = tpu.vector_load %arg6[%get3A_1801, %get3A_1802, %get3A_1803] {strides = array<i32>} : memref<4x100x64xf32, #tpu.memory_space<vmem>>, vector<1x1x16xf32>,
      %get3A_1805 = vector.shape_cast %get3A_1804 : vector<1x1x16xf32> to vector<16xf32>
      %add3A_1806 = arith.addf %add3A_1778, %get3A_1805 : vector<16xf32>
      %get3A_1807 = arith.constant 61 : i32
      %get3A_1808 = arith.index_cast %rem3A_44 : i32 to index
      %get3A_1809 = arith.index_cast %get3A_1807 : i32 to index
      %get3A_1810 = arith.constant 32 : index
      %get3A_1811 = tpu.vector_load %arg6[%get3A_1808, %get3A_1809, %get3A_1810] {strides = array<i32>} : memref<4x100x64xf32, #tpu.memory_space<vmem>>, vector<1x1x16xf32>,
      %get3A_1812 = vector.shape_cast %get3A_1811 : vector<1x1x16xf32> to vector<16xf32>
      %add3A_1813 = arith.addf %add3A_1785, %get3A_1812 : vector<16xf32>
      %get3A_1814 = arith.constant 61 : i32
      %get3A_1815 = arith.index_cast %rem3A_44 : i32 to index
      %get3A_1816 = arith.index_cast %get3A_1814 : i32 to index
      %get3A_1817 = arith.constant 48 : index
      %get3A_1818 = tpu.vector_load %arg6[%get3A_1815, %get3A_1816, %get3A_1817] {strides = array<i32>} : memref<4x100x64xf32, #tpu.memory_space<vmem>>, vector<1x1x16xf32>,
      %get3A_1819 = vector.shape_cast %get3A_1818 : vector<1x1x16xf32> to vector<16xf32>
      %add3A_1820 = arith.addf %add3A_1792, %get3A_1819 : vector<16xf32>
      %get3A_1821 = arith.constant 62 : i32
      %get3A_1822 = arith.index_cast %rem3A_44 : i32 to index
      %get3A_1823 = arith.index_cast %get3A_1821 : i32 to index
      %get3A_1824 = arith.constant 0 : index
      %get3A_1825 = tpu.vector_load %arg6[%get3A_1822, %get3A_1823, %get3A_1824] {strides = array<i32>} : memref<4x100x64xf32, #tpu.memory_space<vmem>>, vector<1x1x16xf32>,
      %get3A_1826 = vector.shape_cast %get3A_1825 : vector<1x1x16xf32> to vector<16xf32>
      %add3A_1827 = arith.addf %add3A_1799, %get3A_1826 : vector<16xf32>
      %get3A_1828 = arith.constant 62 : i32
      %get3A_1829 = arith.index_cast %rem3A_44 : i32 to index
      %get3A_1830 = arith.index_cast %get3A_1828 : i32 to index
      %get3A_1831 = arith.constant 16 : index
      %get3A_1832 = tpu.vector_load %arg6[%get3A_1829, %get3A_1830, %get3A_1831] {strides = array<i32>} : memref<4x100x64xf32, #tpu.memory_space<vmem>>, vector<1x1x16xf32>,
      %get3A_1833 = vector.shape_cast %get3A_1832 : vector<1x1x16xf32> to vector<16xf32>
      %add3A_1834 = arith.addf %add3A_1806, %get3A_1833 : vector<16xf32>
      %get3A_1835 = arith.constant 62 : i32
      %get3A_1836 = arith.index_cast %rem3A_44 : i32 to index
      %get3A_1837 = arith.index_cast %get3A_1835 : i32 to index
      %get3A_1838 = arith.constant 32 : index
      %get3A_1839 = tpu.vector_load %arg6[%get3A_1836, %get3A_1837, %get3A_1838] {strides = array<i32>} : memref<4x100x64xf32, #tpu.memory_space<vmem>>, vector<1x1x16xf32>,
      %get3A_1840 = vector.shape_cast %get3A_1839 : vector<1x1x16xf32> to vector<16xf32>
      %add3A_1841 = arith.addf %add3A_1813, %get3A_1840 : vector<16xf32>
      %get3A_1842 = arith.constant 62 : i32
      %get3A_1843 = arith.index_cast %rem3A_44 : i32 to index
      %get3A_1844 = arith.index_cast %get3A_1842 : i32 to index
      %get3A_1845 = arith.constant 48 : index
      %get3A_1846 = tpu.vector_load %arg6[%get3A_1843, %get3A_1844, %get3A_1845] {strides = array<i32>} : memref<4x100x64xf32, #tpu.memory_space<vmem>>, vector<1x1x16xf32>,
      %get3A_1847 = vector.shape_cast %get3A_1846 : vector<1x1x16xf32> to vector<16xf32>
      %add3A_1848 = arith.addf %add3A_1820, %get3A_1847 : vector<16xf32>
      %get3A_1849 = arith.constant 63 : i32
      %get3A_1850 = arith.index_cast %rem3A_44 : i32 to index
      %get3A_1851 = arith.index_cast %get3A_1849 : i32 to index
      %get3A_1852 = arith.constant 0 : index
      %get3A_1853 = tpu.vector_load %arg6[%get3A_1850, %get3A_1851, %get3A_1852] {strides = array<i32>} : memref<4x100x64xf32, #tpu.memory_space<vmem>>, vector<1x1x16xf32>,
      %get3A_1854 = vector.shape_cast %get3A_1853 : vector<1x1x16xf32> to vector<16xf32>
      %add3A_1855 = arith.addf %add3A_1827, %get3A_1854 : vector<16xf32>
      %get3A_1856 = arith.constant 63 : i32
      %get3A_1857 = arith.index_cast %rem3A_44 : i32 to index
      %get3A_1858 = arith.index_cast %get3A_1856 : i32 to index
      %get3A_1859 = arith.constant 16 : index
      %get3A_1860 = tpu.vector_load %arg6[%get3A_1857, %get3A_1858, %get3A_1859] {strides = array<i32>} : memref<4x100x64xf32, #tpu.memory_space<vmem>>, vector<1x1x16xf32>,
      %get3A_1861 = vector.shape_cast %get3A_1860 : vector<1x1x16xf32> to vector<16xf32>
      %add3A_1862 = arith.addf %add3A_1834, %get3A_1861 : vector<16xf32>
      %get3A_1863 = arith.constant 63 : i32
      %get3A_1864 = arith.index_cast %rem3A_44 : i32 to index
      %get3A_1865 = arith.index_cast %get3A_1863 : i32 to index
      %get3A_1866 = arith.constant 32 : index
      %get3A_1867 = tpu.vector_load %arg6[%get3A_1864, %get3A_1865, %get3A_1866] {strides = array<i32>} : memref<4x100x64xf32, #tpu.memory_space<vmem>>, vector<1x1x16xf32>,
      %get3A_1868 = vector.shape_cast %get3A_1867 : vector<1x1x16xf32> to vector<16xf32>
      %add3A_1869 = arith.addf %add3A_1841, %get3A_1868 : vector<16xf32>
      %get3A_1870 = arith.constant 63 : i32
      %get3A_1871 = arith.index_cast %rem3A_44 : i32 to index
      %get3A_1872 = arith.index_cast %get3A_1870 : i32 to index
      %get3A_1873 = arith.constant 48 : index
      %get3A_1874 = tpu.vector_load %arg6[%get3A_1871, %get3A_1872, %get3A_1873] {strides = array<i32>} : memref<4x100x64xf32, #tpu.memory_space<vmem>>, vector<1x1x16xf32>,
      %get3A_1875 = vector.shape_cast %get3A_1874 : vector<1x1x16xf32> to vector<16xf32>
      %add3A_1876 = arith.addf %add3A_1848, %get3A_1875 : vector<16xf32>
      %get3A_1877 = arith.constant 64 : i32
      %get3A_1878 = arith.index_cast %rem3A_44 : i32 to index
      %get3A_1879 = arith.index_cast %get3A_1877 : i32 to index
      %get3A_1880 = arith.constant 0 : index
      %get3A_1881 = tpu.vector_load %arg6[%get3A_1878, %get3A_1879, %get3A_1880] {strides = array<i32>} : memref<4x100x64xf32, #tpu.memory_space<vmem>>, vector<1x1x16xf32>,
      %get3A_1882 = vector.shape_cast %get3A_1881 : vector<1x1x16xf32> to vector<16xf32>
      %add3A_1883 = arith.addf %add3A_1855, %get3A_1882 : vector<16xf32>
      %get3A_1884 = arith.constant 64 : i32
      %get3A_1885 = arith.index_cast %rem3A_44 : i32 to index
      %get3A_1886 = arith.index_cast %get3A_1884 : i32 to index
      %get3A_1887 = arith.constant 16 : index
      %get3A_1888 = tpu.vector_load %arg6[%get3A_1885, %get3A_1886, %get3A_1887] {strides = array<i32>} : memref<4x100x64xf32, #tpu.memory_space<vmem>>, vector<1x1x16xf32>,
      %get3A_1889 = vector.shape_cast %get3A_1888 : vector<1x1x16xf32> to vector<16xf32>
      %add3A_1890 = arith.addf %add3A_1862, %get3A_1889 : vector<16xf32>
      %get3A_1891 = arith.constant 64 : i32
      %get3A_1892 = arith.index_cast %rem3A_44 : i32 to index
      %get3A_1893 = arith.index_cast %get3A_1891 : i32 to index
      %get3A_1894 = arith.constant 32 : index
      %get3A_1895 = tpu.vector_load %arg6[%get3A_1892, %get3A_1893, %get3A_1894] {strides = array<i32>} : memref<4x100x64xf32, #tpu.memory_space<vmem>>, vector<1x1x16xf32>,
      %get3A_1896 = vector.shape_cast %get3A_1895 : vector<1x1x16xf32> to vector<16xf32>
      %add3A_1897 = arith.addf %add3A_1869, %get3A_1896 : vector<16xf32>
      %get3A_1898 = arith.constant 64 : i32
      %get3A_1899 = arith.index_cast %rem3A_44 : i32 to index
      %get3A_1900 = arith.index_cast %get3A_1898 : i32 to index
      %get3A_1901 = arith.constant 48 : index
      %get3A_1902 = tpu.vector_load %arg6[%get3A_1899, %get3A_1900, %get3A_1901] {strides = array<i32>} : memref<4x100x64xf32, #tpu.memory_space<vmem>>, vector<1x1x16xf32>,
      %get3A_1903 = vector.shape_cast %get3A_1902 : vector<1x1x16xf32> to vector<16xf32>
      %add3A_1904 = arith.addf %add3A_1876, %get3A_1903 : vector<16xf32>
      %get3A_1905 = arith.constant 65 : i32
      %get3A_1906 = arith.index_cast %rem3A_44 : i32 to index
      %get3A_1907 = arith.index_cast %get3A_1905 : i32 to index
      %get3A_1908 = arith.constant 0 : index
      %get3A_1909 = tpu.vector_load %arg6[%get3A_1906, %get3A_1907, %get3A_1908] {strides = array<i32>} : memref<4x100x64xf32, #tpu.memory_space<vmem>>, vector<1x1x16xf32>,
      %get3A_1910 = vector.shape_cast %get3A_1909 : vector<1x1x16xf32> to vector<16xf32>
      %add3A_1911 = arith.addf %add3A_1883, %get3A_1910 : vector<16xf32>
      %get3A_1912 = arith.constant 65 : i32
      %get3A_1913 = arith.index_cast %rem3A_44 : i32 to index
      %get3A_1914 = arith.index_cast %get3A_1912 : i32 to index
      %get3A_1915 = arith.constant 16 : index
      %get3A_1916 = tpu.vector_load %arg6[%get3A_1913, %get3A_1914, %get3A_1915] {strides = array<i32>} : memref<4x100x64xf32, #tpu.memory_space<vmem>>, vector<1x1x16xf32>,
      %get3A_1917 = vector.shape_cast %get3A_1916 : vector<1x1x16xf32> to vector<16xf32>
      %add3A_1918 = arith.addf %add3A_1890, %get3A_1917 : vector<16xf32>
      %get3A_1919 = arith.constant 65 : i32
      %get3A_1920 = arith.index_cast %rem3A_44 : i32 to index
      %get3A_1921 = arith.index_cast %get3A_1919 : i32 to index
      %get3A_1922 = arith.constant 32 : index
      %get3A_1923 = tpu.vector_load %arg6[%get3A_1920, %get3A_1921, %get3A_1922] {strides = array<i32>} : memref<4x100x64xf32, #tpu.memory_space<vmem>>, vector<1x1x16xf32>,
      %get3A_1924 = vector.shape_cast %get3A_1923 : vector<1x1x16xf32> to vector<16xf32>
      %add3A_1925 = arith.addf %add3A_1897, %get3A_1924 : vector<16xf32>
      %get3A_1926 = arith.constant 65 : i32
      %get3A_1927 = arith.index_cast %rem3A_44 : i32 to index
      %get3A_1928 = arith.index_cast %get3A_1926 : i32 to index
      %get3A_1929 = arith.constant 48 : index
      %get3A_1930 = tpu.vector_load %arg6[%get3A_1927, %get3A_1928, %get3A_1929] {strides = array<i32>} : memref<4x100x64xf32, #tpu.memory_space<vmem>>, vector<1x1x16xf32>,
      %get3A_1931 = vector.shape_cast %get3A_1930 : vector<1x1x16xf32> to vector<16xf32>
      %add3A_1932 = arith.addf %add3A_1904, %get3A_1931 : vector<16xf32>
      %get3A_1933 = arith.constant 66 : i32
      %get3A_1934 = arith.index_cast %rem3A_44 : i32 to index
      %get3A_1935 = arith.index_cast %get3A_1933 : i32 to index
      %get3A_1936 = arith.constant 0 : index
      %get3A_1937 = tpu.vector_load %arg6[%get3A_1934, %get3A_1935, %get3A_1936] {strides = array<i32>} : memref<4x100x64xf32, #tpu.memory_space<vmem>>, vector<1x1x16xf32>,
      %get3A_1938 = vector.shape_cast %get3A_1937 : vector<1x1x16xf32> to vector<16xf32>
      %add3A_1939 = arith.addf %add3A_1911, %get3A_1938 : vector<16xf32>
      %get3A_1940 = arith.constant 66 : i32
      %get3A_1941 = arith.index_cast %rem3A_44 : i32 to index
      %get3A_1942 = arith.index_cast %get3A_1940 : i32 to index
      %get3A_1943 = arith.constant 16 : index
      %get3A_1944 = tpu.vector_load %arg6[%get3A_1941, %get3A_1942, %get3A_1943] {strides = array<i32>} : memref<4x100x64xf32, #tpu.memory_space<vmem>>, vector<1x1x16xf32>,
      %get3A_1945 = vector.shape_cast %get3A_1944 : vector<1x1x16xf32> to vector<16xf32>
      %add3A_1946 = arith.addf %add3A_1918, %get3A_1945 : vector<16xf32>
      %get3A_1947 = arith.constant 66 : i32
      %get3A_1948 = arith.index_cast %rem3A_44 : i32 to index
      %get3A_1949 = arith.index_cast %get3A_1947 : i32 to index
      %get3A_1950 = arith.constant 32 : index
      %get3A_1951 = tpu.vector_load %arg6[%get3A_1948, %get3A_1949, %get3A_1950] {strides = array<i32>} : memref<4x100x64xf32, #tpu.memory_space<vmem>>, vector<1x1x16xf32>,
      %get3A_1952 = vector.shape_cast %get3A_1951 : vector<1x1x16xf32> to vector<16xf32>
      %add3A_1953 = arith.addf %add3A_1925, %get3A_1952 : vector<16xf32>
      %get3A_1954 = arith.constant 66 : i32
      %get3A_1955 = arith.index_cast %rem3A_44 : i32 to index
      %get3A_1956 = arith.index_cast %get3A_1954 : i32 to index
      %get3A_1957 = arith.constant 48 : index
      %get3A_1958 = tpu.vector_load %arg6[%get3A_1955, %get3A_1956, %get3A_1957] {strides = array<i32>} : memref<4x100x64xf32, #tpu.memory_space<vmem>>, vector<1x1x16xf32>,
      %get3A_1959 = vector.shape_cast %get3A_1958 : vector<1x1x16xf32> to vector<16xf32>
      %add3A_1960 = arith.addf %add3A_1932, %get3A_1959 : vector<16xf32>
      %get3A_1961 = arith.constant 67 : i32
      %get3A_1962 = arith.index_cast %rem3A_44 : i32 to index
      %get3A_1963 = arith.index_cast %get3A_1961 : i32 to index
      %get3A_1964 = arith.constant 0 : index
      %get3A_1965 = tpu.vector_load %arg6[%get3A_1962, %get3A_1963, %get3A_1964] {strides = array<i32>} : memref<4x100x64xf32, #tpu.memory_space<vmem>>, vector<1x1x16xf32>,
      %get3A_1966 = vector.shape_cast %get3A_1965 : vector<1x1x16xf32> to vector<16xf32>
      %add3A_1967 = arith.addf %add3A_1939, %get3A_1966 : vector<16xf32>
      %get3A_1968 = arith.constant 67 : i32
      %get3A_1969 = arith.index_cast %rem3A_44 : i32 to index
      %get3A_1970 = arith.index_cast %get3A_1968 : i32 to index
      %get3A_1971 = arith.constant 16 : index
      %get3A_1972 = tpu.vector_load %arg6[%get3A_1969, %get3A_1970, %get3A_1971] {strides = array<i32>} : memref<4x100x64xf32, #tpu.memory_space<vmem>>, vector<1x1x16xf32>,
      %get3A_1973 = vector.shape_cast %get3A_1972 : vector<1x1x16xf32> to vector<16xf32>
      %add3A_1974 = arith.addf %add3A_1946, %get3A_1973 : vector<16xf32>
      %get3A_1975 = arith.constant 67 : i32
      %get3A_1976 = arith.index_cast %rem3A_44 : i32 to index
      %get3A_1977 = arith.index_cast %get3A_1975 : i32 to index
      %get3A_1978 = arith.constant 32 : index
      %get3A_1979 = tpu.vector_load %arg6[%get3A_1976, %get3A_1977, %get3A_1978] {strides = array<i32>} : memref<4x100x64xf32, #tpu.memory_space<vmem>>, vector<1x1x16xf32>,
      %get3A_1980 = vector.shape_cast %get3A_1979 : vector<1x1x16xf32> to vector<16xf32>
      %add3A_1981 = arith.addf %add3A_1953, %get3A_1980 : vector<16xf32>
      %get3A_1982 = arith.constant 67 : i32
      %get3A_1983 = arith.index_cast %rem3A_44 : i32 to index
      %get3A_1984 = arith.index_cast %get3A_1982 : i32 to index
      %get3A_1985 = arith.constant 48 : index
      %get3A_1986 = tpu.vector_load %arg6[%get3A_1983, %get3A_1984, %get3A_1985] {strides = array<i32>} : memref<4x100x64xf32, #tpu.memory_space<vmem>>, vector<1x1x16xf32>,
      %get3A_1987 = vector.shape_cast %get3A_1986 : vector<1x1x16xf32> to vector<16xf32>
      %add3A_1988 = arith.addf %add3A_1960, %get3A_1987 : vector<16xf32>
      %get3A_1989 = arith.constant 68 : i32
      %get3A_1990 = arith.index_cast %rem3A_44 : i32 to index
      %get3A_1991 = arith.index_cast %get3A_1989 : i32 to index
      %get3A_1992 = arith.constant 0 : index
      %get3A_1993 = tpu.vector_load %arg6[%get3A_1990, %get3A_1991, %get3A_1992] {strides = array<i32>} : memref<4x100x64xf32, #tpu.memory_space<vmem>>, vector<1x1x16xf32>,
      %get3A_1994 = vector.shape_cast %get3A_1993 : vector<1x1x16xf32> to vector<16xf32>
      %add3A_1995 = arith.addf %add3A_1967, %get3A_1994 : vector<16xf32>
      %get3A_1996 = arith.constant 68 : i32
      %get3A_1997 = arith.index_cast %rem3A_44 : i32 to index
      %get3A_1998 = arith.index_cast %get3A_1996 : i32 to index
      %get3A_1999 = arith.constant 16 : index
      %get3A_2000 = tpu.vector_load %arg6[%get3A_1997, %get3A_1998, %get3A_1999] {strides = array<i32>} : memref<4x100x64xf32, #tpu.memory_space<vmem>>, vector<1x1x16xf32>,
      %get3A_2001 = vector.shape_cast %get3A_2000 : vector<1x1x16xf32> to vector<16xf32>
      %add3A_2002 = arith.addf %add3A_1974, %get3A_2001 : vector<16xf32>
      %get3A_2003 = arith.constant 68 : i32
      %get3A_2004 = arith.index_cast %rem3A_44 : i32 to index
      %get3A_2005 = arith.index_cast %get3A_2003 : i32 to index
      %get3A_2006 = arith.constant 32 : index
      %get3A_2007 = tpu.vector_load %arg6[%get3A_2004, %get3A_2005, %get3A_2006] {strides = array<i32>} : memref<4x100x64xf32, #tpu.memory_space<vmem>>, vector<1x1x16xf32>,
      %get3A_2008 = vector.shape_cast %get3A_2007 : vector<1x1x16xf32> to vector<16xf32>
      %add3A_2009 = arith.addf %add3A_1981, %get3A_2008 : vector<16xf32>
      %get3A_2010 = arith.constant 68 : i32
      %get3A_2011 = arith.index_cast %rem3A_44 : i32 to index
      %get3A_2012 = arith.index_cast %get3A_2010 : i32 to index
      %get3A_2013 = arith.constant 48 : index
      %get3A_2014 = tpu.vector_load %arg6[%get3A_2011, %get3A_2012, %get3A_2013] {strides = array<i32>} : memref<4x100x64xf32, #tpu.memory_space<vmem>>, vector<1x1x16xf32>,
      %get3A_2015 = vector.shape_cast %get3A_2014 : vector<1x1x16xf32> to vector<16xf32>
      %add3A_2016 = arith.addf %add3A_1988, %get3A_2015 : vector<16xf32>
      %get3A_2017 = arith.constant 69 : i32
      %get3A_2018 = arith.index_cast %rem3A_44 : i32 to index
      %get3A_2019 = arith.index_cast %get3A_2017 : i32 to index
      %get3A_2020 = arith.constant 0 : index
      %get3A_2021 = tpu.vector_load %arg6[%get3A_2018, %get3A_2019, %get3A_2020] {strides = array<i32>} : memref<4x100x64xf32, #tpu.memory_space<vmem>>, vector<1x1x16xf32>,
      %get3A_2022 = vector.shape_cast %get3A_2021 : vector<1x1x16xf32> to vector<16xf32>
      %add3A_2023 = arith.addf %add3A_1995, %get3A_2022 : vector<16xf32>
      %get3A_2024 = arith.constant 69 : i32
      %get3A_2025 = arith.index_cast %rem3A_44 : i32 to index
      %get3A_2026 = arith.index_cast %get3A_2024 : i32 to index
      %get3A_2027 = arith.constant 16 : index
      %get3A_2028 = tpu.vector_load %arg6[%get3A_2025, %get3A_2026, %get3A_2027] {strides = array<i32>} : memref<4x100x64xf32, #tpu.memory_space<vmem>>, vector<1x1x16xf32>,
      %get3A_2029 = vector.shape_cast %get3A_2028 : vector<1x1x16xf32> to vector<16xf32>
      %add3A_2030 = arith.addf %add3A_2002, %get3A_2029 : vector<16xf32>
      %get3A_2031 = arith.constant 69 : i32
      %get3A_2032 = arith.index_cast %rem3A_44 : i32 to index
      %get3A_2033 = arith.index_cast %get3A_2031 : i32 to index
      %get3A_2034 = arith.constant 32 : index
      %get3A_2035 = tpu.vector_load %arg6[%get3A_2032, %get3A_2033, %get3A_2034] {strides = array<i32>} : memref<4x100x64xf32, #tpu.memory_space<vmem>>, vector<1x1x16xf32>,
      %get3A_2036 = vector.shape_cast %get3A_2035 : vector<1x1x16xf32> to vector<16xf32>
      %add3A_2037 = arith.addf %add3A_2009, %get3A_2036 : vector<16xf32>
      %get3A_2038 = arith.constant 69 : i32
      %get3A_2039 = arith.index_cast %rem3A_44 : i32 to index
      %get3A_2040 = arith.index_cast %get3A_2038 : i32 to index
      %get3A_2041 = arith.constant 48 : index
      %get3A_2042 = tpu.vector_load %arg6[%get3A_2039, %get3A_2040, %get3A_2041] {strides = array<i32>} : memref<4x100x64xf32, #tpu.memory_space<vmem>>, vector<1x1x16xf32>,
      %get3A_2043 = vector.shape_cast %get3A_2042 : vector<1x1x16xf32> to vector<16xf32>
      %add3A_2044 = arith.addf %add3A_2016, %get3A_2043 : vector<16xf32>
      %get3A_2045 = arith.constant 70 : i32
      %get3A_2046 = arith.index_cast %rem3A_44 : i32 to index
      %get3A_2047 = arith.index_cast %get3A_2045 : i32 to index
      %get3A_2048 = arith.constant 0 : index
      %get3A_2049 = tpu.vector_load %arg6[%get3A_2046, %get3A_2047, %get3A_2048] {strides = array<i32>} : memref<4x100x64xf32, #tpu.memory_space<vmem>>, vector<1x1x16xf32>,
      %get3A_2050 = vector.shape_cast %get3A_2049 : vector<1x1x16xf32> to vector<16xf32>
      %add3A_2051 = arith.addf %add3A_2023, %get3A_2050 : vector<16xf32>
      %get3A_2052 = arith.constant 70 : i32
      %get3A_2053 = arith.index_cast %rem3A_44 : i32 to index
      %get3A_2054 = arith.index_cast %get3A_2052 : i32 to index
      %get3A_2055 = arith.constant 16 : index
      %get3A_2056 = tpu.vector_load %arg6[%get3A_2053, %get3A_2054, %get3A_2055] {strides = array<i32>} : memref<4x100x64xf32, #tpu.memory_space<vmem>>, vector<1x1x16xf32>,
      %get3A_2057 = vector.shape_cast %get3A_2056 : vector<1x1x16xf32> to vector<16xf32>
      %add3A_2058 = arith.addf %add3A_2030, %get3A_2057 : vector<16xf32>
      %get3A_2059 = arith.constant 70 : i32
      %get3A_2060 = arith.index_cast %rem3A_44 : i32 to index
      %get3A_2061 = arith.index_cast %get3A_2059 : i32 to index
      %get3A_2062 = arith.constant 32 : index
      %get3A_2063 = tpu.vector_load %arg6[%get3A_2060, %get3A_2061, %get3A_2062] {strides = array<i32>} : memref<4x100x64xf32, #tpu.memory_space<vmem>>, vector<1x1x16xf32>,
      %get3A_2064 = vector.shape_cast %get3A_2063 : vector<1x1x16xf32> to vector<16xf32>
      %add3A_2065 = arith.addf %add3A_2037, %get3A_2064 : vector<16xf32>
      %get3A_2066 = arith.constant 70 : i32
      %get3A_2067 = arith.index_cast %rem3A_44 : i32 to index
      %get3A_2068 = arith.index_cast %get3A_2066 : i32 to index
      %get3A_2069 = arith.constant 48 : index
      %get3A_2070 = tpu.vector_load %arg6[%get3A_2067, %get3A_2068, %get3A_2069] {strides = array<i32>} : memref<4x100x64xf32, #tpu.memory_space<vmem>>, vector<1x1x16xf32>,
      %get3A_2071 = vector.shape_cast %get3A_2070 : vector<1x1x16xf32> to vector<16xf32>
      %add3A_2072 = arith.addf %add3A_2044, %get3A_2071 : vector<16xf32>
      %get3A_2073 = arith.constant 71 : i32
      %get3A_2074 = arith.index_cast %rem3A_44 : i32 to index
      %get3A_2075 = arith.index_cast %get3A_2073 : i32 to index
      %get3A_2076 = arith.constant 0 : index
      %get3A_2077 = tpu.vector_load %arg6[%get3A_2074, %get3A_2075, %get3A_2076] {strides = array<i32>} : memref<4x100x64xf32, #tpu.memory_space<vmem>>, vector<1x1x16xf32>,
      %get3A_2078 = vector.shape_cast %get3A_2077 : vector<1x1x16xf32> to vector<16xf32>
      %add3A_2079 = arith.addf %add3A_2051, %get3A_2078 : vector<16xf32>
      %get3A_2080 = arith.constant 71 : i32
      %get3A_2081 = arith.index_cast %rem3A_44 : i32 to index
      %get3A_2082 = arith.index_cast %get3A_2080 : i32 to index
      %get3A_2083 = arith.constant 16 : index
      %get3A_2084 = tpu.vector_load %arg6[%get3A_2081, %get3A_2082, %get3A_2083] {strides = array<i32>} : memref<4x100x64xf32, #tpu.memory_space<vmem>>, vector<1x1x16xf32>,
      %get3A_2085 = vector.shape_cast %get3A_2084 : vector<1x1x16xf32> to vector<16xf32>
      %add3A_2086 = arith.addf %add3A_2058, %get3A_2085 : vector<16xf32>
      %get3A_2087 = arith.constant 71 : i32
      %get3A_2088 = arith.index_cast %rem3A_44 : i32 to index
      %get3A_2089 = arith.index_cast %get3A_2087 : i32 to index
      %get3A_2090 = arith.constant 32 : index
      %get3A_2091 = tpu.vector_load %arg6[%get3A_2088, %get3A_2089, %get3A_2090] {strides = array<i32>} : memref<4x100x64xf32, #tpu.memory_space<vmem>>, vector<1x1x16xf32>,
      %get3A_2092 = vector.shape_cast %get3A_2091 : vector<1x1x16xf32> to vector<16xf32>
      %add3A_2093 = arith.addf %add3A_2065, %get3A_2092 : vector<16xf32>
      %get3A_2094 = arith.constant 71 : i32
      %get3A_2095 = arith.index_cast %rem3A_44 : i32 to index
      %get3A_2096 = arith.index_cast %get3A_2094 : i32 to index
      %get3A_2097 = arith.constant 48 : index
      %get3A_2098 = tpu.vector_load %arg6[%get3A_2095, %get3A_2096, %get3A_2097] {strides = array<i32>} : memref<4x100x64xf32, #tpu.memory_space<vmem>>, vector<1x1x16xf32>,
      %get3A_2099 = vector.shape_cast %get3A_2098 : vector<1x1x16xf32> to vector<16xf32>
      %add3A_2100 = arith.addf %add3A_2072, %get3A_2099 : vector<16xf32>
      %get3A_2101 = arith.constant 72 : i32
      %get3A_2102 = arith.index_cast %rem3A_44 : i32 to index
      %get3A_2103 = arith.index_cast %get3A_2101 : i32 to index
      %get3A_2104 = arith.constant 0 : index
      %get3A_2105 = tpu.vector_load %arg6[%get3A_2102, %get3A_2103, %get3A_2104] {strides = array<i32>} : memref<4x100x64xf32, #tpu.memory_space<vmem>>, vector<1x1x16xf32>,
      %get3A_2106 = vector.shape_cast %get3A_2105 : vector<1x1x16xf32> to vector<16xf32>
      %add3A_2107 = arith.addf %add3A_2079, %get3A_2106 : vector<16xf32>
      %get3A_2108 = arith.constant 72 : i32
      %get3A_2109 = arith.index_cast %rem3A_44 : i32 to index
      %get3A_2110 = arith.index_cast %get3A_2108 : i32 to index
      %get3A_2111 = arith.constant 16 : index
      %get3A_2112 = tpu.vector_load %arg6[%get3A_2109, %get3A_2110, %get3A_2111] {strides = array<i32>} : memref<4x100x64xf32, #tpu.memory_space<vmem>>, vector<1x1x16xf32>,
      %get3A_2113 = vector.shape_cast %get3A_2112 : vector<1x1x16xf32> to vector<16xf32>
      %add3A_2114 = arith.addf %add3A_2086, %get3A_2113 : vector<16xf32>
      %get3A_2115 = arith.constant 72 : i32
      %get3A_2116 = arith.index_cast %rem3A_44 : i32 to index
      %get3A_2117 = arith.index_cast %get3A_2115 : i32 to index
      %get3A_2118 = arith.constant 32 : index
      %get3A_2119 = tpu.vector_load %arg6[%get3A_2116, %get3A_2117, %get3A_2118] {strides = array<i32>} : memref<4x100x64xf32, #tpu.memory_space<vmem>>, vector<1x1x16xf32>,
      %get3A_2120 = vector.shape_cast %get3A_2119 : vector<1x1x16xf32> to vector<16xf32>
      %add3A_2121 = arith.addf %add3A_2093, %get3A_2120 : vector<16xf32>
      %get3A_2122 = arith.constant 72 : i32
      %get3A_2123 = arith.index_cast %rem3A_44 : i32 to index
      %get3A_2124 = arith.index_cast %get3A_2122 : i32 to index
      %get3A_2125 = arith.constant 48 : index
      %get3A_2126 = tpu.vector_load %arg6[%get3A_2123, %get3A_2124, %get3A_2125] {strides = array<i32>} : memref<4x100x64xf32, #tpu.memory_space<vmem>>, vector<1x1x16xf32>,
      %get3A_2127 = vector.shape_cast %get3A_2126 : vector<1x1x16xf32> to vector<16xf32>
      %add3A_2128 = arith.addf %add3A_2100, %get3A_2127 : vector<16xf32>
      %get3A_2129 = arith.constant 73 : i32
      %get3A_2130 = arith.index_cast %rem3A_44 : i32 to index
      %get3A_2131 = arith.index_cast %get3A_2129 : i32 to index
      %get3A_2132 = arith.constant 0 : index
      %get3A_2133 = tpu.vector_load %arg6[%get3A_2130, %get3A_2131, %get3A_2132] {strides = array<i32>} : memref<4x100x64xf32, #tpu.memory_space<vmem>>, vector<1x1x16xf32>,
      %get3A_2134 = vector.shape_cast %get3A_2133 : vector<1x1x16xf32> to vector<16xf32>
      %add3A_2135 = arith.addf %add3A_2107, %get3A_2134 : vector<16xf32>
      %get3A_2136 = arith.constant 73 : i32
      %get3A_2137 = arith.index_cast %rem3A_44 : i32 to index
      %get3A_2138 = arith.index_cast %get3A_2136 : i32 to index
      %get3A_2139 = arith.constant 16 : index
      %get3A_2140 = tpu.vector_load %arg6[%get3A_2137, %get3A_2138, %get3A_2139] {strides = array<i32>} : memref<4x100x64xf32, #tpu.memory_space<vmem>>, vector<1x1x16xf32>,
      %get3A_2141 = vector.shape_cast %get3A_2140 : vector<1x1x16xf32> to vector<16xf32>
      %add3A_2142 = arith.addf %add3A_2114, %get3A_2141 : vector<16xf32>
      %get3A_2143 = arith.constant 73 : i32
      %get3A_2144 = arith.index_cast %rem3A_44 : i32 to index
      %get3A_2145 = arith.index_cast %get3A_2143 : i32 to index
      %get3A_2146 = arith.constant 32 : index
      %get3A_2147 = tpu.vector_load %arg6[%get3A_2144, %get3A_2145, %get3A_2146] {strides = array<i32>} : memref<4x100x64xf32, #tpu.memory_space<vmem>>, vector<1x1x16xf32>,
      %get3A_2148 = vector.shape_cast %get3A_2147 : vector<1x1x16xf32> to vector<16xf32>
      %add3A_2149 = arith.addf %add3A_2121, %get3A_2148 : vector<16xf32>
      %get3A_2150 = arith.constant 73 : i32
      %get3A_2151 = arith.index_cast %rem3A_44 : i32 to index
      %get3A_2152 = arith.index_cast %get3A_2150 : i32 to index
      %get3A_2153 = arith.constant 48 : index
      %get3A_2154 = tpu.vector_load %arg6[%get3A_2151, %get3A_2152, %get3A_2153] {strides = array<i32>} : memref<4x100x64xf32, #tpu.memory_space<vmem>>, vector<1x1x16xf32>,
      %get3A_2155 = vector.shape_cast %get3A_2154 : vector<1x1x16xf32> to vector<16xf32>
      %add3A_2156 = arith.addf %add3A_2128, %get3A_2155 : vector<16xf32>
      %get3A_2157 = arith.constant 74 : i32
      %get3A_2158 = arith.index_cast %rem3A_44 : i32 to index
      %get3A_2159 = arith.index_cast %get3A_2157 : i32 to index
      %get3A_2160 = arith.constant 0 : index
      %get3A_2161 = tpu.vector_load %arg6[%get3A_2158, %get3A_2159, %get3A_2160] {strides = array<i32>} : memref<4x100x64xf32, #tpu.memory_space<vmem>>, vector<1x1x16xf32>,
      %get3A_2162 = vector.shape_cast %get3A_2161 : vector<1x1x16xf32> to vector<16xf32>
      %add3A_2163 = arith.addf %add3A_2135, %get3A_2162 : vector<16xf32>
      %get3A_2164 = arith.constant 74 : i32
      %get3A_2165 = arith.index_cast %rem3A_44 : i32 to index
      %get3A_2166 = arith.index_cast %get3A_2164 : i32 to index
      %get3A_2167 = arith.constant 16 : index
      %get3A_2168 = tpu.vector_load %arg6[%get3A_2165, %get3A_2166, %get3A_2167] {strides = array<i32>} : memref<4x100x64xf32, #tpu.memory_space<vmem>>, vector<1x1x16xf32>,
      %get3A_2169 = vector.shape_cast %get3A_2168 : vector<1x1x16xf32> to vector<16xf32>
      %add3A_2170 = arith.addf %add3A_2142, %get3A_2169 : vector<16xf32>
      %get3A_2171 = arith.constant 74 : i32
      %get3A_2172 = arith.index_cast %rem3A_44 : i32 to index
      %get3A_2173 = arith.index_cast %get3A_2171 : i32 to index
      %get3A_2174 = arith.constant 32 : index
      %get3A_2175 = tpu.vector_load %arg6[%get3A_2172, %get3A_2173, %get3A_2174] {strides = array<i32>} : memref<4x100x64xf32, #tpu.memory_space<vmem>>, vector<1x1x16xf32>,
      %get3A_2176 = vector.shape_cast %get3A_2175 : vector<1x1x16xf32> to vector<16xf32>
      %add3A_2177 = arith.addf %add3A_2149, %get3A_2176 : vector<16xf32>
      %get3A_2178 = arith.constant 74 : i32
      %get3A_2179 = arith.index_cast %rem3A_44 : i32 to index
      %get3A_2180 = arith.index_cast %get3A_2178 : i32 to index
      %get3A_2181 = arith.constant 48 : index
      %get3A_2182 = tpu.vector_load %arg6[%get3A_2179, %get3A_2180, %get3A_2181] {strides = array<i32>} : memref<4x100x64xf32, #tpu.memory_space<vmem>>, vector<1x1x16xf32>,
      %get3A_2183 = vector.shape_cast %get3A_2182 : vector<1x1x16xf32> to vector<16xf32>
      %add3A_2184 = arith.addf %add3A_2156, %get3A_2183 : vector<16xf32>
      %get3A_2185 = arith.constant 75 : i32
      %get3A_2186 = arith.index_cast %rem3A_44 : i32 to index
      %get3A_2187 = arith.index_cast %get3A_2185 : i32 to index
      %get3A_2188 = arith.constant 0 : index
      %get3A_2189 = tpu.vector_load %arg6[%get3A_2186, %get3A_2187, %get3A_2188] {strides = array<i32>} : memref<4x100x64xf32, #tpu.memory_space<vmem>>, vector<1x1x16xf32>,
      %get3A_2190 = vector.shape_cast %get3A_2189 : vector<1x1x16xf32> to vector<16xf32>
      %add3A_2191 = arith.addf %add3A_2163, %get3A_2190 : vector<16xf32>
      %get3A_2192 = arith.constant 75 : i32
      %get3A_2193 = arith.index_cast %rem3A_44 : i32 to index
      %get3A_2194 = arith.index_cast %get3A_2192 : i32 to index
      %get3A_2195 = arith.constant 16 : index
      %get3A_2196 = tpu.vector_load %arg6[%get3A_2193, %get3A_2194, %get3A_2195] {strides = array<i32>} : memref<4x100x64xf32, #tpu.memory_space<vmem>>, vector<1x1x16xf32>,
      %get3A_2197 = vector.shape_cast %get3A_2196 : vector<1x1x16xf32> to vector<16xf32>
      %add3A_2198 = arith.addf %add3A_2170, %get3A_2197 : vector<16xf32>
      %get3A_2199 = arith.constant 75 : i32
      %get3A_2200 = arith.index_cast %rem3A_44 : i32 to index
      %get3A_2201 = arith.index_cast %get3A_2199 : i32 to index
      %get3A_2202 = arith.constant 32 : index
      %get3A_2203 = tpu.vector_load %arg6[%get3A_2200, %get3A_2201, %get3A_2202] {strides = array<i32>} : memref<4x100x64xf32, #tpu.memory_space<vmem>>, vector<1x1x16xf32>,
      %get3A_2204 = vector.shape_cast %get3A_2203 : vector<1x1x16xf32> to vector<16xf32>
      %add3A_2205 = arith.addf %add3A_2177, %get3A_2204 : vector<16xf32>
      %get3A_2206 = arith.constant 75 : i32
      %get3A_2207 = arith.index_cast %rem3A_44 : i32 to index
      %get3A_2208 = arith.index_cast %get3A_2206 : i32 to index
      %get3A_2209 = arith.constant 48 : index
      %get3A_2210 = tpu.vector_load %arg6[%get3A_2207, %get3A_2208, %get3A_2209] {strides = array<i32>} : memref<4x100x64xf32, #tpu.memory_space<vmem>>, vector<1x1x16xf32>,
      %get3A_2211 = vector.shape_cast %get3A_2210 : vector<1x1x16xf32> to vector<16xf32>
      %add3A_2212 = arith.addf %add3A_2184, %get3A_2211 : vector<16xf32>
      %get3A_2213 = arith.constant 76 : i32
      %get3A_2214 = arith.index_cast %rem3A_44 : i32 to index
      %get3A_2215 = arith.index_cast %get3A_2213 : i32 to index
      %get3A_2216 = arith.constant 0 : index
      %get3A_2217 = tpu.vector_load %arg6[%get3A_2214, %get3A_2215, %get3A_2216] {strides = array<i32>} : memref<4x100x64xf32, #tpu.memory_space<vmem>>, vector<1x1x16xf32>,
      %get3A_2218 = vector.shape_cast %get3A_2217 : vector<1x1x16xf32> to vector<16xf32>
      %add3A_2219 = arith.addf %add3A_2191, %get3A_2218 : vector<16xf32>
      %get3A_2220 = arith.constant 76 : i32
      %get3A_2221 = arith.index_cast %rem3A_44 : i32 to index
      %get3A_2222 = arith.index_cast %get3A_2220 : i32 to index
      %get3A_2223 = arith.constant 16 : index
      %get3A_2224 = tpu.vector_load %arg6[%get3A_2221, %get3A_2222, %get3A_2223] {strides = array<i32>} : memref<4x100x64xf32, #tpu.memory_space<vmem>>, vector<1x1x16xf32>,
      %get3A_2225 = vector.shape_cast %get3A_2224 : vector<1x1x16xf32> to vector<16xf32>
      %add3A_2226 = arith.addf %add3A_2198, %get3A_2225 : vector<16xf32>
      %get3A_2227 = arith.constant 76 : i32
      %get3A_2228 = arith.index_cast %rem3A_44 : i32 to index
      %get3A_2229 = arith.index_cast %get3A_2227 : i32 to index
      %get3A_2230 = arith.constant 32 : index
      %get3A_2231 = tpu.vector_load %arg6[%get3A_2228, %get3A_2229, %get3A_2230] {strides = array<i32>} : memref<4x100x64xf32, #tpu.memory_space<vmem>>, vector<1x1x16xf32>,
      %get3A_2232 = vector.shape_cast %get3A_2231 : vector<1x1x16xf32> to vector<16xf32>
      %add3A_2233 = arith.addf %add3A_2205, %get3A_2232 : vector<16xf32>
      %get3A_2234 = arith.constant 76 : i32
      %get3A_2235 = arith.index_cast %rem3A_44 : i32 to index
      %get3A_2236 = arith.index_cast %get3A_2234 : i32 to index
      %get3A_2237 = arith.constant 48 : index
      %get3A_2238 = tpu.vector_load %arg6[%get3A_2235, %get3A_2236, %get3A_2237] {strides = array<i32>} : memref<4x100x64xf32, #tpu.memory_space<vmem>>, vector<1x1x16xf32>,
      %get3A_2239 = vector.shape_cast %get3A_2238 : vector<1x1x16xf32> to vector<16xf32>
      %add3A_2240 = arith.addf %add3A_2212, %get3A_2239 : vector<16xf32>
      %get3A_2241 = arith.constant 77 : i32
      %get3A_2242 = arith.index_cast %rem3A_44 : i32 to index
      %get3A_2243 = arith.index_cast %get3A_2241 : i32 to index
      %get3A_2244 = arith.constant 0 : index
      %get3A_2245 = tpu.vector_load %arg6[%get3A_2242, %get3A_2243, %get3A_2244] {strides = array<i32>} : memref<4x100x64xf32, #tpu.memory_space<vmem>>, vector<1x1x16xf32>,
      %get3A_2246 = vector.shape_cast %get3A_2245 : vector<1x1x16xf32> to vector<16xf32>
      %add3A_2247 = arith.addf %add3A_2219, %get3A_2246 : vector<16xf32>
      %get3A_2248 = arith.constant 77 : i32
      %get3A_2249 = arith.index_cast %rem3A_44 : i32 to index
      %get3A_2250 = arith.index_cast %get3A_2248 : i32 to index
      %get3A_2251 = arith.constant 16 : index
      %get3A_2252 = tpu.vector_load %arg6[%get3A_2249, %get3A_2250, %get3A_2251] {strides = array<i32>} : memref<4x100x64xf32, #tpu.memory_space<vmem>>, vector<1x1x16xf32>,
      %get3A_2253 = vector.shape_cast %get3A_2252 : vector<1x1x16xf32> to vector<16xf32>
      %add3A_2254 = arith.addf %add3A_2226, %get3A_2253 : vector<16xf32>
      %get3A_2255 = arith.constant 77 : i32
      %get3A_2256 = arith.index_cast %rem3A_44 : i32 to index
      %get3A_2257 = arith.index_cast %get3A_2255 : i32 to index
      %get3A_2258 = arith.constant 32 : index
      %get3A_2259 = tpu.vector_load %arg6[%get3A_2256, %get3A_2257, %get3A_2258] {strides = array<i32>} : memref<4x100x64xf32, #tpu.memory_space<vmem>>, vector<1x1x16xf32>,
      %get3A_2260 = vector.shape_cast %get3A_2259 : vector<1x1x16xf32> to vector<16xf32>
      %add3A_2261 = arith.addf %add3A_2233, %get3A_2260 : vector<16xf32>
      %get3A_2262 = arith.constant 77 : i32
      %get3A_2263 = arith.index_cast %rem3A_44 : i32 to index
      %get3A_2264 = arith.index_cast %get3A_2262 : i32 to index
      %get3A_2265 = arith.constant 48 : index
      %get3A_2266 = tpu.vector_load %arg6[%get3A_2263, %get3A_2264, %get3A_2265] {strides = array<i32>} : memref<4x100x64xf32, #tpu.memory_space<vmem>>, vector<1x1x16xf32>,
      %get3A_2267 = vector.shape_cast %get3A_2266 : vector<1x1x16xf32> to vector<16xf32>
      %add3A_2268 = arith.addf %add3A_2240, %get3A_2267 : vector<16xf32>
      %get3A_2269 = arith.constant 78 : i32
      %get3A_2270 = arith.index_cast %rem3A_44 : i32 to index
      %get3A_2271 = arith.index_cast %get3A_2269 : i32 to index
      %get3A_2272 = arith.constant 0 : index
      %get3A_2273 = tpu.vector_load %arg6[%get3A_2270, %get3A_2271, %get3A_2272] {strides = array<i32>} : memref<4x100x64xf32, #tpu.memory_space<vmem>>, vector<1x1x16xf32>,
      %get3A_2274 = vector.shape_cast %get3A_2273 : vector<1x1x16xf32> to vector<16xf32>
      %add3A_2275 = arith.addf %add3A_2247, %get3A_2274 : vector<16xf32>
      %get3A_2276 = arith.constant 78 : i32
      %get3A_2277 = arith.index_cast %rem3A_44 : i32 to index
      %get3A_2278 = arith.index_cast %get3A_2276 : i32 to index
      %get3A_2279 = arith.constant 16 : index
      %get3A_2280 = tpu.vector_load %arg6[%get3A_2277, %get3A_2278, %get3A_2279] {strides = array<i32>} : memref<4x100x64xf32, #tpu.memory_space<vmem>>, vector<1x1x16xf32>,
      %get3A_2281 = vector.shape_cast %get3A_2280 : vector<1x1x16xf32> to vector<16xf32>
      %add3A_2282 = arith.addf %add3A_2254, %get3A_2281 : vector<16xf32>
      %get3A_2283 = arith.constant 78 : i32
      %get3A_2284 = arith.index_cast %rem3A_44 : i32 to index
      %get3A_2285 = arith.index_cast %get3A_2283 : i32 to index
      %get3A_2286 = arith.constant 32 : index
      %get3A_2287 = tpu.vector_load %arg6[%get3A_2284, %get3A_2285, %get3A_2286] {strides = array<i32>} : memref<4x100x64xf32, #tpu.memory_space<vmem>>, vector<1x1x16xf32>,
      %get3A_2288 = vector.shape_cast %get3A_2287 : vector<1x1x16xf32> to vector<16xf32>
      %add3A_2289 = arith.addf %add3A_2261, %get3A_2288 : vector<16xf32>
      %get3A_2290 = arith.constant 78 : i32
      %get3A_2291 = arith.index_cast %rem3A_44 : i32 to index
      %get3A_2292 = arith.index_cast %get3A_2290 : i32 to index
      %get3A_2293 = arith.constant 48 : index
      %get3A_2294 = tpu.vector_load %arg6[%get3A_2291, %get3A_2292, %get3A_2293] {strides = array<i32>} : memref<4x100x64xf32, #tpu.memory_space<vmem>>, vector<1x1x16xf32>,
      %get3A_2295 = vector.shape_cast %get3A_2294 : vector<1x1x16xf32> to vector<16xf32>
      %add3A_2296 = arith.addf %add3A_2268, %get3A_2295 : vector<16xf32>
      %get3A_2297 = arith.constant 79 : i32
      %get3A_2298 = arith.index_cast %rem3A_44 : i32 to index
      %get3A_2299 = arith.index_cast %get3A_2297 : i32 to index
      %get3A_2300 = arith.constant 0 : index
      %get3A_2301 = tpu.vector_load %arg6[%get3A_2298, %get3A_2299, %get3A_2300] {strides = array<i32>} : memref<4x100x64xf32, #tpu.memory_space<vmem>>, vector<1x1x16xf32>,
      %get3A_2302 = vector.shape_cast %get3A_2301 : vector<1x1x16xf32> to vector<16xf32>
      %add3A_2303 = arith.addf %add3A_2275, %get3A_2302 : vector<16xf32>
      %get3A_2304 = arith.constant 79 : i32
      %get3A_2305 = arith.index_cast %rem3A_44 : i32 to index
      %get3A_2306 = arith.index_cast %get3A_2304 : i32 to index
      %get3A_2307 = arith.constant 16 : index
      %get3A_2308 = tpu.vector_load %arg6[%get3A_2305, %get3A_2306, %get3A_2307] {strides = array<i32>} : memref<4x100x64xf32, #tpu.memory_space<vmem>>, vector<1x1x16xf32>,
      %get3A_2309 = vector.shape_cast %get3A_2308 : vector<1x1x16xf32> to vector<16xf32>
      %add3A_2310 = arith.addf %add3A_2282, %get3A_2309 : vector<16xf32>
      %get3A_2311 = arith.constant 79 : i32
      %get3A_2312 = arith.index_cast %rem3A_44 : i32 to index
      %get3A_2313 = arith.index_cast %get3A_2311 : i32 to index
      %get3A_2314 = arith.constant 32 : index
      %get3A_2315 = tpu.vector_load %arg6[%get3A_2312, %get3A_2313, %get3A_2314] {strides = array<i32>} : memref<4x100x64xf32, #tpu.memory_space<vmem>>, vector<1x1x16xf32>,
      %get3A_2316 = vector.shape_cast %get3A_2315 : vector<1x1x16xf32> to vector<16xf32>
      %add3A_2317 = arith.addf %add3A_2289, %get3A_2316 : vector<16xf32>
      %get3A_2318 = arith.constant 79 : i32
      %get3A_2319 = arith.index_cast %rem3A_44 : i32 to index
      %get3A_2320 = arith.index_cast %get3A_2318 : i32 to index
      %get3A_2321 = arith.constant 48 : index
      %get3A_2322 = tpu.vector_load %arg6[%get3A_2319, %get3A_2320, %get3A_2321] {strides = array<i32>} : memref<4x100x64xf32, #tpu.memory_space<vmem>>, vector<1x1x16xf32>,
      %get3A_2323 = vector.shape_cast %get3A_2322 : vector<1x1x16xf32> to vector<16xf32>
      %add3A_2324 = arith.addf %add3A_2296, %get3A_2323 : vector<16xf32>
      %get3A_2325 = arith.constant 80 : i32
      %get3A_2326 = arith.index_cast %rem3A_44 : i32 to index
      %get3A_2327 = arith.index_cast %get3A_2325 : i32 to index
      %get3A_2328 = arith.constant 0 : index
      %get3A_2329 = tpu.vector_load %arg6[%get3A_2326, %get3A_2327, %get3A_2328] {strides = array<i32>} : memref<4x100x64xf32, #tpu.memory_space<vmem>>, vector<1x1x16xf32>,
      %get3A_2330 = vector.shape_cast %get3A_2329 : vector<1x1x16xf32> to vector<16xf32>
      %add3A_2331 = arith.addf %add3A_2303, %get3A_2330 : vector<16xf32>
      %get3A_2332 = arith.constant 80 : i32
      %get3A_2333 = arith.index_cast %rem3A_44 : i32 to index
      %get3A_2334 = arith.index_cast %get3A_2332 : i32 to index
      %get3A_2335 = arith.constant 16 : index
      %get3A_2336 = tpu.vector_load %arg6[%get3A_2333, %get3A_2334, %get3A_2335] {strides = array<i32>} : memref<4x100x64xf32, #tpu.memory_space<vmem>>, vector<1x1x16xf32>,
      %get3A_2337 = vector.shape_cast %get3A_2336 : vector<1x1x16xf32> to vector<16xf32>
      %add3A_2338 = arith.addf %add3A_2310, %get3A_2337 : vector<16xf32>
      %get3A_2339 = arith.constant 80 : i32
      %get3A_2340 = arith.index_cast %rem3A_44 : i32 to index
      %get3A_2341 = arith.index_cast %get3A_2339 : i32 to index
      %get3A_2342 = arith.constant 32 : index
      %get3A_2343 = tpu.vector_load %arg6[%get3A_2340, %get3A_2341, %get3A_2342] {strides = array<i32>} : memref<4x100x64xf32, #tpu.memory_space<vmem>>, vector<1x1x16xf32>,
      %get3A_2344 = vector.shape_cast %get3A_2343 : vector<1x1x16xf32> to vector<16xf32>
      %add3A_2345 = arith.addf %add3A_2317, %get3A_2344 : vector<16xf32>
      %get3A_2346 = arith.constant 80 : i32
      %get3A_2347 = arith.index_cast %rem3A_44 : i32 to index
      %get3A_2348 = arith.index_cast %get3A_2346 : i32 to index
      %get3A_2349 = arith.constant 48 : index
      %get3A_2350 = tpu.vector_load %arg6[%get3A_2347, %get3A_2348, %get3A_2349] {strides = array<i32>} : memref<4x100x64xf32, #tpu.memory_space<vmem>>, vector<1x1x16xf32>,
      %get3A_2351 = vector.shape_cast %get3A_2350 : vector<1x1x16xf32> to vector<16xf32>
      %add3A_2352 = arith.addf %add3A_2324, %get3A_2351 : vector<16xf32>
      %get3A_2353 = arith.constant 81 : i32
      %get3A_2354 = arith.index_cast %rem3A_44 : i32 to index
      %get3A_2355 = arith.index_cast %get3A_2353 : i32 to index
      %get3A_2356 = arith.constant 0 : index
      %get3A_2357 = tpu.vector_load %arg6[%get3A_2354, %get3A_2355, %get3A_2356] {strides = array<i32>} : memref<4x100x64xf32, #tpu.memory_space<vmem>>, vector<1x1x16xf32>,
      %get3A_2358 = vector.shape_cast %get3A_2357 : vector<1x1x16xf32> to vector<16xf32>
      %add3A_2359 = arith.addf %add3A_2331, %get3A_2358 : vector<16xf32>
      %get3A_2360 = arith.constant 81 : i32
      %get3A_2361 = arith.index_cast %rem3A_44 : i32 to index
      %get3A_2362 = arith.index_cast %get3A_2360 : i32 to index
      %get3A_2363 = arith.constant 16 : index
      %get3A_2364 = tpu.vector_load %arg6[%get3A_2361, %get3A_2362, %get3A_2363] {strides = array<i32>} : memref<4x100x64xf32, #tpu.memory_space<vmem>>, vector<1x1x16xf32>,
      %get3A_2365 = vector.shape_cast %get3A_2364 : vector<1x1x16xf32> to vector<16xf32>
      %add3A_2366 = arith.addf %add3A_2338, %get3A_2365 : vector<16xf32>
      %get3A_2367 = arith.constant 81 : i32
      %get3A_2368 = arith.index_cast %rem3A_44 : i32 to index
      %get3A_2369 = arith.index_cast %get3A_2367 : i32 to index
      %get3A_2370 = arith.constant 32 : index
      %get3A_2371 = tpu.vector_load %arg6[%get3A_2368, %get3A_2369, %get3A_2370] {strides = array<i32>} : memref<4x100x64xf32, #tpu.memory_space<vmem>>, vector<1x1x16xf32>,
      %get3A_2372 = vector.shape_cast %get3A_2371 : vector<1x1x16xf32> to vector<16xf32>
      %add3A_2373 = arith.addf %add3A_2345, %get3A_2372 : vector<16xf32>
      %get3A_2374 = arith.constant 81 : i32
      %get3A_2375 = arith.index_cast %rem3A_44 : i32 to index
      %get3A_2376 = arith.index_cast %get3A_2374 : i32 to index
      %get3A_2377 = arith.constant 48 : index
      %get3A_2378 = tpu.vector_load %arg6[%get3A_2375, %get3A_2376, %get3A_2377] {strides = array<i32>} : memref<4x100x64xf32, #tpu.memory_space<vmem>>, vector<1x1x16xf32>,
      %get3A_2379 = vector.shape_cast %get3A_2378 : vector<1x1x16xf32> to vector<16xf32>
      %add3A_2380 = arith.addf %add3A_2352, %get3A_2379 : vector<16xf32>
      %get3A_2381 = arith.constant 82 : i32
      %get3A_2382 = arith.index_cast %rem3A_44 : i32 to index
      %get3A_2383 = arith.index_cast %get3A_2381 : i32 to index
      %get3A_2384 = arith.constant 0 : index
      %get3A_2385 = tpu.vector_load %arg6[%get3A_2382, %get3A_2383, %get3A_2384] {strides = array<i32>} : memref<4x100x64xf32, #tpu.memory_space<vmem>>, vector<1x1x16xf32>,
      %get3A_2386 = vector.shape_cast %get3A_2385 : vector<1x1x16xf32> to vector<16xf32>
      %add3A_2387 = arith.addf %add3A_2359, %get3A_2386 : vector<16xf32>
      %get3A_2388 = arith.constant 82 : i32
      %get3A_2389 = arith.index_cast %rem3A_44 : i32 to index
      %get3A_2390 = arith.index_cast %get3A_2388 : i32 to index
      %get3A_2391 = arith.constant 16 : index
      %get3A_2392 = tpu.vector_load %arg6[%get3A_2389, %get3A_2390, %get3A_2391] {strides = array<i32>} : memref<4x100x64xf32, #tpu.memory_space<vmem>>, vector<1x1x16xf32>,
      %get3A_2393 = vector.shape_cast %get3A_2392 : vector<1x1x16xf32> to vector<16xf32>
      %add3A_2394 = arith.addf %add3A_2366, %get3A_2393 : vector<16xf32>
      %get3A_2395 = arith.constant 82 : i32
      %get3A_2396 = arith.index_cast %rem3A_44 : i32 to index
      %get3A_2397 = arith.index_cast %get3A_2395 : i32 to index
      %get3A_2398 = arith.constant 32 : index
      %get3A_2399 = tpu.vector_load %arg6[%get3A_2396, %get3A_2397, %get3A_2398] {strides = array<i32>} : memref<4x100x64xf32, #tpu.memory_space<vmem>>, vector<1x1x16xf32>,
      %get3A_2400 = vector.shape_cast %get3A_2399 : vector<1x1x16xf32> to vector<16xf32>
      %add3A_2401 = arith.addf %add3A_2373, %get3A_2400 : vector<16xf32>
      %get3A_2402 = arith.constant 82 : i32
      %get3A_2403 = arith.index_cast %rem3A_44 : i32 to index
      %get3A_2404 = arith.index_cast %get3A_2402 : i32 to index
      %get3A_2405 = arith.constant 48 : index
      %get3A_2406 = tpu.vector_load %arg6[%get3A_2403, %get3A_2404, %get3A_2405] {strides = array<i32>} : memref<4x100x64xf32, #tpu.memory_space<vmem>>, vector<1x1x16xf32>,
      %get3A_2407 = vector.shape_cast %get3A_2406 : vector<1x1x16xf32> to vector<16xf32>
      %add3A_2408 = arith.addf %add3A_2380, %get3A_2407 : vector<16xf32>
      %get3A_2409 = arith.constant 83 : i32
      %get3A_2410 = arith.index_cast %rem3A_44 : i32 to index
      %get3A_2411 = arith.index_cast %get3A_2409 : i32 to index
      %get3A_2412 = arith.constant 0 : index
      %get3A_2413 = tpu.vector_load %arg6[%get3A_2410, %get3A_2411, %get3A_2412] {strides = array<i32>} : memref<4x100x64xf32, #tpu.memory_space<vmem>>, vector<1x1x16xf32>,
      %get3A_2414 = vector.shape_cast %get3A_2413 : vector<1x1x16xf32> to vector<16xf32>
      %add3A_2415 = arith.addf %add3A_2387, %get3A_2414 : vector<16xf32>
      %get3A_2416 = arith.constant 83 : i32
      %get3A_2417 = arith.index_cast %rem3A_44 : i32 to index
      %get3A_2418 = arith.index_cast %get3A_2416 : i32 to index
      %get3A_2419 = arith.constant 16 : index
      %get3A_2420 = tpu.vector_load %arg6[%get3A_2417, %get3A_2418, %get3A_2419] {strides = array<i32>} : memref<4x100x64xf32, #tpu.memory_space<vmem>>, vector<1x1x16xf32>,
      %get3A_2421 = vector.shape_cast %get3A_2420 : vector<1x1x16xf32> to vector<16xf32>
      %add3A_2422 = arith.addf %add3A_2394, %get3A_2421 : vector<16xf32>
      %get3A_2423 = arith.constant 83 : i32
      %get3A_2424 = arith.index_cast %rem3A_44 : i32 to index
      %get3A_2425 = arith.index_cast %get3A_2423 : i32 to index
      %get3A_2426 = arith.constant 32 : index
      %get3A_2427 = tpu.vector_load %arg6[%get3A_2424, %get3A_2425, %get3A_2426] {strides = array<i32>} : memref<4x100x64xf32, #tpu.memory_space<vmem>>, vector<1x1x16xf32>,
      %get3A_2428 = vector.shape_cast %get3A_2427 : vector<1x1x16xf32> to vector<16xf32>
      %add3A_2429 = arith.addf %add3A_2401, %get3A_2428 : vector<16xf32>
      %get3A_2430 = arith.constant 83 : i32
      %get3A_2431 = arith.index_cast %rem3A_44 : i32 to index
      %get3A_2432 = arith.index_cast %get3A_2430 : i32 to index
      %get3A_2433 = arith.constant 48 : index
      %get3A_2434 = tpu.vector_load %arg6[%get3A_2431, %get3A_2432, %get3A_2433] {strides = array<i32>} : memref<4x100x64xf32, #tpu.memory_space<vmem>>, vector<1x1x16xf32>,
      %get3A_2435 = vector.shape_cast %get3A_2434 : vector<1x1x16xf32> to vector<16xf32>
      %add3A_2436 = arith.addf %add3A_2408, %get3A_2435 : vector<16xf32>
      %get3A_2437 = arith.constant 84 : i32
      %get3A_2438 = arith.index_cast %rem3A_44 : i32 to index
      %get3A_2439 = arith.index_cast %get3A_2437 : i32 to index
      %get3A_2440 = arith.constant 0 : index
      %get3A_2441 = tpu.vector_load %arg6[%get3A_2438, %get3A_2439, %get3A_2440] {strides = array<i32>} : memref<4x100x64xf32, #tpu.memory_space<vmem>>, vector<1x1x16xf32>,
      %get3A_2442 = vector.shape_cast %get3A_2441 : vector<1x1x16xf32> to vector<16xf32>
      %add3A_2443 = arith.addf %add3A_2415, %get3A_2442 : vector<16xf32>
      %get3A_2444 = arith.constant 84 : i32
      %get3A_2445 = arith.index_cast %rem3A_44 : i32 to index
      %get3A_2446 = arith.index_cast %get3A_2444 : i32 to index
      %get3A_2447 = arith.constant 16 : index
      %get3A_2448 = tpu.vector_load %arg6[%get3A_2445, %get3A_2446, %get3A_2447] {strides = array<i32>} : memref<4x100x64xf32, #tpu.memory_space<vmem>>, vector<1x1x16xf32>,
      %get3A_2449 = vector.shape_cast %get3A_2448 : vector<1x1x16xf32> to vector<16xf32>
      %add3A_2450 = arith.addf %add3A_2422, %get3A_2449 : vector<16xf32>
      %get3A_2451 = arith.constant 84 : i32
      %get3A_2452 = arith.index_cast %rem3A_44 : i32 to index
      %get3A_2453 = arith.index_cast %get3A_2451 : i32 to index
      %get3A_2454 = arith.constant 32 : index
      %get3A_2455 = tpu.vector_load %arg6[%get3A_2452, %get3A_2453, %get3A_2454] {strides = array<i32>} : memref<4x100x64xf32, #tpu.memory_space<vmem>>, vector<1x1x16xf32>,
      %get3A_2456 = vector.shape_cast %get3A_2455 : vector<1x1x16xf32> to vector<16xf32>
      %add3A_2457 = arith.addf %add3A_2429, %get3A_2456 : vector<16xf32>
      %get3A_2458 = arith.constant 84 : i32
      %get3A_2459 = arith.index_cast %rem3A_44 : i32 to index
      %get3A_2460 = arith.index_cast %get3A_2458 : i32 to index
      %get3A_2461 = arith.constant 48 : index
      %get3A_2462 = tpu.vector_load %arg6[%get3A_2459, %get3A_2460, %get3A_2461] {strides = array<i32>} : memref<4x100x64xf32, #tpu.memory_space<vmem>>, vector<1x1x16xf32>,
      %get3A_2463 = vector.shape_cast %get3A_2462 : vector<1x1x16xf32> to vector<16xf32>
      %add3A_2464 = arith.addf %add3A_2436, %get3A_2463 : vector<16xf32>
      %get3A_2465 = arith.constant 85 : i32
      %get3A_2466 = arith.index_cast %rem3A_44 : i32 to index
      %get3A_2467 = arith.index_cast %get3A_2465 : i32 to index
      %get3A_2468 = arith.constant 0 : index
      %get3A_2469 = tpu.vector_load %arg6[%get3A_2466, %get3A_2467, %get3A_2468] {strides = array<i32>} : memref<4x100x64xf32, #tpu.memory_space<vmem>>, vector<1x1x16xf32>,
      %get3A_2470 = vector.shape_cast %get3A_2469 : vector<1x1x16xf32> to vector<16xf32>
      %add3A_2471 = arith.addf %add3A_2443, %get3A_2470 : vector<16xf32>
      %get3A_2472 = arith.constant 85 : i32
      %get3A_2473 = arith.index_cast %rem3A_44 : i32 to index
      %get3A_2474 = arith.index_cast %get3A_2472 : i32 to index
      %get3A_2475 = arith.constant 16 : index
      %get3A_2476 = tpu.vector_load %arg6[%get3A_2473, %get3A_2474, %get3A_2475] {strides = array<i32>} : memref<4x100x64xf32, #tpu.memory_space<vmem>>, vector<1x1x16xf32>,
      %get3A_2477 = vector.shape_cast %get3A_2476 : vector<1x1x16xf32> to vector<16xf32>
      %add3A_2478 = arith.addf %add3A_2450, %get3A_2477 : vector<16xf32>
      %get3A_2479 = arith.constant 85 : i32
      %get3A_2480 = arith.index_cast %rem3A_44 : i32 to index
      %get3A_2481 = arith.index_cast %get3A_2479 : i32 to index
      %get3A_2482 = arith.constant 32 : index
      %get3A_2483 = tpu.vector_load %arg6[%get3A_2480, %get3A_2481, %get3A_2482] {strides = array<i32>} : memref<4x100x64xf32, #tpu.memory_space<vmem>>, vector<1x1x16xf32>,
      %get3A_2484 = vector.shape_cast %get3A_2483 : vector<1x1x16xf32> to vector<16xf32>
      %add3A_2485 = arith.addf %add3A_2457, %get3A_2484 : vector<16xf32>
      %get3A_2486 = arith.constant 85 : i32
      %get3A_2487 = arith.index_cast %rem3A_44 : i32 to index
      %get3A_2488 = arith.index_cast %get3A_2486 : i32 to index
      %get3A_2489 = arith.constant 48 : index
      %get3A_2490 = tpu.vector_load %arg6[%get3A_2487, %get3A_2488, %get3A_2489] {strides = array<i32>} : memref<4x100x64xf32, #tpu.memory_space<vmem>>, vector<1x1x16xf32>,
      %get3A_2491 = vector.shape_cast %get3A_2490 : vector<1x1x16xf32> to vector<16xf32>
      %add3A_2492 = arith.addf %add3A_2464, %get3A_2491 : vector<16xf32>
      %get3A_2493 = arith.constant 86 : i32
      %get3A_2494 = arith.index_cast %rem3A_44 : i32 to index
      %get3A_2495 = arith.index_cast %get3A_2493 : i32 to index
      %get3A_2496 = arith.constant 0 : index
      %get3A_2497 = tpu.vector_load %arg6[%get3A_2494, %get3A_2495, %get3A_2496] {strides = array<i32>} : memref<4x100x64xf32, #tpu.memory_space<vmem>>, vector<1x1x16xf32>,
      %get3A_2498 = vector.shape_cast %get3A_2497 : vector<1x1x16xf32> to vector<16xf32>
      %add3A_2499 = arith.addf %add3A_2471, %get3A_2498 : vector<16xf32>
      %get3A_2500 = arith.constant 86 : i32
      %get3A_2501 = arith.index_cast %rem3A_44 : i32 to index
      %get3A_2502 = arith.index_cast %get3A_2500 : i32 to index
      %get3A_2503 = arith.constant 16 : index
      %get3A_2504 = tpu.vector_load %arg6[%get3A_2501, %get3A_2502, %get3A_2503] {strides = array<i32>} : memref<4x100x64xf32, #tpu.memory_space<vmem>>, vector<1x1x16xf32>,
      %get3A_2505 = vector.shape_cast %get3A_2504 : vector<1x1x16xf32> to vector<16xf32>
      %add3A_2506 = arith.addf %add3A_2478, %get3A_2505 : vector<16xf32>
      %get3A_2507 = arith.constant 86 : i32
      %get3A_2508 = arith.index_cast %rem3A_44 : i32 to index
      %get3A_2509 = arith.index_cast %get3A_2507 : i32 to index
      %get3A_2510 = arith.constant 32 : index
      %get3A_2511 = tpu.vector_load %arg6[%get3A_2508, %get3A_2509, %get3A_2510] {strides = array<i32>} : memref<4x100x64xf32, #tpu.memory_space<vmem>>, vector<1x1x16xf32>,
      %get3A_2512 = vector.shape_cast %get3A_2511 : vector<1x1x16xf32> to vector<16xf32>
      %add3A_2513 = arith.addf %add3A_2485, %get3A_2512 : vector<16xf32>
      %get3A_2514 = arith.constant 86 : i32
      %get3A_2515 = arith.index_cast %rem3A_44 : i32 to index
      %get3A_2516 = arith.index_cast %get3A_2514 : i32 to index
      %get3A_2517 = arith.constant 48 : index
      %get3A_2518 = tpu.vector_load %arg6[%get3A_2515, %get3A_2516, %get3A_2517] {strides = array<i32>} : memref<4x100x64xf32, #tpu.memory_space<vmem>>, vector<1x1x16xf32>,
      %get3A_2519 = vector.shape_cast %get3A_2518 : vector<1x1x16xf32> to vector<16xf32>
      %add3A_2520 = arith.addf %add3A_2492, %get3A_2519 : vector<16xf32>
      %get3A_2521 = arith.constant 87 : i32
      %get3A_2522 = arith.index_cast %rem3A_44 : i32 to index
      %get3A_2523 = arith.index_cast %get3A_2521 : i32 to index
      %get3A_2524 = arith.constant 0 : index
      %get3A_2525 = tpu.vector_load %arg6[%get3A_2522, %get3A_2523, %get3A_2524] {strides = array<i32>} : memref<4x100x64xf32, #tpu.memory_space<vmem>>, vector<1x1x16xf32>,
      %get3A_2526 = vector.shape_cast %get3A_2525 : vector<1x1x16xf32> to vector<16xf32>
      %add3A_2527 = arith.addf %add3A_2499, %get3A_2526 : vector<16xf32>
      %get3A_2528 = arith.constant 87 : i32
      %get3A_2529 = arith.index_cast %rem3A_44 : i32 to index
      %get3A_2530 = arith.index_cast %get3A_2528 : i32 to index
      %get3A_2531 = arith.constant 16 : index
      %get3A_2532 = tpu.vector_load %arg6[%get3A_2529, %get3A_2530, %get3A_2531] {strides = array<i32>} : memref<4x100x64xf32, #tpu.memory_space<vmem>>, vector<1x1x16xf32>,
      %get3A_2533 = vector.shape_cast %get3A_2532 : vector<1x1x16xf32> to vector<16xf32>
      %add3A_2534 = arith.addf %add3A_2506, %get3A_2533 : vector<16xf32>
      %get3A_2535 = arith.constant 87 : i32
      %get3A_2536 = arith.index_cast %rem3A_44 : i32 to index
      %get3A_2537 = arith.index_cast %get3A_2535 : i32 to index
      %get3A_2538 = arith.constant 32 : index
      %get3A_2539 = tpu.vector_load %arg6[%get3A_2536, %get3A_2537, %get3A_2538] {strides = array<i32>} : memref<4x100x64xf32, #tpu.memory_space<vmem>>, vector<1x1x16xf32>,
      %get3A_2540 = vector.shape_cast %get3A_2539 : vector<1x1x16xf32> to vector<16xf32>
      %add3A_2541 = arith.addf %add3A_2513, %get3A_2540 : vector<16xf32>
      %get3A_2542 = arith.constant 87 : i32
      %get3A_2543 = arith.index_cast %rem3A_44 : i32 to index
      %get3A_2544 = arith.index_cast %get3A_2542 : i32 to index
      %get3A_2545 = arith.constant 48 : index
      %get3A_2546 = tpu.vector_load %arg6[%get3A_2543, %get3A_2544, %get3A_2545] {strides = array<i32>} : memref<4x100x64xf32, #tpu.memory_space<vmem>>, vector<1x1x16xf32>,
      %get3A_2547 = vector.shape_cast %get3A_2546 : vector<1x1x16xf32> to vector<16xf32>
      %add3A_2548 = arith.addf %add3A_2520, %get3A_2547 : vector<16xf32>
      %get3A_2549 = arith.constant 88 : i32
      %get3A_2550 = arith.index_cast %rem3A_44 : i32 to index
      %get3A_2551 = arith.index_cast %get3A_2549 : i32 to index
      %get3A_2552 = arith.constant 0 : index
      %get3A_2553 = tpu.vector_load %arg6[%get3A_2550, %get3A_2551, %get3A_2552] {strides = array<i32>} : memref<4x100x64xf32, #tpu.memory_space<vmem>>, vector<1x1x16xf32>,
      %get3A_2554 = vector.shape_cast %get3A_2553 : vector<1x1x16xf32> to vector<16xf32>
      %add3A_2555 = arith.addf %add3A_2527, %get3A_2554 : vector<16xf32>
      %get3A_2556 = arith.constant 88 : i32
      %get3A_2557 = arith.index_cast %rem3A_44 : i32 to index
      %get3A_2558 = arith.index_cast %get3A_2556 : i32 to index
      %get3A_2559 = arith.constant 16 : index
      %get3A_2560 = tpu.vector_load %arg6[%get3A_2557, %get3A_2558, %get3A_2559] {strides = array<i32>} : memref<4x100x64xf32, #tpu.memory_space<vmem>>, vector<1x1x16xf32>,
      %get3A_2561 = vector.shape_cast %get3A_2560 : vector<1x1x16xf32> to vector<16xf32>
      %add3A_2562 = arith.addf %add3A_2534, %get3A_2561 : vector<16xf32>
      %get3A_2563 = arith.constant 88 : i32
      %get3A_2564 = arith.index_cast %rem3A_44 : i32 to index
      %get3A_2565 = arith.index_cast %get3A_2563 : i32 to index
      %get3A_2566 = arith.constant 32 : index
      %get3A_2567 = tpu.vector_load %arg6[%get3A_2564, %get3A_2565, %get3A_2566] {strides = array<i32>} : memref<4x100x64xf32, #tpu.memory_space<vmem>>, vector<1x1x16xf32>,
      %get3A_2568 = vector.shape_cast %get3A_2567 : vector<1x1x16xf32> to vector<16xf32>
      %add3A_2569 = arith.addf %add3A_2541, %get3A_2568 : vector<16xf32>
      %get3A_2570 = arith.constant 88 : i32
      %get3A_2571 = arith.index_cast %rem3A_44 : i32 to index
      %get3A_2572 = arith.index_cast %get3A_2570 : i32 to index
      %get3A_2573 = arith.constant 48 : index
      %get3A_2574 = tpu.vector_load %arg6[%get3A_2571, %get3A_2572, %get3A_2573] {strides = array<i32>} : memref<4x100x64xf32, #tpu.memory_space<vmem>>, vector<1x1x16xf32>,
      %get3A_2575 = vector.shape_cast %get3A_2574 : vector<1x1x16xf32> to vector<16xf32>
      %add3A_2576 = arith.addf %add3A_2548, %get3A_2575 : vector<16xf32>
      %get3A_2577 = arith.constant 89 : i32
      %get3A_2578 = arith.index_cast %rem3A_44 : i32 to index
      %get3A_2579 = arith.index_cast %get3A_2577 : i32 to index
      %get3A_2580 = arith.constant 0 : index
      %get3A_2581 = tpu.vector_load %arg6[%get3A_2578, %get3A_2579, %get3A_2580] {strides = array<i32>} : memref<4x100x64xf32, #tpu.memory_space<vmem>>, vector<1x1x16xf32>,
      %get3A_2582 = vector.shape_cast %get3A_2581 : vector<1x1x16xf32> to vector<16xf32>
      %add3A_2583 = arith.addf %add3A_2555, %get3A_2582 : vector<16xf32>
      %get3A_2584 = arith.constant 89 : i32
      %get3A_2585 = arith.index_cast %rem3A_44 : i32 to index
      %get3A_2586 = arith.index_cast %get3A_2584 : i32 to index
      %get3A_2587 = arith.constant 16 : index
      %get3A_2588 = tpu.vector_load %arg6[%get3A_2585, %get3A_2586, %get3A_2587] {strides = array<i32>} : memref<4x100x64xf32, #tpu.memory_space<vmem>>, vector<1x1x16xf32>,
      %get3A_2589 = vector.shape_cast %get3A_2588 : vector<1x1x16xf32> to vector<16xf32>
      %add3A_2590 = arith.addf %add3A_2562, %get3A_2589 : vector<16xf32>
      %get3A_2591 = arith.constant 89 : i32
      %get3A_2592 = arith.index_cast %rem3A_44 : i32 to index
      %get3A_2593 = arith.index_cast %get3A_2591 : i32 to index
      %get3A_2594 = arith.constant 32 : index
      %get3A_2595 = tpu.vector_load %arg6[%get3A_2592, %get3A_2593, %get3A_2594] {strides = array<i32>} : memref<4x100x64xf32, #tpu.memory_space<vmem>>, vector<1x1x16xf32>,
      %get3A_2596 = vector.shape_cast %get3A_2595 : vector<1x1x16xf32> to vector<16xf32>
      %add3A_2597 = arith.addf %add3A_2569, %get3A_2596 : vector<16xf32>
      %get3A_2598 = arith.constant 89 : i32
      %get3A_2599 = arith.index_cast %rem3A_44 : i32 to index
      %get3A_2600 = arith.index_cast %get3A_2598 : i32 to index
      %get3A_2601 = arith.constant 48 : index
      %get3A_2602 = tpu.vector_load %arg6[%get3A_2599, %get3A_2600, %get3A_2601] {strides = array<i32>} : memref<4x100x64xf32, #tpu.memory_space<vmem>>, vector<1x1x16xf32>,
      %get3A_2603 = vector.shape_cast %get3A_2602 : vector<1x1x16xf32> to vector<16xf32>
      %add3A_2604 = arith.addf %add3A_2576, %get3A_2603 : vector<16xf32>
      %get3A_2605 = arith.constant 90 : i32
      %get3A_2606 = arith.index_cast %rem3A_44 : i32 to index
      %get3A_2607 = arith.index_cast %get3A_2605 : i32 to index
      %get3A_2608 = arith.constant 0 : index
      %get3A_2609 = tpu.vector_load %arg6[%get3A_2606, %get3A_2607, %get3A_2608] {strides = array<i32>} : memref<4x100x64xf32, #tpu.memory_space<vmem>>, vector<1x1x16xf32>,
      %get3A_2610 = vector.shape_cast %get3A_2609 : vector<1x1x16xf32> to vector<16xf32>
      %add3A_2611 = arith.addf %add3A_2583, %get3A_2610 : vector<16xf32>
      %get3A_2612 = arith.constant 90 : i32
      %get3A_2613 = arith.index_cast %rem3A_44 : i32 to index
      %get3A_2614 = arith.index_cast %get3A_2612 : i32 to index
      %get3A_2615 = arith.constant 16 : index
      %get3A_2616 = tpu.vector_load %arg6[%get3A_2613, %get3A_2614, %get3A_2615] {strides = array<i32>} : memref<4x100x64xf32, #tpu.memory_space<vmem>>, vector<1x1x16xf32>,
      %get3A_2617 = vector.shape_cast %get3A_2616 : vector<1x1x16xf32> to vector<16xf32>
      %add3A_2618 = arith.addf %add3A_2590, %get3A_2617 : vector<16xf32>
      %get3A_2619 = arith.constant 90 : i32
      %get3A_2620 = arith.index_cast %rem3A_44 : i32 to index
      %get3A_2621 = arith.index_cast %get3A_2619 : i32 to index
      %get3A_2622 = arith.constant 32 : index
      %get3A_2623 = tpu.vector_load %arg6[%get3A_2620, %get3A_2621, %get3A_2622] {strides = array<i32>} : memref<4x100x64xf32, #tpu.memory_space<vmem>>, vector<1x1x16xf32>,
      %get3A_2624 = vector.shape_cast %get3A_2623 : vector<1x1x16xf32> to vector<16xf32>
      %add3A_2625 = arith.addf %add3A_2597, %get3A_2624 : vector<16xf32>
      %get3A_2626 = arith.constant 90 : i32
      %get3A_2627 = arith.index_cast %rem3A_44 : i32 to index
      %get3A_2628 = arith.index_cast %get3A_2626 : i32 to index
      %get3A_2629 = arith.constant 48 : index
      %get3A_2630 = tpu.vector_load %arg6[%get3A_2627, %get3A_2628, %get3A_2629] {strides = array<i32>} : memref<4x100x64xf32, #tpu.memory_space<vmem>>, vector<1x1x16xf32>,
      %get3A_2631 = vector.shape_cast %get3A_2630 : vector<1x1x16xf32> to vector<16xf32>
      %add3A_2632 = arith.addf %add3A_2604, %get3A_2631 : vector<16xf32>
      %get3A_2633 = arith.constant 91 : i32
      %get3A_2634 = arith.index_cast %rem3A_44 : i32 to index
      %get3A_2635 = arith.index_cast %get3A_2633 : i32 to index
      %get3A_2636 = arith.constant 0 : index
      %get3A_2637 = tpu.vector_load %arg6[%get3A_2634, %get3A_2635, %get3A_2636] {strides = array<i32>} : memref<4x100x64xf32, #tpu.memory_space<vmem>>, vector<1x1x16xf32>,
      %get3A_2638 = vector.shape_cast %get3A_2637 : vector<1x1x16xf32> to vector<16xf32>
      %add3A_2639 = arith.addf %add3A_2611, %get3A_2638 : vector<16xf32>
      %get3A_2640 = arith.constant 91 : i32
      %get3A_2641 = arith.index_cast %rem3A_44 : i32 to index
      %get3A_2642 = arith.index_cast %get3A_2640 : i32 to index
      %get3A_2643 = arith.constant 16 : index
      %get3A_2644 = tpu.vector_load %arg6[%get3A_2641, %get3A_2642, %get3A_2643] {strides = array<i32>} : memref<4x100x64xf32, #tpu.memory_space<vmem>>, vector<1x1x16xf32>,
      %get3A_2645 = vector.shape_cast %get3A_2644 : vector<1x1x16xf32> to vector<16xf32>
      %add3A_2646 = arith.addf %add3A_2618, %get3A_2645 : vector<16xf32>
      %get3A_2647 = arith.constant 91 : i32
      %get3A_2648 = arith.index_cast %rem3A_44 : i32 to index
      %get3A_2649 = arith.index_cast %get3A_2647 : i32 to index
      %get3A_2650 = arith.constant 32 : index
      %get3A_2651 = tpu.vector_load %arg6[%get3A_2648, %get3A_2649, %get3A_2650] {strides = array<i32>} : memref<4x100x64xf32, #tpu.memory_space<vmem>>, vector<1x1x16xf32>,
      %get3A_2652 = vector.shape_cast %get3A_2651 : vector<1x1x16xf32> to vector<16xf32>
      %add3A_2653 = arith.addf %add3A_2625, %get3A_2652 : vector<16xf32>
      %get3A_2654 = arith.constant 91 : i32
      %get3A_2655 = arith.index_cast %rem3A_44 : i32 to index
      %get3A_2656 = arith.index_cast %get3A_2654 : i32 to index
      %get3A_2657 = arith.constant 48 : index
      %get3A_2658 = tpu.vector_load %arg6[%get3A_2655, %get3A_2656, %get3A_2657] {strides = array<i32>} : memref<4x100x64xf32, #tpu.memory_space<vmem>>, vector<1x1x16xf32>,
      %get3A_2659 = vector.shape_cast %get3A_2658 : vector<1x1x16xf32> to vector<16xf32>
      %add3A_2660 = arith.addf %add3A_2632, %get3A_2659 : vector<16xf32>
      %get3A_2661 = arith.constant 92 : i32
      %get3A_2662 = arith.index_cast %rem3A_44 : i32 to index
      %get3A_2663 = arith.index_cast %get3A_2661 : i32 to index
      %get3A_2664 = arith.constant 0 : index
      %get3A_2665 = tpu.vector_load %arg6[%get3A_2662, %get3A_2663, %get3A_2664] {strides = array<i32>} : memref<4x100x64xf32, #tpu.memory_space<vmem>>, vector<1x1x16xf32>,
      %get3A_2666 = vector.shape_cast %get3A_2665 : vector<1x1x16xf32> to vector<16xf32>
      %add3A_2667 = arith.addf %add3A_2639, %get3A_2666 : vector<16xf32>
      %get3A_2668 = arith.constant 92 : i32
      %get3A_2669 = arith.index_cast %rem3A_44 : i32 to index
      %get3A_2670 = arith.index_cast %get3A_2668 : i32 to index
      %get3A_2671 = arith.constant 16 : index
      %get3A_2672 = tpu.vector_load %arg6[%get3A_2669, %get3A_2670, %get3A_2671] {strides = array<i32>} : memref<4x100x64xf32, #tpu.memory_space<vmem>>, vector<1x1x16xf32>,
      %get3A_2673 = vector.shape_cast %get3A_2672 : vector<1x1x16xf32> to vector<16xf32>
      %add3A_2674 = arith.addf %add3A_2646, %get3A_2673 : vector<16xf32>
      %get3A_2675 = arith.constant 92 : i32
      %get3A_2676 = arith.index_cast %rem3A_44 : i32 to index
      %get3A_2677 = arith.index_cast %get3A_2675 : i32 to index
      %get3A_2678 = arith.constant 32 : index
      %get3A_2679 = tpu.vector_load %arg6[%get3A_2676, %get3A_2677, %get3A_2678] {strides = array<i32>} : memref<4x100x64xf32, #tpu.memory_space<vmem>>, vector<1x1x16xf32>,
      %get3A_2680 = vector.shape_cast %get3A_2679 : vector<1x1x16xf32> to vector<16xf32>
      %add3A_2681 = arith.addf %add3A_2653, %get3A_2680 : vector<16xf32>
      %get3A_2682 = arith.constant 92 : i32
      %get3A_2683 = arith.index_cast %rem3A_44 : i32 to index
      %get3A_2684 = arith.index_cast %get3A_2682 : i32 to index
      %get3A_2685 = arith.constant 48 : index
      %get3A_2686 = tpu.vector_load %arg6[%get3A_2683, %get3A_2684, %get3A_2685] {strides = array<i32>} : memref<4x100x64xf32, #tpu.memory_space<vmem>>, vector<1x1x16xf32>,
      %get3A_2687 = vector.shape_cast %get3A_2686 : vector<1x1x16xf32> to vector<16xf32>
      %add3A_2688 = arith.addf %add3A_2660, %get3A_2687 : vector<16xf32>
      %get3A_2689 = arith.constant 93 : i32
      %get3A_2690 = arith.index_cast %rem3A_44 : i32 to index
      %get3A_2691 = arith.index_cast %get3A_2689 : i32 to index
      %get3A_2692 = arith.constant 0 : index
      %get3A_2693 = tpu.vector_load %arg6[%get3A_2690, %get3A_2691, %get3A_2692] {strides = array<i32>} : memref<4x100x64xf32, #tpu.memory_space<vmem>>, vector<1x1x16xf32>,
      %get3A_2694 = vector.shape_cast %get3A_2693 : vector<1x1x16xf32> to vector<16xf32>
      %add3A_2695 = arith.addf %add3A_2667, %get3A_2694 : vector<16xf32>
      %get3A_2696 = arith.constant 93 : i32
      %get3A_2697 = arith.index_cast %rem3A_44 : i32 to index
      %get3A_2698 = arith.index_cast %get3A_2696 : i32 to index
      %get3A_2699 = arith.constant 16 : index
      %get3A_2700 = tpu.vector_load %arg6[%get3A_2697, %get3A_2698, %get3A_2699] {strides = array<i32>} : memref<4x100x64xf32, #tpu.memory_space<vmem>>, vector<1x1x16xf32>,
      %get3A_2701 = vector.shape_cast %get3A_2700 : vector<1x1x16xf32> to vector<16xf32>
      %add3A_2702 = arith.addf %add3A_2674, %get3A_2701 : vector<16xf32>
      %get3A_2703 = arith.constant 93 : i32
      %get3A_2704 = arith.index_cast %rem3A_44 : i32 to index
      %get3A_2705 = arith.index_cast %get3A_2703 : i32 to index
      %get3A_2706 = arith.constant 32 : index
      %get3A_2707 = tpu.vector_load %arg6[%get3A_2704, %get3A_2705, %get3A_2706] {strides = array<i32>} : memref<4x100x64xf32, #tpu.memory_space<vmem>>, vector<1x1x16xf32>,
      %get3A_2708 = vector.shape_cast %get3A_2707 : vector<1x1x16xf32> to vector<16xf32>
      %add3A_2709 = arith.addf %add3A_2681, %get3A_2708 : vector<16xf32>
      %get3A_2710 = arith.constant 93 : i32
      %get3A_2711 = arith.index_cast %rem3A_44 : i32 to index
      %get3A_2712 = arith.index_cast %get3A_2710 : i32 to index
      %get3A_2713 = arith.constant 48 : index
      %get3A_2714 = tpu.vector_load %arg6[%get3A_2711, %get3A_2712, %get3A_2713] {strides = array<i32>} : memref<4x100x64xf32, #tpu.memory_space<vmem>>, vector<1x1x16xf32>,
      %get3A_2715 = vector.shape_cast %get3A_2714 : vector<1x1x16xf32> to vector<16xf32>
      %add3A_2716 = arith.addf %add3A_2688, %get3A_2715 : vector<16xf32>
      %get3A_2717 = arith.constant 94 : i32
      %get3A_2718 = arith.index_cast %rem3A_44 : i32 to index
      %get3A_2719 = arith.index_cast %get3A_2717 : i32 to index
      %get3A_2720 = arith.constant 0 : index
      %get3A_2721 = tpu.vector_load %arg6[%get3A_2718, %get3A_2719, %get3A_2720] {strides = array<i32>} : memref<4x100x64xf32, #tpu.memory_space<vmem>>, vector<1x1x16xf32>,
      %get3A_2722 = vector.shape_cast %get3A_2721 : vector<1x1x16xf32> to vector<16xf32>
      %add3A_2723 = arith.addf %add3A_2695, %get3A_2722 : vector<16xf32>
      %get3A_2724 = arith.constant 94 : i32
      %get3A_2725 = arith.index_cast %rem3A_44 : i32 to index
      %get3A_2726 = arith.index_cast %get3A_2724 : i32 to index
      %get3A_2727 = arith.constant 16 : index
      %get3A_2728 = tpu.vector_load %arg6[%get3A_2725, %get3A_2726, %get3A_2727] {strides = array<i32>} : memref<4x100x64xf32, #tpu.memory_space<vmem>>, vector<1x1x16xf32>,
      %get3A_2729 = vector.shape_cast %get3A_2728 : vector<1x1x16xf32> to vector<16xf32>
      %add3A_2730 = arith.addf %add3A_2702, %get3A_2729 : vector<16xf32>
      %get3A_2731 = arith.constant 94 : i32
      %get3A_2732 = arith.index_cast %rem3A_44 : i32 to index
      %get3A_2733 = arith.index_cast %get3A_2731 : i32 to index
      %get3A_2734 = arith.constant 32 : index
      %get3A_2735 = tpu.vector_load %arg6[%get3A_2732, %get3A_2733, %get3A_2734] {strides = array<i32>} : memref<4x100x64xf32, #tpu.memory_space<vmem>>, vector<1x1x16xf32>,
      %get3A_2736 = vector.shape_cast %get3A_2735 : vector<1x1x16xf32> to vector<16xf32>
      %add3A_2737 = arith.addf %add3A_2709, %get3A_2736 : vector<16xf32>
      %get3A_2738 = arith.constant 94 : i32
      %get3A_2739 = arith.index_cast %rem3A_44 : i32 to index
      %get3A_2740 = arith.index_cast %get3A_2738 : i32 to index
      %get3A_2741 = arith.constant 48 : index
      %get3A_2742 = tpu.vector_load %arg6[%get3A_2739, %get3A_2740, %get3A_2741] {strides = array<i32>} : memref<4x100x64xf32, #tpu.memory_space<vmem>>, vector<1x1x16xf32>,
      %get3A_2743 = vector.shape_cast %get3A_2742 : vector<1x1x16xf32> to vector<16xf32>
      %add3A_2744 = arith.addf %add3A_2716, %get3A_2743 : vector<16xf32>
      %get3A_2745 = arith.constant 95 : i32
      %get3A_2746 = arith.index_cast %rem3A_44 : i32 to index
      %get3A_2747 = arith.index_cast %get3A_2745 : i32 to index
      %get3A_2748 = arith.constant 0 : index
      %get3A_2749 = tpu.vector_load %arg6[%get3A_2746, %get3A_2747, %get3A_2748] {strides = array<i32>} : memref<4x100x64xf32, #tpu.memory_space<vmem>>, vector<1x1x16xf32>,
      %get3A_2750 = vector.shape_cast %get3A_2749 : vector<1x1x16xf32> to vector<16xf32>
      %add3A_2751 = arith.addf %add3A_2723, %get3A_2750 : vector<16xf32>
      %get3A_2752 = arith.constant 95 : i32
      %get3A_2753 = arith.index_cast %rem3A_44 : i32 to index
      %get3A_2754 = arith.index_cast %get3A_2752 : i32 to index
      %get3A_2755 = arith.constant 16 : index
      %get3A_2756 = tpu.vector_load %arg6[%get3A_2753, %get3A_2754, %get3A_2755] {strides = array<i32>} : memref<4x100x64xf32, #tpu.memory_space<vmem>>, vector<1x1x16xf32>,
      %get3A_2757 = vector.shape_cast %get3A_2756 : vector<1x1x16xf32> to vector<16xf32>
      %add3A_2758 = arith.addf %add3A_2730, %get3A_2757 : vector<16xf32>
      %get3A_2759 = arith.constant 95 : i32
      %get3A_2760 = arith.index_cast %rem3A_44 : i32 to index
      %get3A_2761 = arith.index_cast %get3A_2759 : i32 to index
      %get3A_2762 = arith.constant 32 : index
      %get3A_2763 = tpu.vector_load %arg6[%get3A_2760, %get3A_2761, %get3A_2762] {strides = array<i32>} : memref<4x100x64xf32, #tpu.memory_space<vmem>>, vector<1x1x16xf32>,
      %get3A_2764 = vector.shape_cast %get3A_2763 : vector<1x1x16xf32> to vector<16xf32>
      %add3A_2765 = arith.addf %add3A_2737, %get3A_2764 : vector<16xf32>
      %get3A_2766 = arith.constant 95 : i32
      %get3A_2767 = arith.index_cast %rem3A_44 : i32 to index
      %get3A_2768 = arith.index_cast %get3A_2766 : i32 to index
      %get3A_2769 = arith.constant 48 : index
      %get3A_2770 = tpu.vector_load %arg6[%get3A_2767, %get3A_2768, %get3A_2769] {strides = array<i32>} : memref<4x100x64xf32, #tpu.memory_space<vmem>>, vector<1x1x16xf32>,
      %get3A_2771 = vector.shape_cast %get3A_2770 : vector<1x1x16xf32> to vector<16xf32>
      %add3A_2772 = arith.addf %add3A_2744, %get3A_2771 : vector<16xf32>
      %get3A_2773 = arith.constant 96 : i32
      %get3A_2774 = arith.index_cast %rem3A_44 : i32 to index
      %get3A_2775 = arith.index_cast %get3A_2773 : i32 to index
      %get3A_2776 = arith.constant 0 : index
      %get3A_2777 = tpu.vector_load %arg6[%get3A_2774, %get3A_2775, %get3A_2776] {strides = array<i32>} : memref<4x100x64xf32, #tpu.memory_space<vmem>>, vector<1x1x16xf32>,
      %get3A_2778 = vector.shape_cast %get3A_2777 : vector<1x1x16xf32> to vector<16xf32>
      %add3A_2779 = arith.addf %add3A_2751, %get3A_2778 : vector<16xf32>
      %get3A_2780 = arith.constant 96 : i32
      %get3A_2781 = arith.index_cast %rem3A_44 : i32 to index
      %get3A_2782 = arith.index_cast %get3A_2780 : i32 to index
      %get3A_2783 = arith.constant 16 : index
      %get3A_2784 = tpu.vector_load %arg6[%get3A_2781, %get3A_2782, %get3A_2783] {strides = array<i32>} : memref<4x100x64xf32, #tpu.memory_space<vmem>>, vector<1x1x16xf32>,
      %get3A_2785 = vector.shape_cast %get3A_2784 : vector<1x1x16xf32> to vector<16xf32>
      %add3A_2786 = arith.addf %add3A_2758, %get3A_2785 : vector<16xf32>
      %get3A_2787 = arith.constant 96 : i32
      %get3A_2788 = arith.index_cast %rem3A_44 : i32 to index
      %get3A_2789 = arith.index_cast %get3A_2787 : i32 to index
      %get3A_2790 = arith.constant 32 : index
      %get3A_2791 = tpu.vector_load %arg6[%get3A_2788, %get3A_2789, %get3A_2790] {strides = array<i32>} : memref<4x100x64xf32, #tpu.memory_space<vmem>>, vector<1x1x16xf32>,
      %get3A_2792 = vector.shape_cast %get3A_2791 : vector<1x1x16xf32> to vector<16xf32>
      %add3A_2793 = arith.addf %add3A_2765, %get3A_2792 : vector<16xf32>
      %get3A_2794 = arith.constant 96 : i32
      %get3A_2795 = arith.index_cast %rem3A_44 : i32 to index
      %get3A_2796 = arith.index_cast %get3A_2794 : i32 to index
      %get3A_2797 = arith.constant 48 : index
      %get3A_2798 = tpu.vector_load %arg6[%get3A_2795, %get3A_2796, %get3A_2797] {strides = array<i32>} : memref<4x100x64xf32, #tpu.memory_space<vmem>>, vector<1x1x16xf32>,
      %get3A_2799 = vector.shape_cast %get3A_2798 : vector<1x1x16xf32> to vector<16xf32>
      %add3A_2800 = arith.addf %add3A_2772, %get3A_2799 : vector<16xf32>
      %get3A_2801 = arith.constant 97 : i32
      %get3A_2802 = arith.index_cast %rem3A_44 : i32 to index
      %get3A_2803 = arith.index_cast %get3A_2801 : i32 to index
      %get3A_2804 = arith.constant 0 : index
      %get3A_2805 = tpu.vector_load %arg6[%get3A_2802, %get3A_2803, %get3A_2804] {strides = array<i32>} : memref<4x100x64xf32, #tpu.memory_space<vmem>>, vector<1x1x16xf32>,
      %get3A_2806 = vector.shape_cast %get3A_2805 : vector<1x1x16xf32> to vector<16xf32>
      %add3A_2807 = arith.addf %add3A_2779, %get3A_2806 : vector<16xf32>
      %get3A_2808 = arith.constant 97 : i32
      %get3A_2809 = arith.index_cast %rem3A_44 : i32 to index
      %get3A_2810 = arith.index_cast %get3A_2808 : i32 to index
      %get3A_2811 = arith.constant 16 : index
      %get3A_2812 = tpu.vector_load %arg6[%get3A_2809, %get3A_2810, %get3A_2811] {strides = array<i32>} : memref<4x100x64xf32, #tpu.memory_space<vmem>>, vector<1x1x16xf32>,
      %get3A_2813 = vector.shape_cast %get3A_2812 : vector<1x1x16xf32> to vector<16xf32>
      %add3A_2814 = arith.addf %add3A_2786, %get3A_2813 : vector<16xf32>
      %get3A_2815 = arith.constant 97 : i32
      %get3A_2816 = arith.index_cast %rem3A_44 : i32 to index
      %get3A_2817 = arith.index_cast %get3A_2815 : i32 to index
      %get3A_2818 = arith.constant 32 : index
      %get3A_2819 = tpu.vector_load %arg6[%get3A_2816, %get3A_2817, %get3A_2818] {strides = array<i32>} : memref<4x100x64xf32, #tpu.memory_space<vmem>>, vector<1x1x16xf32>,
      %get3A_2820 = vector.shape_cast %get3A_2819 : vector<1x1x16xf32> to vector<16xf32>
      %add3A_2821 = arith.addf %add3A_2793, %get3A_2820 : vector<16xf32>
      %get3A_2822 = arith.constant 97 : i32
      %get3A_2823 = arith.index_cast %rem3A_44 : i32 to index
      %get3A_2824 = arith.index_cast %get3A_2822 : i32 to index
      %get3A_2825 = arith.constant 48 : index
      %get3A_2826 = tpu.vector_load %arg6[%get3A_2823, %get3A_2824, %get3A_2825] {strides = array<i32>} : memref<4x100x64xf32, #tpu.memory_space<vmem>>, vector<1x1x16xf32>,
      %get3A_2827 = vector.shape_cast %get3A_2826 : vector<1x1x16xf32> to vector<16xf32>
      %add3A_2828 = arith.addf %add3A_2800, %get3A_2827 : vector<16xf32>
      %get3A_2829 = arith.constant 98 : i32
      %get3A_2830 = arith.index_cast %rem3A_44 : i32 to index
      %get3A_2831 = arith.index_cast %get3A_2829 : i32 to index
      %get3A_2832 = arith.constant 0 : index
      %get3A_2833 = tpu.vector_load %arg6[%get3A_2830, %get3A_2831, %get3A_2832] {strides = array<i32>} : memref<4x100x64xf32, #tpu.memory_space<vmem>>, vector<1x1x16xf32>,
      %get3A_2834 = vector.shape_cast %get3A_2833 : vector<1x1x16xf32> to vector<16xf32>
      %add3A_2835 = arith.addf %add3A_2807, %get3A_2834 : vector<16xf32>
      %get3A_2836 = arith.constant 98 : i32
      %get3A_2837 = arith.index_cast %rem3A_44 : i32 to index
      %get3A_2838 = arith.index_cast %get3A_2836 : i32 to index
      %get3A_2839 = arith.constant 16 : index
      %get3A_2840 = tpu.vector_load %arg6[%get3A_2837, %get3A_2838, %get3A_2839] {strides = array<i32>} : memref<4x100x64xf32, #tpu.memory_space<vmem>>, vector<1x1x16xf32>,
      %get3A_2841 = vector.shape_cast %get3A_2840 : vector<1x1x16xf32> to vector<16xf32>
      %add3A_2842 = arith.addf %add3A_2814, %get3A_2841 : vector<16xf32>
      %get3A_2843 = arith.constant 98 : i32
      %get3A_2844 = arith.index_cast %rem3A_44 : i32 to index
      %get3A_2845 = arith.index_cast %get3A_2843 : i32 to index
      %get3A_2846 = arith.constant 32 : index
      %get3A_2847 = tpu.vector_load %arg6[%get3A_2844, %get3A_2845, %get3A_2846] {strides = array<i32>} : memref<4x100x64xf32, #tpu.memory_space<vmem>>, vector<1x1x16xf32>,
      %get3A_2848 = vector.shape_cast %get3A_2847 : vector<1x1x16xf32> to vector<16xf32>
      %add3A_2849 = arith.addf %add3A_2821, %get3A_2848 : vector<16xf32>
      %get3A_2850 = arith.constant 98 : i32
      %get3A_2851 = arith.index_cast %rem3A_44 : i32 to index
      %get3A_2852 = arith.index_cast %get3A_2850 : i32 to index
      %get3A_2853 = arith.constant 48 : index
      %get3A_2854 = tpu.vector_load %arg6[%get3A_2851, %get3A_2852, %get3A_2853] {strides = array<i32>} : memref<4x100x64xf32, #tpu.memory_space<vmem>>, vector<1x1x16xf32>,
      %get3A_2855 = vector.shape_cast %get3A_2854 : vector<1x1x16xf32> to vector<16xf32>
      %add3A_2856 = arith.addf %add3A_2828, %get3A_2855 : vector<16xf32>
      %get3A_2857 = arith.constant 99 : i32
      %get3A_2858 = arith.index_cast %rem3A_44 : i32 to index
      %get3A_2859 = arith.index_cast %get3A_2857 : i32 to index
      %get3A_2860 = arith.constant 0 : index
      %get3A_2861 = tpu.vector_load %arg6[%get3A_2858, %get3A_2859, %get3A_2860] {strides = array<i32>} : memref<4x100x64xf32, #tpu.memory_space<vmem>>, vector<1x1x16xf32>,
      %get3A_2862 = vector.shape_cast %get3A_2861 : vector<1x1x16xf32> to vector<16xf32>
      %add3A_2863 = arith.addf %add3A_2835, %get3A_2862 : vector<16xf32>
      %get3A_2864 = arith.constant 99 : i32
      %get3A_2865 = arith.index_cast %rem3A_44 : i32 to index
      %get3A_2866 = arith.index_cast %get3A_2864 : i32 to index
      %get3A_2867 = arith.constant 16 : index
      %get3A_2868 = tpu.vector_load %arg6[%get3A_2865, %get3A_2866, %get3A_2867] {strides = array<i32>} : memref<4x100x64xf32, #tpu.memory_space<vmem>>, vector<1x1x16xf32>,
      %get3A_2869 = vector.shape_cast %get3A_2868 : vector<1x1x16xf32> to vector<16xf32>
      %add3A_2870 = arith.addf %add3A_2842, %get3A_2869 : vector<16xf32>
      %get3A_2871 = arith.constant 99 : i32
      %get3A_2872 = arith.index_cast %rem3A_44 : i32 to index
      %get3A_2873 = arith.index_cast %get3A_2871 : i32 to index
      %get3A_2874 = arith.constant 32 : index
      %get3A_2875 = tpu.vector_load %arg6[%get3A_2872, %get3A_2873, %get3A_2874] {strides = array<i32>} : memref<4x100x64xf32, #tpu.memory_space<vmem>>, vector<1x1x16xf32>,
      %get3A_2876 = vector.shape_cast %get3A_2875 : vector<1x1x16xf32> to vector<16xf32>
      %add3A_2877 = arith.addf %add3A_2849, %get3A_2876 : vector<16xf32>
      %get3A_2878 = arith.constant 99 : i32
      %get3A_2879 = arith.index_cast %rem3A_44 : i32 to index
      %get3A_2880 = arith.index_cast %get3A_2878 : i32 to index
      %get3A_2881 = arith.constant 48 : index
      %get3A_2882 = tpu.vector_load %arg6[%get3A_2879, %get3A_2880, %get3A_2881] {strides = array<i32>} : memref<4x100x64xf32, #tpu.memory_space<vmem>>, vector<1x1x16xf32>,
      %get3A_2883 = vector.shape_cast %get3A_2882 : vector<1x1x16xf32> to vector<16xf32>
      %add3A_2884 = arith.addf %add3A_2856, %get3A_2883 : vector<16xf32>
      %mul3A_2885 = arith.constant 2 : i32
      %mul3A_2886 = arith.muli %mul3A_2885, %scan3A_43 : i32
      %add3A_2887 = arith.constant 1 : i32
      %add3A_2888 = arith.addi %mul3A_2886, %add3A_2887 : i32
      %swap3A_2889 = arith.index_cast %add3A_2888 : i32 to index
      %swap3A_2890 = arith.constant 0 : index
      %swap3A_2891 = tpu.vector_load %arg7[%swap3A_2889, %swap3A_2890] {strides = array<i32>} : memref<512x64xf32, #tpu.memory_space<vmem>>, vector<1x16xf32>,
      %swap3A_2892 = vector.shape_cast %swap3A_2891 : vector<1x16xf32> to vector<16xf32>
      %swap3A_2893 = vector.shape_cast %add3A_2863 : vector<16xf32> to vector<1x16xf32>
      tpu.vector_store %arg7[%swap3A_2889, %swap3A_2890], %swap3A_2893 {strides = array<i32>} : memref<512x64xf32, #tpu.memory_space<vmem>>, vector<1x16xf32>,
      %mul3A_2894 = arith.constant 2 : i32
      %mul3A_2895 = arith.muli %mul3A_2894, %scan3A_43 : i32
      %add3A_2896 = arith.constant 1 : i32
      %add3A_2897 = arith.addi %mul3A_2895, %add3A_2896 : i32
      %swap3A_2898 = arith.index_cast %add3A_2897 : i32 to index
      %swap3A_2899 = arith.constant 16 : index
      %swap3A_2900 = tpu.vector_load %arg7[%swap3A_2898, %swap3A_2899] {strides = array<i32>} : memref<512x64xf32, #tpu.memory_space<vmem>>, vector<1x16xf32>,
      %swap3A_2901 = vector.shape_cast %swap3A_2900 : vector<1x16xf32> to vector<16xf32>
      %swap3A_2902 = vector.shape_cast %add3A_2870 : vector<16xf32> to vector<1x16xf32>
      tpu.vector_store %arg7[%swap3A_2898, %swap3A_2899], %swap3A_2902 {strides = array<i32>} : memref<512x64xf32, #tpu.memory_space<vmem>>, vector<1x16xf32>,
      %mul3A_2903 = arith.constant 2 : i32
      %mul3A_2904 = arith.muli %mul3A_2903, %scan3A_43 : i32
      %add3A_2905 = arith.constant 1 : i32
      %add3A_2906 = arith.addi %mul3A_2904, %add3A_2905 : i32
      %swap3A_2907 = arith.index_cast %add3A_2906 : i32 to index
      %swap3A_2908 = arith.constant 32 : index
      %swap3A_2909 = tpu.vector_load %arg7[%swap3A_2907, %swap3A_2908] {strides = array<i32>} : memref<512x64xf32, #tpu.memory_space<vmem>>, vector<1x16xf32>,
      %swap3A_2910 = vector.shape_cast %swap3A_2909 : vector<1x16xf32> to vector<16xf32>
      %swap3A_2911 = vector.shape_cast %add3A_2877 : vector<16xf32> to vector<1x16xf32>
      tpu.vector_store %arg7[%swap3A_2907, %swap3A_2908], %swap3A_2911 {strides = array<i32>} : memref<512x64xf32, #tpu.memory_space<vmem>>, vector<1x16xf32>,
      %mul3A_2912 = arith.constant 2 : i32
      %mul3A_2913 = arith.muli %mul3A_2912, %scan3A_43 : i32
      %add3A_2914 = arith.constant 1 : i32
      %add3A_2915 = arith.addi %mul3A_2913, %add3A_2914 : i32
      %swap3A_2916 = arith.index_cast %add3A_2915 : i32 to index
      %swap3A_2917 = arith.constant 48 : index
      %swap3A_2918 = tpu.vector_load %arg7[%swap3A_2916, %swap3A_2917] {strides = array<i32>} : memref<512x64xf32, #tpu.memory_space<vmem>>, vector<1x16xf32>,
      %swap3A_2919 = vector.shape_cast %swap3A_2918 : vector<1x16xf32> to vector<16xf32>
      %swap3A_2920 = vector.shape_cast %add3A_2884 : vector<16xf32> to vector<1x16xf32>
      tpu.vector_store %arg7[%swap3A_2916, %swap3A_2917], %swap3A_2920 {strides = array<i32>} : memref<512x64xf32, #tpu.memory_space<vmem>>, vector<1x16xf32>,
    }
    %scan3A_40 = arith.constant 256 : i32
    %mul3A_41 = arith.constant 512 : i32
    %mul3A_42 = arith.muli %add3A, %mul3A_41 : i32
    "tpu.region"() ({
      %run_scoped3A = tpu.sem_alloc : memref<!tpu.dma_semaphore, #tpu.memory_space<semaphore_mem>>
      %dma_start3A_43 = arith.constant 0 : i32
      %dma_start3A_44 = tpu.memref_slice %arg4[%mul3A_42, %dma_start3A_43] : memref<16384x64xf32, #tpu.memory_space<hbm>> -> memref<512x64xf32, #tpu.memory_space<hbm>>
      %dma_start3A_45 = arith.constant 0 : i32
      %dma_start3A_46 = tpu.memref_slice %arg4[%mul3A_42, %dma_start3A_45] : memref<16384x64xf32, #tpu.memory_space<hbm>> -> memref<512x64xf32, #tpu.memory_space<hbm>>
      tpu.enqueue_dma source(%arg7 : memref<512x64xf32, #tpu.memory_space<vmem>>) target(%dma_start3A_46 : memref<512x64xf32, #tpu.memory_space<hbm>>) target_semaphore(%run_scoped3A : memref<!tpu.dma_semaphore, #tpu.memory_space<semaphore_mem>>)
      %dma_wait3A = arith.constant 0 : i32
      %dma_wait3A_47 = tpu.memref_slice %arg4[%mul3A_42, %dma_wait3A] : memref<16384x64xf32, #tpu.memory_space<hbm>> -> memref<512x64xf32, #tpu.memory_space<hbm>>
      %dma_wait3A_48 = arith.constant 0 : i32
      %dma_wait3A_49 = tpu.memref_slice %arg4[%mul3A_42, %dma_wait3A_48] : memref<16384x64xf32, #tpu.memory_space<hbm>> -> memref<512x64xf32, #tpu.memory_space<hbm>>
      tpu.wait_dma2 semaphore(%run_scoped3A : memref<!tpu.dma_semaphore, #tpu.memory_space<semaphore_mem>>) src(%arg7 : memref<512x64xf32, #tpu.memory_space<vmem>>) dst(%dma_wait3A_49 : memref<512x64xf32, #tpu.memory_space<hbm>>)
      tpu.yield
    }) : () -> ()
    return
  }
}

</mosaic_0001>

<sc_bundles>
// kernel: kernel.3.cloned.1.call-start
scs
__scs_entry_jumppad:
0x0: {  	(pc) =	sbr.rel $0x88, $3  }
0x1: {  	(tag) =	ssettag $0x0;
	lr =	simm.s32 $0x1  }
0x2: {  	[smem:$0x3F9F] =	sst lr;
	_ =	strace $0xD0000000  }
0x3: {  	_ = 	snop  }
0x4: {  	_ = 	snop  }
0x5: {  	_ = 	snop  }
0x6: {  	_ = 	snop  }
0x7: {  	_ = 	snop  }
__scs_overlays_trampoline_lowered:
0x8: {  	[smem:$0x3FAE] =	sst s0  }
0x9: {  	[smem:$0x3FAF] =	sst s1  }
0xa: {  	[smem:$0x3FB0] =	sst s2  }
0xb: {  	[smem:$0x3FB1] =	sst s3  }
0xc: {  	[smem:$0x3FB2] =	sst s4  }
0xd: {  	[smem:$0x3FB3] =	sst s5  }
0xe: {  	[smem:$0x3FB4] =	sst s6  }
0xf: {  	[smem:$0x3FB5] =	sst s7  }
0x10: {  	[smem:$0x3FB6] =	sst s8  }
0x11: {  	[smem:$0x3FB7] =	sst s9;
	s0 =	simm.s32 @!p0 $0x0  }
0x12: {  	s1 =	sld [smem:$0x3F9D];
	s0 =	simm.s32 @p0 $0x1  }
0x13: {  	[smem:$0x3FB8] =	sst s0;
	s0 =	simm.s32 @!p1 $0x0  }
0x14: {  	s2 =	sld [smem:$0x3F9C];
	s0 =	simm.s32 @p1 $0x1  }
0x15: {  	[smem:$0x3FB9] =	sst s0;
	s0 =	simm.s32 @!p2 $0x0  }
0x16: {  	s3 =	sld [smem:$0x3FDB];
	s0 =	simm.s32 @p2 $0x1  }
0x17: {  	s4 =	simm.s32 $0x1BF5;
	[smem:$0x3FBB] =	sst s0  }
0x18: {  	s0 =	sld [smem:$0x3F9E];
	_ =	swait.ge [sflag:s4], $0x0  }
0x19: {  	s7 =	sld [smem:$0x3F9F]  }
0x1a: {  	s8 =	sadd.s32 $0xFFFFE003, lr  }
0x1b: {  	s9 =	sadd.s32 $0xFFFFFEF7, lr;
	s5 =	simm.s32 $0xFFFFFFFF;
	p2 =	slt.u32 s8, $0xFFFFF086  }
0x1c: {  	p1 =	slt.u32 s9, $0xF7A;
	s5 =	simm.s32 @!p2 $0x0  }
0x1d: {  	s5 =	simm.s32 @p1 $0x1;
	p0 =	seq.s32 s7, s2  }
0x1e: {  	s7 =	smul.u32 @!p0 $0xF7A, s2;
	p2 =	seq.s32 @!p0 s5, $0x0  }
0x1f: {  	s9 =	smul.u32 $0xF7A, s1;
	s8 =	simm.s32 @!p0 $0x1BF5;
	p2 =	por !p2, p0  }
0x20: {  	[sflag:s8] =	ssyncset.s32 @!p0 $0xFFFFF086;
	s6 =	sadd.s32 @!p0 s3, s7;
	s7 =	simm.s32 @!p0 $0x108  }
0x21: {  	s3 =	sadd.s32 s3, s9;
	s6 =	sadd.s32 @!p0 $0x88, s6;
	s7 =	simm.s32 @p2 $0x1082  }
0x22: {  	[simem:s7], [sflag:s8] =	dma.local @!p0 [hbm:s6], $0xF7A  }
0x23: {  	s9 =	sor.u32 $0xD0000000, s2;
	s6 =	simm.s32 $0x108;
	_ =	swait.ge @!p0 [sflag:s8], $0x0  }
0x24: {  	s3 =	sadd.s32 $0x88, s3;
	s6 =	simm.s32 @!p1 $0x1082;
	[sflag:s4] =	ssyncset.s32 $0xFFFFF086  }
0x25: {  	[simem:s6], [sflag:s4] =	dma.local [hbm:s3], $0xF7A  }
0x26: {  	[smem:$0x3F9F] =	sst s1;
	(tag) =	ssettag s2;
	_ =	strace s9  }
0x27: {  	s1 =	sld [smem:$0x3FAF]  }
0x28: {  	s2 =	sld [smem:$0x3FB0]  }
0x29: {  	s4 =	sld [smem:$0x3FB2]  }
0x2a: {  	p0 =	seq.s32 s5, $0x0;
	s5 =	sld [smem:$0x3FB3]  }
0x2b: {  	s6 =	sld [smem:$0x3FB4]  }
0x2c: {  	s7 =	sld [smem:$0x3FB5]  }
0x2d: {  	s3 =	simm.s32 $0x108;
	s8 =	sld [smem:$0x3FB6]  }
0x2e: {  	s3 =	simm.s32 @!p0 $0x1082;
	s9 =	sld [smem:$0x3FB7]  }
0x2f: {  	lr =	sadd.s32 s0, s3;
	s0 =	sld [smem:$0x3FAE]  }
0x30: {  	s3 =	sld [smem:$0x3FB1]  }
0x31: {  	[smem:$0x3FBA] =	sst s10  }
0x32: {  	s10 =	sld [smem:$0x3FB8];
	_ =	sdelay $0x3  }
0x33: {  	p0 =	seq.s32 s10, $0x1;
	s10 =	sld [smem:$0x3FBA];
	_ =	sdelay $0x3  }
0x34: {  	[smem:$0x3FBA] =	sst s10  }
0x35: {  	s10 =	sld [smem:$0x3FB9];
	_ =	sdelay $0x3  }
0x36: {  	p1 =	seq.s32 s10, $0x1;
	s10 =	sld [smem:$0x3FBA];
	_ =	sdelay $0x3  }
0x37: {  	[smem:$0x3FBA] =	sst s10  }
0x38: {  	s10 =	sld [smem:$0x3FBB]  }
0x39: {  	_ = 	snop;
	(pc) =	sbr.ind lr, $3  }
0x3a: {  	_ = 	snop  }
0x3b: {  	_ = 	snop  }
0x3c: {  	p2 =	seq.s32 s10, $0x1;
	s10 =	sld [smem:$0x3FBA]  }
0x3d: {  	_ =	shalt  }
0x3e: {  	_ =	shalt  }
0x3f: {  	_ =	shalt  }
0x40: {  	_ =	shalt  }
0x41: {  	_ =	shalt  }
0x42: {  	_ =	shalt  }
0x43: {  	_ =	shalt  }
0x44: {  	_ =	shalt  }
0x45: {  	_ =	shalt  }
0x46: {  	_ =	shalt  }
0x47: {  	_ =	shalt  }
0x48: {  	_ =	shalt  }
0x49: {  	_ =	shalt  }
0x4a: {  	_ =	shalt  }
0x4b: {  	_ =	shalt  }
0x4c: {  	_ =	shalt  }
0x4d: {  	_ =	shalt  }
0x4e: {  	_ =	shalt  }
0x4f: {  	_ =	shalt  }
0x50: {  	_ =	shalt  }
0x51: {  	_ =	shalt  }
0x52: {  	_ =	shalt  }
0x53: {  	_ =	shalt  }
0x54: {  	_ =	shalt  }
0x55: {  	_ =	shalt  }
0x56: {  	_ =	shalt  }
0x57: {  	_ =	shalt  }
0x58: {  	_ =	shalt  }
0x59: {  	_ =	shalt  }
0x5a: {  	_ =	shalt  }
0x5b: {  	_ =	shalt  }
0x5c: {  	_ =	shalt  }
0x5d: {  	_ =	shalt  }
0x5e: {  	_ =	shalt  }
0x5f: {  	_ =	shalt  }
0x60: {  	_ =	shalt  }
0x61: {  	_ =	shalt  }
0x62: {  	_ =	shalt  }
0x63: {  	_ =	shalt  }
0x64: {  	_ =	shalt  }
0x65: {  	_ =	shalt  }
0x66: {  	_ =	shalt  }
0x67: {  	_ =	shalt  }
0x68: {  	_ =	shalt  }
0x69: {  	_ =	shalt  }
0x6a: {  	_ =	shalt  }
0x6b: {  	_ =	shalt  }
0x6c: {  	_ =	shalt  }
0x6d: {  	_ =	shalt  }
0x6e: {  	_ =	shalt  }
0x6f: {  	_ =	shalt  }
0x70: {  	_ =	shalt  }
0x71: {  	_ =	shalt  }
0x72: {  	_ =	shalt  }
0x73: {  	_ =	shalt  }
0x74: {  	_ =	shalt  }
0x75: {  	_ =	shalt  }
0x76: {  	_ =	shalt  }
0x77: {  	_ =	shalt  }
0x78: {  	_ =	shalt  }
0x79: {  	_ =	shalt  }
0x7a: {  	_ =	shalt  }
0x7b: {  	_ =	shalt  }
0x7c: {  	_ =	shalt  }
0x7d: {  	_ =	shalt  }
0x7e: {  	_ =	shalt  }
0x7f: {  	_ =	shalt  }
0x80: {  	_ =	shalt  }
0x81: {  	_ =	shalt  }
0x82: {  	_ =	shalt  }
0x83: {  	_ =	shalt  }
0x84: {  	_ =	shalt  }
0x85: {  	_ =	shalt  }
0x86: {  	_ =	shalt  }
0x87: {  	_ =	shalt  }
.Lfunc_end0:
.L_simem_size_0:
called_computation_lowered:
.L_overlay_start_0:
0x88: {  	s2 =	sld [smem:$0x3FD9]  }
0x89: {  	s3 =	sld [smem:$0x3FFE];
	_ =	sdelay $0x1  }
0x8a: {  	s1 =	srdreg.scid  }
0x8b: {  	s0 =	sand.u32 $0x1, s1  }
0x8c: {  	s17 =	sshll.u32 s0, $0xA;
	s2 =	sadd.s32 s3, s2  }
0x8d: {  	s2 =	sadd.s32 s2, s17  }
0x8e: {  	[smem:$0x3FC6] =	sst s2  }
0x8f: {  	_ = 	snop  }
0x90: {  	s2 =	sld [smem:$0x3FD0];
	(tm) =	ssettm $0x1  }
0x91: {  	s18 =	sld [smem:$0x3FFB];
	_ =	sdelay $0x3  }
0x92: {  	_ =	strace s18  }
0x93: {  	s3 =	sld [smem:$0x3FFC];
	_ =	sdelay $0x3  }
0x94: {  	_ =	strace s3  }
0x95: {  	s3 =	sld [smem:$0x3FFD];
	_ =	sdelay $0x3  }
0x96: {  	_ =	strace s3  }
0x97: {  	_ =	strace $0x8FFFFFFF  }
0x98: {  	s19 =	sld [smem:$0x3FDB];
	_ =	sdelay $0x1  }
0x99: {  	s4 =	simm.s32 $_scs_section_size  }
0x9a: {  	s5 =	simm.s32 $_size__tile_overlayer_lowered;
	s6 =	simm.s32 $_tile_overlayer_lowered  }
0x9b: {  	s22 =	simm.s32 $0x1BFF;
	s21 =	sshll.u32 s6, $0x1;
	s3 =	sadd.s32 s4, s19  }
0x9c: {  	s7 =	simm.s32 $0x0;
	s20 =	sshll.u32 s5, $0x1;
	s5 =	sadd.s32 s21, s3  }
0x9d: {  	[timem:s7], [sflag:s22] =	dma.local [hbm:s5], s20  }
0x9e: {  	_ =	swait.ge [sflag:s22], s20  }
0x9f: {  	s4 =	ssub.s32 $0x0, s20;
	[sflag:s22] =	ssyncset.done $0x0  }
0xa0: {  	[sflag:s22] =	ssyncadd.s32 s4;
	_ =	sdelay $0x1  }
0xa1: {  	s23 =	simm.s32 $0x1B8B  }
0xa2: {  	_ =	swait.ge [sflag:s23], $0x1  }
0xa3: {  	[sflag:s23] =	ssyncset.done $0x0  }
0xa4: {  	s25 =	simm.s32 $0x1B8E;
	s24 =	sld [smem:$0x3FFE];
	[sflag:s23] =	ssyncadd.s32 $0xFFFFFFFF  }
0xa5: {  	s26 =	simm.s32 $execute0_lowered;
	[smem:$0x3FD2] =	sst s25  }
0xa6: {  	s5 =	sshll.u32 s26, $0x1;
	_ =	strace $0x80000046;
	[dreg:$0x1] =	wrdreg $0xFFFFFFFF  }
0xa7: {  	s28 =	simm.s32 $_size_execute0_lowered;
	s3 =	sadd.s32 s3, s5;
	[dreg:$0x0] =	wrdreg $0x0  }
0xa8: {  	s5 =	sshll.u32 s28, $0x1;
	[dreg:$0x2] =	wrdreg s3  }
0xa9: {  	[dreg:$0x3] =	wrdreg s5  }
0xaa: {  	[dreg:$0x4] =	wrdreg $0xC0  }
0xab: {  	_ =	task [dreg:s7], $0x5FFFF  }
0xac: {  	[dreg:$0x1] =	wrdreg $0xFFFFFFFF  }
0xad: {  	[dreg:$0x0] =	wrdreg $0x60  }
0xae: {  	[dreg:$0x2] =	wrdreg s24  }
0xaf: {  	[dreg:$0x3] =	wrdreg s2  }
0xb0: {  	[dreg:$0x4] =	wrdreg $0x9  }
0xb1: {  	_ =	task.clear_ibuf [dreg:s7], $0x5FFFF;
	_ =	strace $0x90000046  }
0xb2: {  	s29 =	simm.s32 $0x9;
	_ =	strace $0x80000048  }
0xb3: {  	_ =	swait.ge [sflag:s29], $0x1  }
0xb4: {  	[sflag:s29] =	ssyncadd.s32 $0xFFFFFFFF  }
0xb5: {  	_ =	strace $0x90000048  }
0xb6: {  	_ =	sfence  }
0xb7: {  	s30 =	sld [smem:$0x0];
	_ =	sdelay $0x2  }
0xb8: {  	s31 =	sshll.u32 s1, $0xD;
	s1 =	sshrl.u32 s1, $0x2  }
0xb9: {  	s3 =	sand.u32 $0x4000, s31;
	s1 =	sadd.s32 s1, s30  }
0xba: {  	s0 =	sor.u32 s3, s0;
	s1 =	sshll.u32 s1, $0x11  }
0xbb: {  	s0 =	sor.u32 s1, s0  }
0xbc: {  	s0 =	sadd.s32 $0x8F2B, s0  }
0xbd: {  	[sflag:s0] =	ssyncadd.remote.s32 $0x1  }
0xbe: {  	_ =	sfence.sel $0xFFFF  }
0xbf: {  	[dreg:$0x0] =	wrdreg $0xFFFFFFFF;
	(pc) =	sbr.abs _section_cstart, $3  }
0xc0: {  	[dreg:$0x1] =	wrdreg $0xFFFFFFFF  }
0xc1: {  	_ =	task.clear_ibuf [dreg:s7], $0x2FFFF;
	_ =	strace $0x9FFFFFFF  }
0xc2: {  	(tm) =	ssettm $0x7FFFFFFF  }
0xc3: {  	_ =	shalt  }
tec
execute0_lowered:
.L_overlay_start_1:
0x0: {  	(tag) =	ssettag $0x1  }
0x1: {  	s0 =	srdreg.scid;
	s3 =	rddreg [dreg:$0x0]  }
0x2: {  	s5 =	rddreg [dreg:$0x1];
	s1 =	stileid.u32  }
0x3: {  	s2 =	simm.s32 $0x0;
	s9 =	simm.s32 $0x6800;
	s10 =	simm.s32 $0x68  }
0x4: {  	s11 =	simm.s32 $0x8100;
	s12 =	simm.s32 $0xD0;
	s13 =	simm.s32 $0x9A00  }
0x5: {  	s14 =	simm.s32 $0x1;
	s15 =	simm.s32 $0xCC00;
	s4 =	sand.u32 $0x1, s0  }
0x6: {  	s16 =	simm.s32 $0x0;
	s0 =	rddreg [dreg:$0x2];
	s6 =	sshll.u32 s4, $0x4  }
0x7: {  	[smem:$0x7FF] =	sst s2;
	s4 =	ssub.s32 $0x2, s4;
	s6 =	sor.u32 s1, s6  }
0x8: {  	s8 =	sshrl.u32 s4, $0x1;
	s7 =	smul.u32 $0xD00, s6;
	s6 =	sshll.u32 s6, $0xC  }
0x9: {  	_ =	strace $0x80000047;
	s8 =	ssub.s32 s4, s8;
	s5 =	sadd.s32 s5, s6  }
0xa: {  	s6 =	smax.u32 s8, $0x1;
	s8 =	simm.s32 $0x64;
	s7 =	sadd.s32 s7, s3  }
0xb: {  	s3 =	sadd.s32 $0xF42A00, s3;
	s4 =	sadd.s32 $0x600, s7;
	s7 =	simm.s32 $0x2  }
.LBB2_1:
0xc: {  	[tilespmem:s2], [sflag:$0x2] =	stream.linear.gather [hbm4b:s4+s2], $0x6800, $0x38;
	[tilespmem:$0x14C00] =	vst v63  }
0xd: {  	_ =	swait.ge [sflag:s7], $0x6800  }
0xe: {  	[sflag:s7] =	ssyncset.done $0x0  }
0xf: {  	[sflag:s7] =	ssyncadd.s32 $0xFFFF9800  }
0x10: {  	[tilespmem:s9], [sflag:$0x1] =	stream.indirect.gather [hbm4b:s3+s8], $0x40, s2, s8, $0xb8;
	[tilespmem:$0x14C00] =	vst v63  }
0x11: {  	_ = 	snop  }
0x12: {  	[tilespmem:s11], [sflag:$0x1] =	stream.indirect.gather [hbm4b:s3+s8], $0x40, s10, s8, $0xb8;
	[tilespmem:$0x14C00] =	vst v63  }
0x13: {  	s17 =	simm.s32 $0x138;
	s18 =	simm.s32 $0xCC40;
	s19 =	simm.s32 $0x0  }
0x14: {  	[tilespmem:s13], [sflag:$0x1] =	stream.indirect.gather [hbm4b:s3+s8], $0x40, s12, s8, $0xb8;
	[tilespmem:$0x14C00] =	vst v63  }
.LBB2_2:
0x15: {  	p0 =	sgt.u32 s19, $0xFC  }
0x16: {  	s20 =	sadd.s32 @!p0 $0xFFFFFFFF, s19  }
0x17: {  	s20 =	sand.u32 @!p0 $0x3, s20  }
0x18: {  	s21 =	sand.u32 $0x3, s19;
	s20 =	smul.u32 @!p0 $0x6400, s20  }
0x19: {  	_ =	swait.ge [sflag:s14], $0x1900;
	s21 =	smul.u32 $0x6400, s21  }
0x1a: {  	[sflag:s14] =	ssyncset.done $0x0;
	s22 =	simm.s32 @!p0 $0x64;
	s20 =	sshrl.u32 @!p0 s20, $0x2  }
0x1b: {  	[sflag:s14] =	ssyncadd.s32 $0xFFFFE700;
	s31 =	sshrl.u32 s21, $0x2;
	s20 =	sadd.s32 @!p0 $0x6800, s20  }
0x1c: {  	[tilespmem:s20], [sflag:$0x1] =	stream.indirect.gather @!p0 [hbm4b:s3+s22], $0x40, s17, s22, $0xb8;
	[tilespmem:$0x14C00] =	vst v63  }
0x1d: {  	v3 =	vld [tilespmem:s31+$0x6800]  }
0x1e: {  	v4 =	vld [tilespmem:s31+$0x6810]  }
0x1f: {  	v5 =	vld [tilespmem:s31+$0x6820]  }
0x20: {  	v16 =	vld [tilespmem:s31+$0x6830]  }
0x21: {  	v17 =	vld [tilespmem:s31+$0x6840]  }
0x22: {  	v20 =	vld [tilespmem:s31+$0x6850]  }
0x23: {  	v21 =	vld [tilespmem:s31+$0x6860]  }
0x24: {  	v32 =	vld [tilespmem:s31+$0x6870]  }
0x25: {  	v33 =	vld [tilespmem:s31+$0x6880]  }
0x26: {  	v36 =	vld [tilespmem:s31+$0x6890]  }
0x27: {  	v37 =	vld [tilespmem:s31+$0x68A0]  }
0x28: {  	v48 =	vld [tilespmem:s31+$0x68B0]  }
0x29: {  	v49 =	vld [tilespmem:s31+$0x68C0]  }
0x2a: {  	v52 =	vld [tilespmem:s31+$0x68D0]  }
0x2b: {  	v53 =	vld [tilespmem:s31+$0x68E0]  }
0x2c: {  	v62 =	vld [tilespmem:s31+$0x68F0]  }
0x2d: {  	v63 =	vld [tilespmem:s31+$0x6900]  }
0x2e: {  	v0 =	vld [tilespmem:s31+$0x6910]  }
0x2f: {  	v2 =	vld [tilespmem:s31+$0x6920]  }
0x30: {  	v9 =	vld [tilespmem:s31+$0x6930]  }
0x31: {  	v1 =	vld [tilespmem:s31+$0x6940]  }
0x32: {  	v6 =	vld [tilespmem:s31+$0x6950]  }
0x33: {  	v8 =	vld [tilespmem:s31+$0x6960]  }
0x34: {  	v13 =	vld [tilespmem:s31+$0x6970]  }
0x35: {  	v7 =	vld [tilespmem:s31+$0x6980]  }
0x36: {  	v10 =	vld [tilespmem:s31+$0x6990]  }
0x37: {  	v12 =	vld [tilespmem:s31+$0x69A0]  }
0x38: {  	v19 =	vld [tilespmem:s31+$0x69B0]  }
0x39: {  	v11 =	vld [tilespmem:s31+$0x69C0]  }
0x3a: {  	v14 =	vld [tilespmem:s31+$0x69D0]  }
0x3b: {  	v18 =	vld [tilespmem:s31+$0x69E0]  }
0x3c: {  	v25 =	vld [tilespmem:s31+$0x69F0]  }
0x3d: {  	v15 =	vld [tilespmem:s31+$0x6A00]  }
0x3e: {  	v22 =	vld [tilespmem:s31+$0x6A10]  }
0x3f: {  	v24 =	vld [tilespmem:s31+$0x6A20]  }
0x40: {  	v29 =	vld [tilespmem:s31+$0x6A30]  }
0x41: {  	v23 =	vld [tilespmem:s31+$0x6A40]  }
0x42: {  	v26 =	vld [tilespmem:s31+$0x6A50]  }
0x43: {  	v28 =	vld [tilespmem:s31+$0x6A60]  }
0x44: {  	v35 =	vld [tilespmem:s31+$0x6A70]  }
0x45: {  	v27 =	vld [tilespmem:s31+$0x6A80]  }
0x46: {  	v30 =	vld [tilespmem:s31+$0x6A90]  }
0x47: {  	v34 =	vld [tilespmem:s31+$0x6AA0]  }
0x48: {  	v41 =	vld [tilespmem:s31+$0x6AB0]  }
0x49: {  	v31 =	vld [tilespmem:s31+$0x6AC0]  }
0x4a: {  	v38 =	vld [tilespmem:s31+$0x6AD0]  }
0x4b: {  	v40 =	vld [tilespmem:s31+$0x6AE0]  }
0x4c: {  	v56 =	vld [tilespmem:s31+$0x6BF0]  }
0x4d: {  	v45 =	vld [tilespmem:s31+$0x6AF0]  }
0x4e: {  	v39 =	vld [tilespmem:s31+$0x6B00]  }
0x4f: {  	v42 =	vld [tilespmem:s31+$0x6B10]  }
0x50: {  	v44 =	vld [tilespmem:s31+$0x6B20]  }
0x51: {  	[tilespmem:$0x1FAF0] =	vst v56;
	v56 =	vld [tilespmem:s31+$0x6C10]  }
0x52: {  	v51 =	vld [tilespmem:s31+$0x6B30]  }
0x53: {  	v43 =	vld [tilespmem:s31+$0x6B40]  }
0x54: {  	v46 =	vld [tilespmem:s31+$0x6B50]  }
0x55: {  	v50 =	vld [tilespmem:s31+$0x6B60]  }
0x56: {  	[tilespmem:$0x1FB00] =	vst v56;
	v56 =	vld [tilespmem:s31+$0x6C20]  }
0x57: {  	v60 =	vld [tilespmem:s31+$0x6B70]  }
0x58: {  	v47 =	vld [tilespmem:s31+$0x6B80]  }
0x59: {  	v54 =	vld [tilespmem:s31+$0x6B90]  }
0x5a: {  	v55 =	vld [tilespmem:s31+$0x6BB0]  }
0x5b: {  	[tilespmem:$0x1FB10] =	vst v56;
	v56 =	vld [tilespmem:s31+$0x6C30]  }
0x5c: {  	v61 =	vld [tilespmem:s31+$0x6BA0]  }
0x5d: {  	v58 =	vld [tilespmem:s31+$0x6BD0]  }
0x5e: {  	v57 =	vld [tilespmem:s31+$0x6BE0]  }
0x5f: {  	v59 =	vld [tilespmem:s31+$0x6C00];
	[tilespmem:$0x1FAE0] =	vst v55  }
0x60: {  	v55 =	vld [tilespmem:s31+$0x6BC0];
	[tilespmem:$0x1FB30] =	vst v56  }
0x61: {  	v56 =	vld [tilespmem:s31+$0x6C40];
	_ =	sdelay $0x4  }
0x62: {  	[tilespmem:$0x1FB20] =	vst v56;
	v56 =	vld [tilespmem:s31+$0x6C50];
	_ =	sdelay $0x4  }
0x63: {  	[tilespmem:$0x1FB40] =	vst v56;
	v56 =	vld [tilespmem:s31+$0x6C60];
	_ =	sdelay $0x4  }
0x64: {  	[tilespmem:$0x1FB50] =	vst v56;
	v56 =	vld [tilespmem:s31+$0x6C70];
	_ =	sdelay $0x4  }
0x65: {  	[tilespmem:$0x1FB70] =	vst v56;
	v56 =	vld [tilespmem:s31+$0x6C80];
	_ =	sdelay $0x4  }
0x66: {  	[tilespmem:$0x1FB60] =	vst v56;
	v56 =	vld [tilespmem:s31+$0x6C90];
	_ =	sdelay $0x4  }
0x67: {  	[tilespmem:$0x1FB80] =	vst v56;
	v56 =	vld [tilespmem:s31+$0x6CA0];
	_ =	sdelay $0x4  }
0x68: {  	[tilespmem:$0x1FB90] =	vst v56;
	v56 =	vld [tilespmem:s31+$0x6CB0];
	_ =	sdelay $0x4  }
0x69: {  	[tilespmem:$0x1FBB0] =	vst v56;
	v56 =	vld [tilespmem:s31+$0x6CC0];
	_ =	sdelay $0x4  }
0x6a: {  	[tilespmem:$0x1FBA0] =	vst v56;
	v56 =	vld [tilespmem:s31+$0x6CD0];
	_ =	sdelay $0x4  }
0x6b: {  	[tilespmem:$0x1FBC0] =	vst v56;
	v56 =	vld [tilespmem:s31+$0x6CE0];
	_ =	sdelay $0x4  }
0x6c: {  	[tilespmem:$0x1FBD0] =	vst v56;
	v56 =	vld [tilespmem:s31+$0x6CF0];
	_ =	sdelay $0x4  }
0x6d: {  	[tilespmem:$0x1FBF0] =	vst v56;
	v56 =	vld [tilespmem:s31+$0x6D00];
	_ =	sdelay $0x4  }
0x6e: {  	[tilespmem:$0x1FBE0] =	vst v56;
	v56 =	vld [tilespmem:s31+$0x6D10];
	_ =	sdelay $0x4  }
0x6f: {  	[tilespmem:$0x1FC00] =	vst v56;
	v56 =	vld [tilespmem:s31+$0x6D20];
	_ =	sdelay $0x1  }
0x70: {  	v17 =	vadd.f32 v17, v3;
	v3 =	vld [tilespmem:s31+$0x6E90]  }
0x71: {  	v20 =	vadd.f32 v20, v4;
	v4 =	vld [tilespmem:s31+$0x6EA0]  }
0x72: {  	v21 =	vadd.f32 v21, v5;
	v5 =	vld [tilespmem:s31+$0x6EB0]  }
0x73: {  	v17 =	vadd.f32 v33, v17;
	[tilespmem:$0x1FC10] =	vst v56;
	v56 =	vld [tilespmem:s31+$0x6D30]  }
0x74: {  	v32 =	vadd.f32 v32, v16;
	v20 =	vadd.f32 v36, v20;
	v16 =	vld [tilespmem:s31+$0x6EC0]  }
0x75: {  	v21 =	vadd.f32 v37, v21;
	v33 =	vadd.f32 v49, v17;
	v17 =	vld [tilespmem:s31+$0x6ED0]  }
0x76: {  	v36 =	vadd.f32 v52, v20;
	v20 =	vld [tilespmem:s31+$0x6EE0]  }
0x77: {  	v32 =	vadd.f32 v48, v32;
	v37 =	vadd.f32 v53, v21;
	v21 =	vld [tilespmem:s31+$0x6EF0]  }
0x78: {  	v33 =	vadd.f32 v63, v33;
	[tilespmem:$0x1FC30] =	vst v56;
	v56 =	vld [tilespmem:s31+$0x6D40]  }
0x79: {  	v48 =	vadd.f32 v62, v32;
	v32 =	vld [tilespmem:s31+$0x6F00]  }
0x7a: {  	v1 =	vadd.f32 v1, v33;
	v33 =	vld [tilespmem:s31+$0x6F10]  }
0x7b: {  	v0 =	vadd.f32 v0, v36;
	v36 =	vld [tilespmem:s31+$0x6F20]  }
0x7c: {  	v2 =	vadd.f32 v2, v37;
	v37 =	vld [tilespmem:s31+$0x6F30]  }
0x7d: {  	v9 =	vadd.f32 v9, v48;
	[tilespmem:$0x1FC20] =	vst v56;
	v56 =	vld [tilespmem:s31+$0x6D50]  }
0x7e: {  	v48 =	vld [tilespmem:s31+$0x6F40]  }
0x7f: {  	v53 =	vadd.f32 v13, v9;
	v49 =	vld [tilespmem:s31+$0x6F50]  }
0x80: {  	v52 =	vld [tilespmem:s31+$0x6F60]  }
0x81: {  	v0 =	vadd.f32 v6, v0;
	v6 =	vadd.f32 v19, v53;
	v53 =	vld [tilespmem:s31+$0x6F70]  }
0x82: {  	[tilespmem:$0x1FC40] =	vst v56;
	v56 =	vld [tilespmem:s31+$0x6D60]  }
0x83: {  	v1 =	vadd.f32 v7, v1;
	v7 =	vld [tilespmem:s31+$0x6F80]  }
0x84: {  	v2 =	vadd.f32 v8, v2;
	v8 =	vld [tilespmem:s31+$0x6F90]  }
0x85: {  	v9 =	vld [tilespmem:s31+$0x6FA0]  }
0x86: {  	v0 =	vadd.f32 v10, v0;
	v10 =	vld [tilespmem:s31+$0x6FB0]  }
0x87: {  	[tilespmem:$0x1FC50] =	vst v56;
	v56 =	vld [tilespmem:s31+$0x6D70]  }
0x88: {  	v1 =	vadd.f32 v11, v1;
	v11 =	vld [tilespmem:s31+$0x6FC0]  }
0x89: {  	v2 =	vadd.f32 v12, v2;
	v12 =	vld [tilespmem:s31+$0x6FD0]  }
0x8a: {  	v13 =	vld [tilespmem:s31+$0x6FE0]  }
0x8b: {  	v0 =	vadd.f32 v14, v0;
	v14 =	vld [tilespmem:s31+$0x6FF0]  }
0x8c: {  	[tilespmem:$0x1FC70] =	vst v56;
	v56 =	vld [tilespmem:s31+$0x6D80]  }
0x8d: {  	v1 =	vadd.f32 v15, v1;
	v15 =	vld [tilespmem:s31+$0x7000]  }
0x8e: {  	v2 =	vadd.f32 v18, v2;
	v18 =	vld [tilespmem:s31+$0x7010]  }
0x8f: {  	v19 =	vld [tilespmem:s31+$0x7020]  }
0x90: {  	v0 =	vadd.f32 v22, v0;
	v22 =	vld [tilespmem:s31+$0x7030]  }
0x91: {  	[tilespmem:$0x1FC60] =	vst v56;
	v56 =	vld [tilespmem:s31+$0x6D90]  }
0x92: {  	v6 =	vadd.f32 v25, v6;
	v1 =	vadd.f32 v23, v1;
	v23 =	vld [tilespmem:s31+$0x7040]  }
0x93: {  	v2 =	vadd.f32 v24, v2;
	v24 =	vld [tilespmem:s31+$0x7050]  }
0x94: {  	v6 =	vadd.f32 v29, v6;
	v25 =	vld [tilespmem:s31+$0x7060]  }
0x95: {  	v0 =	vadd.f32 v26, v0;
	v2 =	vadd.f32 v28, v2;
	v26 =	vld [tilespmem:s31+$0x7070]  }
0x96: {  	v6 =	vadd.f32 v35, v6;
	[tilespmem:$0x1FC80] =	vst v56;
	v56 =	vld [tilespmem:s31+$0x6DA0]  }
0x97: {  	v28 =	vld [tilespmem:s31+$0x7090];
	v1 =	vadd.f32 v27, v1;
	v2 =	vadd.f32 v34, v2  }
0x98: {  	v62 =	vld [tilespmem:$0x1FB30];
	v0 =	vadd.f32 v30, v0;
	v6 =	vadd.f32 v41, v6  }
0x99: {  	v29 =	vld [tilespmem:s31+$0x70A0];
	v1 =	vadd.f32 v31, v1;
	v2 =	vadd.f32 v40, v2  }
0x9a: {  	v27 =	vld [tilespmem:s31+$0x7080];
	v0 =	vadd.f32 v38, v0;
	v6 =	vadd.f32 v45, v6  }
0x9b: {  	v1 =	vadd.f32 v39, v1;
	v2 =	vadd.f32 v44, v2;
	[tilespmem:$0x1FC90] =	vst v56;
	v56 =	vld [tilespmem:s31+$0x6DB0]  }
0x9c: {  	v30 =	vld [tilespmem:s31+$0x70B0];
	v0 =	vadd.f32 v42, v0;
	v6 =	vadd.f32 v51, v6  }
0x9d: {  	v31 =	vld [tilespmem:s31+$0x70C0];
	v1 =	vadd.f32 v43, v1;
	v2 =	vadd.f32 v50, v2  }
0x9e: {  	v0 =	vadd.f32 v46, v0;
	v6 =	vadd.f32 v60, v6;
	v60 =	vld [tilespmem:$0x1FB10]  }
0x9f: {  	v1 =	vadd.f32 v47, v1;
	v2 =	vadd.f32 v61, v2;
	v61 =	vld [tilespmem:$0x1FB20]  }
0xa0: {  	[tilespmem:$0x1FCB0] =	vst v56;
	v56 =	vld [tilespmem:s31+$0x6DC0]  }
0xa1: {  	v0 =	vadd.f32 v54, v0;
	v1 =	vadd.f32 v55, v1;
	v55 =	vld [tilespmem:$0x1FAE0]  }
0xa2: {  	v63 =	vld [tilespmem:$0x1FB40]  }
0xa3: {  	v0 =	vadd.f32 v58, v0;
	v58 =	vld [tilespmem:$0x1FAF0]  }
0xa4: {  	v34 =	vld [tilespmem:$0x1FB50]  }
0xa5: {  	v2 =	vadd.f32 v57, v2;
	[tilespmem:$0x1FCA0] =	vst v56;
	v56 =	vld [tilespmem:s31+$0x6DD0]  }
0xa6: {  	v1 =	vadd.f32 v59, v1;
	v59 =	vld [tilespmem:$0x1FB00];
	v6 =	vadd.f32 v55, v6  }
0xa7: {  	v2 =	vadd.f32 v60, v2;
	v38 =	vld [tilespmem:$0x1FB70]  }
0xa8: {  	v6 =	vadd.f32 v58, v6;
	v35 =	vld [tilespmem:$0x1FB60]  }
0xa9: {  	v2 =	vadd.f32 v34, v2;
	v34 =	vld [tilespmem:s31+$0x70D0]  }
0xaa: {  	v6 =	vadd.f32 v62, v6;
	[tilespmem:$0x1FCC0] =	vst v56;
	v56 =	vld [tilespmem:s31+$0x6DE0]  }
0xab: {  	v1 =	vadd.f32 v61, v1;
	v39 =	vld [tilespmem:$0x1FB80]  }
0xac: {  	v0 =	vadd.f32 v59, v0;
	v6 =	vadd.f32 v38, v6;
	v38 =	vld [tilespmem:s31+$0x70F0]  }
0xad: {  	v1 =	vadd.f32 v35, v1;
	v35 =	vld [tilespmem:s31+$0x70E0]  }
0xae: {  	v0 =	vadd.f32 v63, v0;
	v40 =	vld [tilespmem:$0x1FB90]  }
0xaf: {  	[tilespmem:$0x1FCD0] =	vst v56;
	v56 =	vld [tilespmem:s31+$0x6DF0]  }
0xb0: {  	v0 =	vadd.f32 v39, v0;
	v39 =	vld [tilespmem:s31+$0x7100]  }
0xb1: {  	v42 =	vld [tilespmem:$0x1FBB0]  }
0xb2: {  	v41 =	vld [tilespmem:$0x1FBA0]  }
0xb3: {  	v2 =	vadd.f32 v40, v2;
	v40 =	vld [tilespmem:s31+$0x7110]  }
0xb4: {  	[tilespmem:$0x1FCF0] =	vst v56;
	v56 =	vld [tilespmem:s31+$0x6E00]  }
0xb5: {  	v43 =	vld [tilespmem:$0x1FBC0]  }
0xb6: {  	v6 =	vadd.f32 v42, v6;
	v42 =	vld [tilespmem:s31+$0x7130]  }
0xb7: {  	v1 =	vadd.f32 v41, v1;
	v41 =	vld [tilespmem:s31+$0x7120]  }
0xb8: {  	v44 =	vld [tilespmem:$0x1FBD0]  }
0xb9: {  	[tilespmem:$0x1FCE0] =	vst v56;
	v56 =	vld [tilespmem:s31+$0x6E10]  }
0xba: {  	v0 =	vadd.f32 v43, v0;
	v43 =	vld [tilespmem:s31+$0x7140]  }
0xbb: {  	v46 =	vld [tilespmem:$0x1FBF0]  }
0xbc: {  	v45 =	vld [tilespmem:$0x1FBE0]  }
0xbd: {  	v2 =	vadd.f32 v44, v2;
	v44 =	vld [tilespmem:s31+$0x7150]  }
0xbe: {  	[tilespmem:$0x1FD00] =	vst v56;
	v56 =	vld [tilespmem:s31+$0x6E20]  }
0xbf: {  	v47 =	vld [tilespmem:$0x1FC00]  }
0xc0: {  	v6 =	vadd.f32 v46, v6;
	v46 =	vld [tilespmem:s31+$0x7170]  }
0xc1: {  	v1 =	vadd.f32 v45, v1;
	v45 =	vld [tilespmem:s31+$0x7160]  }
0xc2: {  	v50 =	vld [tilespmem:$0x1FC10]  }
0xc3: {  	[tilespmem:$0x1FD10] =	vst v56;
	v56 =	vld [tilespmem:s31+$0x6E30]  }
0xc4: {  	v0 =	vadd.f32 v47, v0;
	v47 =	vld [tilespmem:s31+$0x7180]  }
0xc5: {  	v54 =	vld [tilespmem:$0x1FC30]  }
0xc6: {  	v51 =	vld [tilespmem:$0x1FC20]  }
0xc7: {  	v55 =	vld [tilespmem:$0x1FC40]  }
0xc8: {  	[tilespmem:$0x1FD30] =	vst v56;
	v56 =	vld [tilespmem:s31+$0x6E40]  }
0xc9: {  	v57 =	vld [tilespmem:$0x1FC50]  }
0xca: {  	v59 =	vld [tilespmem:$0x1FC70]  }
0xcb: {  	v58 =	vld [tilespmem:$0x1FC60]  }
0xcc: {  	v60 =	vld [tilespmem:$0x1FC80]  }
0xcd: {  	[tilespmem:$0x1FD20] =	vst v56;
	v56 =	vld [tilespmem:s31+$0x6E50]  }
0xce: {  	v61 =	vld [tilespmem:$0x1FC90]  }
0xcf: {  	v63 =	vld [tilespmem:$0x1FCB0]  }
0xd0: {  	v62 =	vld [tilespmem:$0x1FCA0]  }
0xd1: {  	v2 =	vadd.f32 v50, v2;
	v50 =	vld [tilespmem:$0x1FCC0]  }
0xd2: {  	[tilespmem:$0x1FD40] =	vst v56;
	v56 =	vld [tilespmem:s31+$0x6E60]  }
0xd3: {  	v1 =	vadd.f32 v51, v1;
	v51 =	vld [tilespmem:$0x1FCD0]  }
0xd4: {  	v0 =	vadd.f32 v55, v0;
	v55 =	vld [tilespmem:$0x1FCF0]  }
0xd5: {  	v6 =	vadd.f32 v54, v6;
	v54 =	vld [tilespmem:$0x1FCE0]  }
0xd6: {  	v2 =	vadd.f32 v57, v2;
	v57 =	vld [tilespmem:$0x1FD00]  }
0xd7: {  	[tilespmem:$0x1FD50] =	vst v56;
	v56 =	vld [tilespmem:s31+$0x6E70]  }
0xd8: {  	v1 =	vadd.f32 v58, v1;
	v58 =	vld [tilespmem:$0x1FD10]  }
0xd9: {  	v0 =	vadd.f32 v60, v0;
	v60 =	vld [tilespmem:$0x1FD30]  }
0xda: {  	v6 =	vadd.f32 v59, v6;
	v2 =	vadd.f32 v61, v2;
	v61 =	vld [tilespmem:$0x1FD40]  }
0xdb: {  	v1 =	vadd.f32 v62, v1;
	v0 =	vadd.f32 v50, v0;
	v62 =	vld [tilespmem:$0x1FD50]  }
0xdc: {  	v6 =	vadd.f32 v63, v6;
	v2 =	vadd.f32 v51, v2;
	v59 =	vld [tilespmem:$0x1FD20];
	[tilespmem:$0x1FD60] =	vst v56  }
0xdd: {  	v0 =	vadd.f32 v57, v0;
	v63 =	vld [tilespmem:$0x1FD60]  }
0xde: {  	v6 =	vadd.f32 v55, v6;
	v2 =	vadd.f32 v58, v2;
	v56 =	vld [tilespmem:s31+$0x6E80]  }
0xdf: {  	v50 =	vld [tilespmem:s31+$0x7190];
	v1 =	vadd.f32 v54, v1;
	v0 =	vadd.f32 v61, v0  }
0xe0: {  	v51 =	vld [tilespmem:s31+$0x71A0];
	v6 =	vadd.f32 v60, v6;
	v2 =	vadd.f32 v62, v2  }
0xe1: {  	v55 =	vld [tilespmem:s31+$0x7260];
	v1 =	vadd.f32 v59, v1;
	v0 =	vadd.f32 v3, v0  }
0xe2: {  	v54 =	vld [tilespmem:s31+$0x71B0];
	v2 =	vadd.f32 v4, v2;
	v6 =	vadd.f32 v63, v6  }
0xe3: {  	v57 =	vld [tilespmem:s31+$0x7280];
	v0 =	vadd.f32 v17, v0;
	v1 =	vadd.f32 v56, v1  }
0xe4: {  	v58 =	vld [tilespmem:s31+$0x7290];
	v2 =	vadd.f32 v20, v2;
	v5 =	vadd.f32 v5, v6  }
0xe5: {  	v60 =	vld [tilespmem:s31+$0x72B0];
	v0 =	vadd.f32 v33, v0;
	v1 =	vadd.f32 v16, v1  }
0xe6: {  	v59 =	vld [tilespmem:s31+$0x72A0];
	v2 =	vadd.f32 v36, v2;
	v5 =	vadd.f32 v21, v5  }
0xe7: {  	v61 =	vld [tilespmem:s31+$0x72C0];
	v0 =	vadd.f32 v49, v0;
	v1 =	vadd.f32 v32, v1  }
0xe8: {  	v3 =	vld [tilespmem:s31+$0x71C0];
	v2 =	vadd.f32 v52, v2;
	v5 =	vadd.f32 v37, v5  }
0xe9: {  	v17 =	vld [tilespmem:s31+$0x7200];
	v0 =	vadd.f32 v8, v0;
	v1 =	vadd.f32 v48, v1  }
0xea: {  	v62 =	vld [tilespmem:s31+$0x72D0];
	v2 =	vadd.f32 v9, v2;
	v5 =	vadd.f32 v53, v5  }
0xeb: {  	v33 =	vld [tilespmem:s31+$0x7300];
	v0 =	vadd.f32 v12, v0;
	v1 =	vadd.f32 v7, v1  }
0xec: {  	v4 =	vld [tilespmem:s31+$0x71D0];
	v2 =	vadd.f32 v13, v2;
	v5 =	vadd.f32 v10, v5  }
0xed: {  	v49 =	vld [tilespmem:s31+$0x7230];
	v0 =	vadd.f32 v18, v0;
	v1 =	vadd.f32 v11, v1  }
0xee: {  	v20 =	vld [tilespmem:s31+$0x7210];
	v2 =	vadd.f32 v19, v2;
	v5 =	vadd.f32 v14, v5  }
0xef: {  	v56 =	vld [tilespmem:s31+$0x7270];
	v0 =	vadd.f32 v24, v0;
	v1 =	vadd.f32 v15, v1  }
0xf0: {  	v63 =	vld [tilespmem:s31+$0x72E0];
	v2 =	vadd.f32 v25, v2;
	v5 =	vadd.f32 v22, v5  }
0xf1: {  	v16 =	vld [tilespmem:s31+$0x71F0];
	v0 =	vadd.f32 v28, v0;
	v1 =	vadd.f32 v23, v1  }
0xf2: {  	v36 =	vld [tilespmem:s31+$0x7330];
	v2 =	vadd.f32 v29, v2;
	v5 =	vadd.f32 v26, v5  }
0xf3: {  	v6 =	vld [tilespmem:s31+$0x71E0];
	v0 =	vadd.f32 v34, v0;
	v1 =	vadd.f32 v27, v1  }
0xf4: {  	v52 =	vld [tilespmem:s31+$0x7240];
	v2 =	vadd.f32 v35, v2;
	v5 =	vadd.f32 v30, v5  }
0xf5: {  	v32 =	vld [tilespmem:s31+$0x72F0];
	v0 =	vadd.f32 v40, v0;
	v1 =	vadd.f32 v31, v1  }
0xf6: {  	v48 =	vld [tilespmem:s31+$0x7220];
	v2 =	vadd.f32 v41, v2;
	v5 =	vadd.f32 v38, v5  }
0xf7: {  	v37 =	vld [tilespmem:s31+$0x7340];
	v0 =	vadd.f32 v44, v0;
	v1 =	vadd.f32 v39, v1  }
0xf8: {  	v53 =	vld [tilespmem:s31+$0x7250];
	v2 =	vadd.f32 v45, v2;
	v5 =	vadd.f32 v42, v5  }
0xf9: {  	v34 =	vld [tilespmem:s31+$0x7310];
	v0 =	vadd.f32 v50, v0;
	v1 =	vadd.f32 v43, v1  }
0xfa: {  	v40 =	vld [tilespmem:s31+$0x7370];
	v2 =	vadd.f32 v51, v2;
	v5 =	vadd.f32 v46, v5  }
0xfb: {  	v44 =	vld [tilespmem:s31+$0x73B0];
	v0 =	vadd.f32 v4, v0;
	v1 =	vadd.f32 v47, v1  }
0xfc: {  	v35 =	vld [tilespmem:s31+$0x7320];
	v2 =	vadd.f32 v6, v2;
	v5 =	vadd.f32 v54, v5  }
0xfd: {  	v50 =	vld [tilespmem:s31+$0x7410];
	v0 =	vadd.f32 v20, v0;
	v1 =	vadd.f32 v3, v1  }
0xfe: {  	v41 =	vld [tilespmem:s31+$0x7380];
	v2 =	vadd.f32 v48, v2;
	v5 =	vadd.f32 v16, v5  }
0xff: {  	v39 =	vld [tilespmem:s31+$0x7360];
	v0 =	vadd.f32 v53, v0;
	v1 =	vadd.f32 v17, v1  }
0x100: {  	v45 =	vld [tilespmem:s31+$0x73C0];
	v2 =	vadd.f32 v55, v2;
	v5 =	vadd.f32 v49, v5  }
0x101: {  	v38 =	vld [tilespmem:s31+$0x7350];
	v0 =	vadd.f32 v58, v0;
	v1 =	vadd.f32 v52, v1  }
0x102: {  	v43 =	vld [tilespmem:s31+$0x73A0];
	v2 =	vadd.f32 v59, v2;
	v5 =	vadd.f32 v56, v5  }
0x103: {  	v51 =	vld [tilespmem:s31+$0x7420];
	v0 =	vadd.f32 v62, v0;
	v1 =	vadd.f32 v57, v1  }
0x104: {  	v42 =	vld [tilespmem:s31+$0x7390];
	v2 =	vadd.f32 v63, v2;
	v5 =	vadd.f32 v60, v5  }
0x105: {  	v47 =	vld [tilespmem:s31+$0x73E0];
	v0 =	vadd.f32 v34, v0;
	v1 =	vadd.f32 v61, v1  }
0x106: {  	v46 =	vld [tilespmem:s31+$0x73D0];
	v2 =	vadd.f32 v35, v2;
	v5 =	vadd.f32 v32, v5  }
0x107: {  	v48 =	vld [tilespmem:s31+$0x73F0];
	v0 =	vadd.f32 v38, v0;
	v1 =	vadd.f32 v33, v1  }
0x108: {  	v54 =	vld [tilespmem:s31+$0x7450];
	v2 =	vadd.f32 v39, v2;
	v5 =	vadd.f32 v36, v5  }
0x109: {  	v55 =	vld [tilespmem:s31+$0x7460];
	v0 =	vadd.f32 v42, v0;
	v1 =	vadd.f32 v37, v1  }
0x10a: {  	v49 =	vld [tilespmem:s31+$0x7400];
	v2 =	vadd.f32 v43, v2;
	v5 =	vadd.f32 v40, v5  }
0x10b: {  	v52 =	vld [tilespmem:s31+$0x7430];
	v0 =	vadd.f32 v46, v0;
	v1 =	vadd.f32 v41, v1  }
0x10c: {  	v53 =	vld [tilespmem:s31+$0x7440];
	v2 =	vadd.f32 v47, v2;
	v5 =	vadd.f32 v44, v5  }
0x10d: {  	v56 =	vld [tilespmem:s31+$0x7470];
	v0 =	vadd.f32 v50, v0;
	v1 =	vadd.f32 v45, v1  }
0x10e: {  	v2 =	vadd.f32 v51, v2;
	v5 =	vadd.f32 v48, v5  }
0x10f: {  	v0 =	vadd.f32 v54, v0;
	v1 =	vadd.f32 v49, v1  }
0x110: {  	v2 =	vadd.f32 v55, v2;
	v57 =	vadd.f32 v52, v5  }
0x111: {  	[tilespmem:s18+$0xFFFFFFD0] =	vst v0;
	v1 =	vadd.f32 v53, v1  }
0x112: {  	[tilespmem:s18+$0xFFFFFFE0] =	vst v2;
	v58 =	vadd.f32 v56, v57  }
0x113: {  	[tilespmem:s18+$0xFFFFFFC0] =	vst v1  }
0x114: {  	[tilespmem:s18+$0xFFFFFFF0] =	vst v58  }
0x115: {  	v56 =	vld [tilespmem:s31+$0x7870];
	_ =	sdelay $0x4  }
0x116: {  	[tilespmem:$0x1FD80] =	vst v56;
	v56 =	vld [tilespmem:s31+$0x7890];
	_ =	sdelay $0x4  }
0x117: {  	[tilespmem:$0x1FD90] =	vst v56;
	v56 =	vld [tilespmem:s31+$0x78A0];
	_ =	sdelay $0x1  }
0x118: {  	v3 =	vld [tilespmem:s31+$0x7480]  }
0x119: {  	v4 =	vld [tilespmem:s31+$0x7490]  }
0x11a: {  	v5 =	vld [tilespmem:s31+$0x74A0]  }
0x11b: {  	[tilespmem:$0x1FDA0] =	vst v56;
	v56 =	vld [tilespmem:s31+$0x78B0]  }
0x11c: {  	v16 =	vld [tilespmem:s31+$0x74B0]  }
0x11d: {  	v17 =	vld [tilespmem:s31+$0x74C0]  }
0x11e: {  	v20 =	vld [tilespmem:s31+$0x74D0]  }
0x11f: {  	v21 =	vld [tilespmem:s31+$0x74E0]  }
0x120: {  	[tilespmem:$0x1FDC0] =	vst v56;
	v56 =	vld [tilespmem:s31+$0x78C0]  }
0x121: {  	v32 =	vld [tilespmem:s31+$0x74F0]  }
0x122: {  	v33 =	vld [tilespmem:s31+$0x7500]  }
0x123: {  	v36 =	vld [tilespmem:s31+$0x7510]  }
0x124: {  	v37 =	vld [tilespmem:s31+$0x7520]  }
0x125: {  	[tilespmem:$0x1FDB0] =	vst v56;
	v56 =	vld [tilespmem:s31+$0x78D0]  }
0x126: {  	v48 =	vld [tilespmem:s31+$0x7530]  }
0x127: {  	v49 =	vld [tilespmem:s31+$0x7540]  }
0x128: {  	v52 =	vld [tilespmem:s31+$0x7550]  }
0x129: {  	v53 =	vld [tilespmem:s31+$0x7560]  }
0x12a: {  	[tilespmem:$0x1FDD0] =	vst v56;
	v56 =	vld [tilespmem:s31+$0x78E0]  }
0x12b: {  	v62 =	vld [tilespmem:s31+$0x7570]  }
0x12c: {  	v63 =	vld [tilespmem:s31+$0x7580]  }
0x12d: {  	v0 =	vld [tilespmem:s31+$0x7590]  }
0x12e: {  	v2 =	vld [tilespmem:s31+$0x75A0]  }
0x12f: {  	[tilespmem:$0x1FDE0] =	vst v56;
	v56 =	vld [tilespmem:s31+$0x78F0]  }
0x130: {  	v9 =	vld [tilespmem:s31+$0x75B0]  }
0x131: {  	v1 =	vld [tilespmem:s31+$0x75C0]  }
0x132: {  	v6 =	vld [tilespmem:s31+$0x75D0]  }
0x133: {  	v8 =	vld [tilespmem:s31+$0x75E0]  }
0x134: {  	[tilespmem:$0x1FE00] =	vst v56;
	v56 =	vld [tilespmem:s31+$0x7900]  }
0x135: {  	v13 =	vld [tilespmem:s31+$0x75F0]  }
0x136: {  	v7 =	vld [tilespmem:s31+$0x7600]  }
0x137: {  	v10 =	vld [tilespmem:s31+$0x7610]  }
0x138: {  	v12 =	vld [tilespmem:s31+$0x7620]  }
0x139: {  	[tilespmem:$0x1FDF0] =	vst v56;
	v56 =	vld [tilespmem:s31+$0x7910]  }
0x13a: {  	v19 =	vld [tilespmem:s31+$0x7630]  }
0x13b: {  	v11 =	vld [tilespmem:s31+$0x7640]  }
0x13c: {  	v14 =	vld [tilespmem:s31+$0x7650]  }
0x13d: {  	v18 =	vld [tilespmem:s31+$0x7660]  }
0x13e: {  	[tilespmem:$0x1FE10] =	vst v56;
	v56 =	vld [tilespmem:s31+$0x7920]  }
0x13f: {  	v25 =	vld [tilespmem:s31+$0x7670]  }
0x140: {  	v15 =	vld [tilespmem:s31+$0x7680]  }
0x141: {  	v22 =	vld [tilespmem:s31+$0x7690]  }
0x142: {  	v24 =	vld [tilespmem:s31+$0x76A0]  }
0x143: {  	[tilespmem:$0x1FE20] =	vst v56;
	v56 =	vld [tilespmem:s31+$0x7930]  }
0x144: {  	v29 =	vld [tilespmem:s31+$0x76B0]  }
0x145: {  	v23 =	vld [tilespmem:s31+$0x76C0]  }
0x146: {  	v26 =	vld [tilespmem:s31+$0x76D0]  }
0x147: {  	v28 =	vld [tilespmem:s31+$0x76E0]  }
0x148: {  	[tilespmem:$0x1FE40] =	vst v56;
	v56 =	vld [tilespmem:s31+$0x7940]  }
0x149: {  	v35 =	vld [tilespmem:s31+$0x76F0]  }
0x14a: {  	v27 =	vld [tilespmem:s31+$0x7700]  }
0x14b: {  	v30 =	vld [tilespmem:s31+$0x7710]  }
0x14c: {  	v34 =	vld [tilespmem:s31+$0x7720]  }
0x14d: {  	[tilespmem:$0x1FE30] =	vst v56;
	v56 =	vld [tilespmem:s31+$0x7950]  }
0x14e: {  	v41 =	vld [tilespmem:s31+$0x7730]  }
0x14f: {  	v31 =	vld [tilespmem:s31+$0x7740]  }
0x150: {  	v38 =	vld [tilespmem:s31+$0x7750]  }
0x151: {  	v40 =	vld [tilespmem:s31+$0x7760]  }
0x152: {  	[tilespmem:$0x1FE50] =	vst v56;
	v56 =	vld [tilespmem:s31+$0x7960]  }
0x153: {  	v45 =	vld [tilespmem:s31+$0x7770]  }
0x154: {  	v39 =	vld [tilespmem:s31+$0x7780]  }
0x155: {  	v42 =	vld [tilespmem:s31+$0x7790]  }
0x156: {  	v44 =	vld [tilespmem:s31+$0x77A0]  }
0x157: {  	[tilespmem:$0x1FE60] =	vst v56;
	v56 =	vld [tilespmem:s31+$0x7970]  }
0x158: {  	v51 =	vld [tilespmem:s31+$0x77B0]  }
0x159: {  	v43 =	vld [tilespmem:s31+$0x77C0]  }
0x15a: {  	v46 =	vld [tilespmem:s31+$0x77D0]  }
0x15b: {  	v50 =	vld [tilespmem:s31+$0x77E0]  }
0x15c: {  	[tilespmem:$0x1FE80] =	vst v56;
	v56 =	vld [tilespmem:s31+$0x7980]  }
0x15d: {  	v60 =	vld [tilespmem:s31+$0x77F0]  }
0x15e: {  	v47 =	vld [tilespmem:s31+$0x7800]  }
0x15f: {  	v54 =	vld [tilespmem:s31+$0x7810]  }
0x160: {  	v61 =	vld [tilespmem:s31+$0x7820]  }
0x161: {  	[tilespmem:$0x1FE70] =	vst v56;
	v56 =	vld [tilespmem:s31+$0x7990]  }
0x162: {  	v59 =	vld [tilespmem:s31+$0x7830]  }
0x163: {  	v55 =	vld [tilespmem:s31+$0x7840]  }
0x164: {  	v58 =	vld [tilespmem:s31+$0x7850]  }
0x165: {  	v57 =	vld [tilespmem:s31+$0x7860]  }
0x166: {  	[tilespmem:$0x1FE90] =	vst v56;
	v56 =	vld [tilespmem:s31+$0x79A0]  }
0x167: {  	[tilespmem:$0x1FD70] =	vst v59;
	v59 =	vld [tilespmem:s31+$0x7880]  }
0x168: {  	v17 =	vadd.f32 v17, v3;
	v3 =	vld [tilespmem:s31+$0x7B10]  }
0x169: {  	v20 =	vadd.f32 v20, v4;
	v4 =	vld [tilespmem:s31+$0x7B20]  }
0x16a: {  	v21 =	vadd.f32 v21, v5;
	v5 =	vld [tilespmem:s31+$0x7B30]  }
0x16b: {  	v17 =	vadd.f32 v33, v17;
	[tilespmem:$0x1FEA0] =	vst v56;
	v56 =	vld [tilespmem:s31+$0x79B0]  }
0x16c: {  	v32 =	vadd.f32 v32, v16;
	v16 =	vld [tilespmem:s31+$0x7B40];
	v20 =	vadd.f32 v36, v20  }
0x16d: {  	v21 =	vadd.f32 v37, v21;
	v33 =	vadd.f32 v49, v17;
	v17 =	vld [tilespmem:s31+$0x7B50]  }
0x16e: {  	v36 =	vadd.f32 v52, v20;
	v20 =	vld [tilespmem:s31+$0x7B60]  }
0x16f: {  	v32 =	vadd.f32 v48, v32;
	v37 =	vadd.f32 v53, v21;
	v21 =	vld [tilespmem:s31+$0x7B70]  }
0x170: {  	[tilespmem:$0x1FEC0] =	vst v56;
	v56 =	vld [tilespmem:s31+$0x79C0]  }
0x171: {  	v48 =	vadd.f32 v62, v32;
	v32 =	vld [tilespmem:s31+$0x7B80]  }
0x172: {  	v49 =	vld [tilespmem:s31+$0x7BD0]  }
0x173: {  	v52 =	vld [tilespmem:s31+$0x7BE0]  }
0x174: {  	v0 =	vadd.f32 v0, v36;
	v36 =	vld [tilespmem:s31+$0x7BA0]  }
0x175: {  	[tilespmem:$0x1FEB0] =	vst v56;
	v56 =	vld [tilespmem:s31+$0x79D0]  }
0x176: {  	v33 =	vadd.f32 v63, v33;
	v2 =	vadd.f32 v2, v37;
	v37 =	vld [tilespmem:s31+$0x7BB0]  }
0x177: {  	v9 =	vadd.f32 v9, v48;
	v48 =	vld [tilespmem:s31+$0x7BC0]  }
0x178: {  	v1 =	vadd.f32 v1, v33;
	v33 =	vld [tilespmem:s31+$0x7B90]  }
0x179: {  	v2 =	vadd.f32 v8, v2;
	v8 =	vld [tilespmem:s31+$0x7C10]  }
0x17a: {  	[tilespmem:$0x1FED0] =	vst v56;
	v56 =	vld [tilespmem:s31+$0x79E0]  }
0x17b: {  	v53 =	vadd.f32 v13, v9;
	v9 =	vld [tilespmem:s31+$0x7C20]  }
0x17c: {  	v13 =	vld [tilespmem:s31+$0x7C60]  }
0x17d: {  	v0 =	vadd.f32 v6, v0;
	v6 =	vadd.f32 v19, v53;
	v53 =	vld [tilespmem:s31+$0x7BF0]  }
0x17e: {  	v1 =	vadd.f32 v7, v1;
	v7 =	vld [tilespmem:s31+$0x7C00]  }
0x17f: {  	[tilespmem:$0x1FEE0] =	vst v56;
	v56 =	vld [tilespmem:s31+$0x79F0]  }
0x180: {  	v0 =	vadd.f32 v10, v0;
	v10 =	vld [tilespmem:s31+$0x7C30]  }
0x181: {  	v2 =	vadd.f32 v12, v2;
	v12 =	vld [tilespmem:s31+$0x7C50]  }
0x182: {  	v19 =	vld [tilespmem:s31+$0x7CA0]  }
0x183: {  	v1 =	vadd.f32 v11, v1;
	v11 =	vld [tilespmem:s31+$0x7C40]  }
0x184: {  	[tilespmem:$0x1FF00] =	vst v56;
	v56 =	vld [tilespmem:s31+$0x7A00]  }
0x185: {  	v0 =	vadd.f32 v14, v0;
	v14 =	vld [tilespmem:s31+$0x7C70]  }
0x186: {  	v2 =	vadd.f32 v18, v2;
	v18 =	vld [tilespmem:s31+$0x7C90]  }
0x187: {  	v6 =	vadd.f32 v25, v6;
	v25 =	vld [tilespmem:s31+$0x7CE0]  }
0x188: {  	v1 =	vadd.f32 v15, v1;
	v15 =	vld [tilespmem:s31+$0x7C80]  }
0x189: {  	[tilespmem:$0x1FEF0] =	vst v56;
	v56 =	vld [tilespmem:s31+$0x7A10]  }
0x18a: {  	v0 =	vadd.f32 v22, v0;
	v22 =	vld [tilespmem:s31+$0x7CB0]  }
0x18b: {  	v2 =	vadd.f32 v24, v2;
	v24 =	vld [tilespmem:s31+$0x7CD0]  }
0x18c: {  	v6 =	vadd.f32 v29, v6;
	v29 =	vld [tilespmem:s31+$0x7D20]  }
0x18d: {  	v1 =	vadd.f32 v23, v1;
	v2 =	vadd.f32 v28, v2;
	v23 =	vld [tilespmem:s31+$0x7CC0]  }
0x18e: {  	v0 =	vadd.f32 v26, v0;
	v6 =	vadd.f32 v35, v6;
	[tilespmem:$0x1FF10] =	vst v56;
	v56 =	vld [tilespmem:s31+$0x7A20]  }
0x18f: {  	v26 =	vld [tilespmem:s31+$0x7CF0];
	v1 =	vadd.f32 v27, v1;
	v2 =	vadd.f32 v34, v2  }
0x190: {  	v28 =	vld [tilespmem:s31+$0x7D10];
	v0 =	vadd.f32 v30, v0;
	v6 =	vadd.f32 v41, v6  }
0x191: {  	v62 =	vld [tilespmem:$0x1FDC0];
	v1 =	vadd.f32 v31, v1;
	v2 =	vadd.f32 v40, v2  }
0x192: {  	v27 =	vld [tilespmem:s31+$0x7D00];
	v0 =	vadd.f32 v38, v0;
	v6 =	vadd.f32 v45, v6  }
0x193: {  	v1 =	vadd.f32 v39, v1;
	v2 =	vadd.f32 v44, v2;
	[tilespmem:$0x1FF20] =	vst v56;
	v56 =	vld [tilespmem:s31+$0x7A30]  }
0x194: {  	v30 =	vld [tilespmem:s31+$0x7D30];
	v0 =	vadd.f32 v42, v0;
	v6 =	vadd.f32 v51, v6  }
0x195: {  	v31 =	vld [tilespmem:s31+$0x7D40];
	v1 =	vadd.f32 v43, v1;
	v2 =	vadd.f32 v50, v2  }
0x196: {  	v0 =	vadd.f32 v46, v0;
	v6 =	vadd.f32 v60, v6;
	v60 =	vld [tilespmem:$0x1FDA0]  }
0x197: {  	v1 =	vadd.f32 v47, v1;
	v2 =	vadd.f32 v61, v2;
	v61 =	vld [tilespmem:$0x1FDB0]  }
0x198: {  	[tilespmem:$0x1FF40] =	vst v56;
	v56 =	vld [tilespmem:s31+$0x7A40]  }
0x199: {  	v0 =	vadd.f32 v54, v0;
	v1 =	vadd.f32 v55, v1;
	v55 =	vld [tilespmem:$0x1FD70]  }
0x19a: {  	v63 =	vld [tilespmem:$0x1FDD0]  }
0x19b: {  	v0 =	vadd.f32 v58, v0;
	v58 =	vld [tilespmem:$0x1FD80]  }
0x19c: {  	v34 =	vld [tilespmem:$0x1FDE0]  }
0x19d: {  	v2 =	vadd.f32 v57, v2;
	[tilespmem:$0x1FF30] =	vst v56;
	v56 =	vld [tilespmem:s31+$0x7A50]  }
0x19e: {  	v1 =	vadd.f32 v59, v1;
	v59 =	vld [tilespmem:$0x1FD90];
	v6 =	vadd.f32 v55, v6  }
0x19f: {  	v2 =	vadd.f32 v60, v2;
	v38 =	vld [tilespmem:$0x1FE00]  }
0x1a0: {  	v6 =	vadd.f32 v58, v6;
	v35 =	vld [tilespmem:$0x1FDF0]  }
0x1a1: {  	v2 =	vadd.f32 v34, v2;
	v34 =	vld [tilespmem:s31+$0x7D50]  }
0x1a2: {  	v6 =	vadd.f32 v62, v6;
	[tilespmem:$0x1FF50] =	vst v56;
	v56 =	vld [tilespmem:s31+$0x7A60]  }
0x1a3: {  	v1 =	vadd.f32 v61, v1;
	v39 =	vld [tilespmem:$0x1FE10]  }
0x1a4: {  	v0 =	vadd.f32 v59, v0;
	v6 =	vadd.f32 v38, v6;
	v38 =	vld [tilespmem:s31+$0x7D70]  }
0x1a5: {  	v1 =	vadd.f32 v35, v1;
	v35 =	vld [tilespmem:s31+$0x7D60]  }
0x1a6: {  	v0 =	vadd.f32 v63, v0;
	v40 =	vld [tilespmem:$0x1FE20]  }
0x1a7: {  	[tilespmem:$0x1FF60] =	vst v56;
	v56 =	vld [tilespmem:s31+$0x7A70]  }
0x1a8: {  	v0 =	vadd.f32 v39, v0;
	v39 =	vld [tilespmem:s31+$0x7D80]  }
0x1a9: {  	v42 =	vld [tilespmem:$0x1FE40]  }
0x1aa: {  	v41 =	vld [tilespmem:$0x1FE30]  }
0x1ab: {  	v2 =	vadd.f32 v40, v2;
	v40 =	vld [tilespmem:s31+$0x7D90]  }
0x1ac: {  	[tilespmem:$0x1FF80] =	vst v56;
	v56 =	vld [tilespmem:s31+$0x7A80]  }
0x1ad: {  	v43 =	vld [tilespmem:$0x1FE50]  }
0x1ae: {  	v6 =	vadd.f32 v42, v6;
	v42 =	vld [tilespmem:s31+$0x7DB0]  }
0x1af: {  	v1 =	vadd.f32 v41, v1;
	v41 =	vld [tilespmem:s31+$0x7DA0]  }
0x1b0: {  	v44 =	vld [tilespmem:$0x1FE60]  }
0x1b1: {  	[tilespmem:$0x1FF70] =	vst v56;
	v56 =	vld [tilespmem:s31+$0x7A90]  }
0x1b2: {  	v0 =	vadd.f32 v43, v0;
	v43 =	vld [tilespmem:s31+$0x7DC0]  }
0x1b3: {  	v46 =	vld [tilespmem:$0x1FE80]  }
0x1b4: {  	v45 =	vld [tilespmem:$0x1FE70]  }
0x1b5: {  	v2 =	vadd.f32 v44, v2;
	v44 =	vld [tilespmem:s31+$0x7DD0]  }
0x1b6: {  	[tilespmem:$0x1FF90] =	vst v56;
	v56 =	vld [tilespmem:s31+$0x7AA0]  }
0x1b7: {  	v47 =	vld [tilespmem:$0x1FE90]  }
0x1b8: {  	v6 =	vadd.f32 v46, v6;
	v46 =	vld [tilespmem:s31+$0x7DF0]  }
0x1b9: {  	v1 =	vadd.f32 v45, v1;
	v45 =	vld [tilespmem:s31+$0x7DE0]  }
0x1ba: {  	v50 =	vld [tilespmem:$0x1FEA0]  }
0x1bb: {  	[tilespmem:$0x1FFA0] =	vst v56;
	v56 =	vld [tilespmem:s31+$0x7AB0]  }
0x1bc: {  	v0 =	vadd.f32 v47, v0;
	v47 =	vld [tilespmem:s31+$0x7E00]  }
0x1bd: {  	v54 =	vld [tilespmem:$0x1FEC0]  }
0x1be: {  	v51 =	vld [tilespmem:$0x1FEB0]  }
0x1bf: {  	v55 =	vld [tilespmem:$0x1FED0]  }
0x1c0: {  	[tilespmem:$0x1FFC0] =	vst v56;
	v56 =	vld [tilespmem:s31+$0x7AC0]  }
0x1c1: {  	v57 =	vld [tilespmem:$0x1FEE0]  }
0x1c2: {  	v59 =	vld [tilespmem:$0x1FF00]  }
0x1c3: {  	v58 =	vld [tilespmem:$0x1FEF0]  }
0x1c4: {  	v60 =	vld [tilespmem:$0x1FF10]  }
0x1c5: {  	[tilespmem:$0x1FFB0] =	vst v56;
	v56 =	vld [tilespmem:s31+$0x7AD0]  }
0x1c6: {  	v61 =	vld [tilespmem:$0x1FF20]  }
0x1c7: {  	v63 =	vld [tilespmem:$0x1FF40]  }
0x1c8: {  	v62 =	vld [tilespmem:$0x1FF30]  }
0x1c9: {  	v2 =	vadd.f32 v50, v2;
	v50 =	vld [tilespmem:$0x1FF50]  }
0x1ca: {  	[tilespmem:$0x1FFD0] =	vst v56;
	v56 =	vld [tilespmem:s31+$0x7AE0]  }
0x1cb: {  	v1 =	vadd.f32 v51, v1;
	v51 =	vld [tilespmem:$0x1FF60]  }
0x1cc: {  	v0 =	vadd.f32 v55, v0;
	v55 =	vld [tilespmem:$0x1FF80]  }
0x1cd: {  	v6 =	vadd.f32 v54, v6;
	v54 =	vld [tilespmem:$0x1FF70]  }
0x1ce: {  	v2 =	vadd.f32 v57, v2;
	v57 =	vld [tilespmem:$0x1FF90]  }
0x1cf: {  	[tilespmem:$0x1FFE0] =	vst v56;
	v56 =	vld [tilespmem:s31+$0x7AF0]  }
0x1d0: {  	v1 =	vadd.f32 v58, v1;
	v58 =	vld [tilespmem:$0x1FFA0]  }
0x1d1: {  	v0 =	vadd.f32 v60, v0;
	v60 =	vld [tilespmem:$0x1FFC0]  }
0x1d2: {  	v6 =	vadd.f32 v59, v6;
	v2 =	vadd.f32 v61, v2;
	v61 =	vld [tilespmem:$0x1FFD0]  }
0x1d3: {  	v1 =	vadd.f32 v62, v1;
	v0 =	vadd.f32 v50, v0;
	v62 =	vld [tilespmem:$0x1FFE0]  }
0x1d4: {  	v6 =	vadd.f32 v63, v6;
	v2 =	vadd.f32 v51, v2;
	v59 =	vld [tilespmem:$0x1FFB0];
	[tilespmem:$0x1FFF0] =	vst v56  }
0x1d5: {  	v0 =	vadd.f32 v57, v0;
	v63 =	vld [tilespmem:$0x1FFF0]  }
0x1d6: {  	v6 =	vadd.f32 v55, v6;
	v2 =	vadd.f32 v58, v2;
	v56 =	vld [tilespmem:s31+$0x7B00]  }
0x1d7: {  	v50 =	vld [tilespmem:s31+$0x7E10];
	v1 =	vadd.f32 v54, v1;
	v0 =	vadd.f32 v61, v0  }
0x1d8: {  	v51 =	vld [tilespmem:s31+$0x7E20];
	v6 =	vadd.f32 v60, v6;
	v2 =	vadd.f32 v62, v2  }
0x1d9: {  	v55 =	vld [tilespmem:s31+$0x7EB0];
	v1 =	vadd.f32 v59, v1;
	v0 =	vadd.f32 v3, v0  }
0x1da: {  	v54 =	vld [tilespmem:s31+$0x7E30];
	v2 =	vadd.f32 v4, v2;
	v6 =	vadd.f32 v63, v6  }
0x1db: {  	v57 =	vld [tilespmem:s31+$0x7ED0];
	v0 =	vadd.f32 v17, v0;
	v1 =	vadd.f32 v56, v1  }
0x1dc: {  	v58 =	vld [tilespmem:s31+$0x7EE0];
	v2 =	vadd.f32 v20, v2;
	v5 =	vadd.f32 v5, v6  }
0x1dd: {  	v60 =	vld [tilespmem:s31+$0x7F00];
	v0 =	vadd.f32 v33, v0;
	v1 =	vadd.f32 v16, v1  }
0x1de: {  	v59 =	vld [tilespmem:s31+$0x7EF0];
	v2 =	vadd.f32 v36, v2;
	v5 =	vadd.f32 v21, v5  }
0x1df: {  	v61 =	vld [tilespmem:s31+$0x7F10];
	v0 =	vadd.f32 v49, v0;
	v1 =	vadd.f32 v32, v1  }
0x1e0: {  	v3 =	vld [tilespmem:s31+$0x7E40];
	v2 =	vadd.f32 v52, v2;
	v5 =	vadd.f32 v37, v5  }
0x1e1: {  	v17 =	vld [tilespmem:s31+$0x7E80];
	v0 =	vadd.f32 v8, v0;
	v1 =	vadd.f32 v48, v1  }
0x1e2: {  	v62 =	vld [tilespmem:s31+$0x7F20];
	v2 =	vadd.f32 v9, v2;
	v5 =	vadd.f32 v53, v5  }
0x1e3: {  	v33 =	vld [tilespmem:s31+$0x7F50];
	v0 =	vadd.f32 v12, v0;
	v1 =	vadd.f32 v7, v1  }
0x1e4: {  	v4 =	vld [tilespmem:s31+$0x7E50];
	v2 =	vadd.f32 v13, v2;
	v5 =	vadd.f32 v10, v5  }
0x1e5: {  	v49 =	vld [tilespmem:s31+$0x7EA0];
	v0 =	vadd.f32 v18, v0;
	v1 =	vadd.f32 v11, v1  }
0x1e6: {  	v56 =	vld [tilespmem:s31+$0x7EC0];
	v2 =	vadd.f32 v19, v2;
	v5 =	vadd.f32 v14, v5  }
0x1e7: {  	v63 =	vld [tilespmem:s31+$0x7F30];
	v0 =	vadd.f32 v24, v0;
	v1 =	vadd.f32 v15, v1  }
0x1e8: {  	v16 =	vld [tilespmem:s31+$0x7E70];
	v2 =	vadd.f32 v25, v2;
	v5 =	vadd.f32 v22, v5  }
0x1e9: {  	v36 =	vld [tilespmem:s31+$0x7F60];
	v0 =	vadd.f32 v28, v0;
	v1 =	vadd.f32 v23, v1  }
0x1ea: {  	v6 =	vld [tilespmem:s31+$0x7E60];
	v2 =	vadd.f32 v29, v2;
	v5 =	vadd.f32 v26, v5  }
0x1eb: {  	v32 =	vld [tilespmem:s31+$0x7F40];
	v0 =	vadd.f32 v34, v0;
	v1 =	vadd.f32 v27, v1  }
0x1ec: {  	v52 =	vld [tilespmem:s31+$0x8060];
	v2 =	vadd.f32 v35, v2;
	v5 =	vadd.f32 v30, v5  }
0x1ed: {  	v48 =	vld [tilespmem:s31+$0x7E90];
	v0 =	vadd.f32 v40, v0;
	v1 =	vadd.f32 v31, v1  }
0x1ee: {  	v37 =	vld [tilespmem:s31+$0x7F70];
	v2 =	vadd.f32 v41, v2;
	v5 =	vadd.f32 v38, v5  }
0x1ef: {  	v53 =	vld [tilespmem:s31+$0x8070];
	v0 =	vadd.f32 v44, v0;
	v1 =	vadd.f32 v39, v1  }
0x1f0: {  	v40 =	vld [tilespmem:s31+$0x7FA0];
	v2 =	vadd.f32 v45, v2;
	v5 =	vadd.f32 v42, v5  }
0x1f1: {  	v44 =	vld [tilespmem:s31+$0x7FE0];
	v0 =	vadd.f32 v50, v0;
	v1 =	vadd.f32 v43, v1  }
0x1f2: {  	v50 =	vld [tilespmem:s31+$0x8040];
	v2 =	vadd.f32 v51, v2;
	v5 =	vadd.f32 v46, v5  }
0x1f3: {  	v41 =	vld [tilespmem:s31+$0x7FB0];
	v0 =	vadd.f32 v4, v0;
	v1 =	vadd.f32 v47, v1  }
0x1f4: {  	v39 =	vld [tilespmem:s31+$0x7F90];
	v2 =	vadd.f32 v6, v2;
	v5 =	vadd.f32 v54, v5  }
0x1f5: {  	v45 =	vld [tilespmem:s31+$0x7FF0];
	v0 =	vadd.f32 v48, v0;
	v1 =	vadd.f32 v3, v1  }
0x1f6: {  	v38 =	vld [tilespmem:s31+$0x7F80];
	v2 =	vadd.f32 v49, v2;
	v5 =	vadd.f32 v16, v5  }
0x1f7: {  	v48 =	vld [tilespmem:s31+$0x8020];
	v0 =	vadd.f32 v57, v0;
	v1 =	vadd.f32 v17, v1  }
0x1f8: {  	v43 =	vld [tilespmem:s31+$0x7FD0];
	v2 =	vadd.f32 v58, v2;
	v5 =	vadd.f32 v55, v5  }
0x1f9: {  	v51 =	vld [tilespmem:s31+$0x8050];
	v0 =	vadd.f32 v61, v0;
	v1 =	vadd.f32 v56, v1  }
0x1fa: {  	v42 =	vld [tilespmem:s31+$0x7FC0];
	v2 =	vadd.f32 v62, v2;
	v5 =	vadd.f32 v59, v5  }
0x1fb: {  	v57 =	vld [tilespmem:s31+$0x80B0];
	v0 =	vadd.f32 v33, v0;
	v1 =	vadd.f32 v60, v1  }
0x1fc: {  	v47 =	vld [tilespmem:s31+$0x8010];
	v2 =	vadd.f32 v36, v2;
	v5 =	vadd.f32 v63, v5  }
0x1fd: {  	v46 =	vld [tilespmem:s31+$0x8000];
	v0 =	vadd.f32 v39, v0;
	v1 =	vadd.f32 v32, v1  }
0x1fe: {  	v49 =	vld [tilespmem:s31+$0x8030];
	v2 =	vadd.f32 v40, v2;
	v5 =	vadd.f32 v37, v5  }
0x1ff: {  	v54 =	vld [tilespmem:s31+$0x8080];
	v0 =	vadd.f32 v43, v0;
	v1 =	vadd.f32 v38, v1  }
0x200: {  	v55 =	vld [tilespmem:s31+$0x8090];
	v2 =	vadd.f32 v44, v2;
	v5 =	vadd.f32 v41, v5  }
0x201: {  	v56 =	vld [tilespmem:s31+$0x80A0];
	v0 =	vadd.f32 v47, v0;
	v1 =	vadd.f32 v42, v1  }
0x202: {  	v59 =	vld [tilespmem:s31+$0x80D0];
	v2 =	vadd.f32 v48, v2;
	v5 =	vadd.f32 v45, v5  }
0x203: {  	v60 =	vld [tilespmem:s31+$0x80E0];
	v0 =	vadd.f32 v51, v0;
	v1 =	vadd.f32 v46, v1  }
0x204: {  	v58 =	vld [tilespmem:s31+$0x80C0];
	v2 =	vadd.f32 v52, v2;
	v5 =	vadd.f32 v49, v5  }
0x205: {  	v61 =	vld [tilespmem:s31+$0x80F0];
	v0 =	vadd.f32 v55, v0;
	v1 =	vadd.f32 v50, v1  }
0x206: {  	s19 =	sadd.s32 $0x1, s19;
	v2 =	vadd.f32 v56, v2;
	v5 =	vadd.f32 v53, v5  }
0x207: {  	p0 =	sne.s32 s19, $0x100;
	v0 =	vadd.f32 v59, v0;
	v1 =	vadd.f32 v54, v1  }
.Ltmp0:
0x208: {  	v2 =	vadd.f32 v60, v2;
	v62 =	vadd.f32 v57, v5;
	(pc) =	sbr.rel @p0 .LBB2_2-.Ltmp0, $4  }
0x209: {  	[tilespmem:s18+$0x10] =	vst v0;
	v1 =	vadd.f32 v58, v1  }
0x20a: {  	[tilespmem:s18+$0x20] =	vst v2;
	v63 =	vadd.f32 v61, v62  }
0x20b: {  	[tilespmem:s18+$0x0] =	vst v1  }
0x20c: {  	s17 =	sadd.s32 $0x68, s17;
	[tilespmem:s18+$0x30] =	vst v63;
	s18 =	sadd.s32 $0x80, s18  }
0x20d: {  	s16 =	sadd.s32 $0x1, s16  }
0x20e: {  	p0 =	sne.s32 s16, s6  }
.Ltmp1:
0x20f: {  	_ = 	snop;
	(pc) =	sbr.rel @p0 .LBB2_1-.Ltmp1, $4  }
0x210: {  	[hbm4b:s5+s2] =	stream.linear.scatter [tilespmem:s15], [sflag:$0x2], $0x8000, $0x38;
	[tilespmem:$0x14C00] =	vst v63  }
0x211: {  	_ =	swait.ge [sflag:s7], $0x8000  }
0x212: {  	[sflag:s7] =	ssyncset.done $0x0  }
0x213: {  	[sflag:s7] =	ssyncadd.s32 $0xFFFF8000  }
0x214: {  	_ =	sfence.sel $0x180000  }
0x215: {  	[bflag:$0x0] =	sbarrier.arrive $0xFFFF  }
0x216: {  	p0 =	sne.s32 s1, $0x0;
	_ =	strace $0x90000047  }
0x217: {  	s0 =	sadd.s32 @!p0 $0x100000, s0;
	[bflag:$0x2] =	sbarrier.arrive $0xFFFF  }
0x218: {  	[sflag:s0] =	ssyncadd.tile.s32 @!p0 $0x1;
	_ =	shalt  }
.Lfunc_end2:
_tile_overlayer_lowered:
.L_overlay_start_2:
0x219: {  	(tag) =	ssettag $0x2  }
0x21a: {  	s0 =	rddreg [dreg:$0x0];
	s2 =	stileid.u32  }
0x21b: {  	s1 =	rddreg [dreg:$0x1];
	p0 =	sne.s32 s2, $0x0  }
0x21c: {  	s3 =	rddreg [dreg:$0x2];
	[bflag:$0x3] =	sbarrier.arrive $0xFFFF;
	s2 =	simm.s32 @!p0 $0x1C02  }
0x21d: {  	[timem:s3], [sflag:s2] =	dma.local @!p0 [hbm:s0], s1  }
0x21e: {  	s0 =	simm.s32 @!p0 $0x2  }
0x21f: {  	_ =	swait.ge @!p0 [sflag:s0], s1  }
0x220: {  	s1 =	ssub.s32 @!p0 $0x0, s1;
	[sflag:s0] =	ssyncset.done @!p0 $0x0  }
0x221: {  	[sflag:s0] =	ssyncadd.s32 @!p0 s1  }
0x222: {  	[bflag:$0x3] =	sbarrier.arrive $0xFFFF  }
0x223: {  	_ =	shalt  }

</sc_bundles>
